<compile_context>
chip_gen: v7x
topology: tpu7x:2x2x1
jax: 0.10.2.dev20260603
libtpu: 0.0.44.dev20260713+nightly
codegen_flags: <defaults>
</compile_context>

<pallas_src>
import jax
import jax.numpy as jnp
from jax import lax
from jax.experimental import pallas as pl
from jax.experimental.pallas import tpu as pltpu
from jax.experimental.pallas import tpu_sc as plsc

N_NODES = 10000
D = 128
E = 320000

NC = 2
NS = 16
NW = NC * NS
K = 128
NCHTOT = E // K
NCHUNK = NCHTOT // NW
NXTRA = NCHTOT - NCHUNK * NW
CP = 80
NBLK = N_NODES // CP


def _relu_linear_body(x_ref, w_ref, b_ref, o_ref):
    acc = lax.dot_general(x_ref[...], w_ref[...], (((1,), (1,)), ((), ())),
                          preferred_element_type=jnp.float32)
    o_ref[...] = jnp.maximum(acc + b_ref[...], 0.0)


def _relu_linear(x, w1t, b1):
    nb = 5
    rb = N_NODES // nb
    return pl.pallas_call(
        _relu_linear_body,
        grid=(nb,),
        in_specs=[
            pl.BlockSpec((rb, D), lambda i: (i, 0)),
            pl.BlockSpec((D, D), lambda i: (0, 0)),
            pl.BlockSpec((1, D), lambda i: (0, 0)),
        ],
        out_specs=pl.BlockSpec((rb, D), lambda i: (i, 0)),
        out_shape=jax.ShapeDtypeStruct((N_NODES, D), jnp.float32),
    )(x, w1t, b1)


def _combine_body(p_ref, w_ref, b_ref, o_ref):
    s = p_ref[0] + p_ref[1]
    acc = lax.dot_general(s, w_ref[...], (((1,), (1,)), ((), ())),
                          preferred_element_type=jnp.float32)
    o_ref[...] = acc + b_ref[...]


def _combine(partials, w2t, b2):
    nb = 5
    rb = N_NODES // nb
    return pl.pallas_call(
        _combine_body,
        grid=(nb,),
        in_specs=[
            pl.BlockSpec((NC, rb, D), lambda i: (0, i, 0)),
            pl.BlockSpec((D, D), lambda i: (0, 0)),
            pl.BlockSpec((1, D), lambda i: (0, 0)),
        ],
        out_specs=pl.BlockSpec((rb, D), lambda i: (i, 0)),
        out_shape=jax.ShapeDtypeStruct((N_NODES, D), jnp.float32),
    )(partials, w2t, b2)


def _scatter_body(h_hbm, ei_hbm, out_hbm, acc_sh,
                  ei_v0, ei_v1, ei_v2, ei_v3, ei_vx,
                  rows_v, stage_v,
                  isem0, isem1, isem2, isem3, gsem0, gsem1, ssem0, ssem1,
                  zsem):
    ei_v = [ei_v0, ei_v1, ei_v2, ei_v3]
    isem = [isem0, isem1, isem2, isem3]
    gsem = [gsem0, gsem1]
    ssem = [ssem0, ssem1]
    cid = lax.axis_index("c")
    sid = lax.axis_index("s")
    wid = sid * NC + cid

    def _start_idx(ci, q):
        off = (wid + NW * ci) * K
        pltpu.async_copy(ei_hbm.at[:, pl.ds(off, K)], ei_v[q], isem[q])

    def _wait_idx(q):
        pltpu.make_async_copy(ei_hbm.at[:, pl.ds(0, K)], ei_v[q],
                              isem[q]).wait()

    KH = K // 2

    def _start_gather(b, q):
        src = ei_v[q].at[0]
        pltpu.async_copy(h_hbm.at[src.at[pl.ds(0, KH)]],
                         rows_v.at[b, pl.ds(0, KH)], gsem[b])
        pltpu.async_copy(h_hbm.at[src.at[pl.ds(KH, KH)]],
                         rows_v.at[b, pl.ds(KH, KH)], gsem[b])

    def _wait_gather(b):
        pltpu.make_async_copy(h_hbm.at[pl.ds(0, KH)],
                              rows_v.at[b, pl.ds(0, KH)], gsem[b]).wait()
        pltpu.make_async_copy(h_hbm.at[pl.ds(0, KH)],
                              rows_v.at[b, pl.ds(KH, KH)], gsem[b]).wait()

    def _start_scatter(b, q):
        pltpu.async_copy(rows_v.at[b], acc_sh.at[ei_v[q].at[1]], ssem[b],
                         add=True)

    def _wait_scatter(b):
        pltpu.make_async_copy(rows_v.at[b], acc_sh.at[ei_v0.at[1]],
                              ssem[b]).wait()

    _start_idx(0, 0)
    _start_idx(1, 1)
    _start_idx(2, 2)

    def _zero_row(i, _):
        for c in range(D // 16):
            stage_v[i, pl.ds(c * 16, 16)] = jnp.zeros((16,), jnp.float32)
        return 0
    lax.fori_loop(0, CP, _zero_row, 0)
    _wait_idx(0)
    _start_gather(0, 0)
    JB = (NBLK + NS - 1) // NS
    for j in range(JB):
        blk = j * NS + sid
        @pl.when(blk < NBLK)
        def _():
            pltpu.async_copy(stage_v, acc_sh.at[pl.ds(blk * CP, CP)], zsem)
    for j in range(JB):
        blk = j * NS + sid
        @pl.when(blk < NBLK)
        def _():
            pltpu.make_async_copy(stage_v, acc_sh.at[pl.ds(blk * CP, CP)],
                                  zsem).wait()
    plsc.subcore_barrier()

    @pl.when(wid < NXTRA)
    def _():
        off = (NCHUNK * NW + wid) * K
        pltpu.sync_copy(ei_hbm.at[:, pl.ds(off, K)], ei_vx)
        srcx = ei_vx.at[0]
        pltpu.async_copy(h_hbm.at[srcx.at[pl.ds(0, KH)]],
                         rows_v.at[1, pl.ds(0, KH)], gsem[1])
        pltpu.async_copy(h_hbm.at[srcx.at[pl.ds(KH, KH)]],
                         rows_v.at[1, pl.ds(KH, KH)], gsem[1])
        pltpu.make_async_copy(h_hbm.at[pl.ds(0, KH)],
                              rows_v.at[1, pl.ds(0, KH)], gsem[1]).wait()
        pltpu.make_async_copy(h_hbm.at[pl.ds(0, KH)],
                              rows_v.at[1, pl.ds(KH, KH)], gsem[1]).wait()
        pltpu.sync_copy(rows_v.at[1], acc_sh.at[ei_vx.at[1]], add=True)

    def _quad(Q, _):
        for u in range(4):
            ci = Q * 4 + u
            b, nxt, q = u % 2, 1 - u % 2, u
            _wait_gather(b)
            _start_scatter(b, q)
            _wait_idx((q + 1) % 4)
            if u == 0:
                @pl.when(Q >= 1)
                def _():
                    _wait_scatter(nxt)
            else:
                _wait_scatter(nxt)
            _start_gather(nxt, (q + 1) % 4)

            @pl.when(ci + 3 < NCHUNK)
            def _():
                _start_idx(ci + 3, (q + 3) % 4)
        return 0
    lax.fori_loop(0, (NCHUNK - 2) // 4, _quad, 0)

    _wait_gather(0)
    _start_scatter(0, (NCHUNK - 2) % 4)
    _wait_idx((NCHUNK - 1) % 4)
    _wait_scatter(1)
    _start_gather(1, (NCHUNK - 1) % 4)
    _wait_gather(1)
    _start_scatter(1, (NCHUNK - 1) % 4)
    _wait_scatter(0)
    _wait_scatter(1)
    plsc.subcore_barrier()

    for j in range(JB + 2):
        if j >= 2:
            blkw = (j - 2) * NS + sid
            @pl.when(blkw < NBLK)
            def _():
                pltpu.make_async_copy(
                    rows_v.at[j % 2, pl.ds(0, CP)],
                    out_hbm.at[cid, pl.ds(blkw * CP, CP)],
                    gsem[j % 2]).wait()
        if j < JB:
            blk = j * NS + sid
            @pl.when(blk < NBLK)
            def _():
                r0 = blk * CP
                pltpu.sync_copy(acc_sh.at[pl.ds(r0, CP)],
                                rows_v.at[j % 2, pl.ds(0, CP)])
                pltpu.async_copy(rows_v.at[j % 2, pl.ds(0, CP)],
                                 out_hbm.at[cid, pl.ds(r0, CP)],
                                 gsem[j % 2])


def _edge_scatter(h, ei):
    mesh = plsc.VectorSubcoreMesh(core_axis_name="c", subcore_axis_name="s")
    kern = pl.kernel(
        _scatter_body,
        out_type=jax.ShapeDtypeStruct((NC, N_NODES, D), jnp.float32),
        mesh=mesh,
        scratch_types=[
            pltpu.VMEM_SHARED((N_NODES, D), jnp.float32),
            pltpu.VMEM((2, K), jnp.int32),
            pltpu.VMEM((2, K), jnp.int32),
            pltpu.VMEM((2, K), jnp.int32),
            pltpu.VMEM((2, K), jnp.int32),
            pltpu.VMEM((2, K), jnp.int32),
            pltpu.VMEM((2, K, D), jnp.float32),
            pltpu.VMEM((CP, D), jnp.float32),
        ] + [pltpu.SemaphoreType.DMA] * 9,
    )
    return kern(h, ei)


def kernel(node_feats, edge_index, W1, b1, W2, b2):
    b1r = b1.reshape(1, D)
    b2r = b2.reshape(1, D)
    h = _relu_linear(node_feats, W1, b1r)
    partials = _edge_scatter(h, edge_index)
    return _combine(partials, W2, b2r)

# --- scband reference (transcript-rebuilt; emitter-appended) ---
"""Pipeline reference for scband-mplayer-52183852646784 (READ-ONLY COPY).

The authoritative reference and input builder live on the scoring server;
editing this copy changes nothing except your own understanding.
"""

import jax, jax.numpy as jnp
import numpy as np

N_NODES = 10000
N_EDGES = 320000
D_IN = 128
D_OUT = 128


def setup_inputs(seed: int = 0) -> dict:
    key = jax.random.key(seed)
    k1, k2, k3, k4, k5, k6 = jax.random.split(key, 6)
    node_feats = jax.random.normal(k1, (N_NODES, D_IN), dtype=jnp.float32)
    edge_index = jax.random.randint(k2, (2, N_EDGES), 0, N_NODES)
    # Learned parameters (torch nn.Linear layout: W [out, in], b [out])
    bound1 = 1.0 / np.sqrt(D_IN)
    W1 = jax.random.uniform(k3, (D_OUT, D_IN), jnp.float32, -bound1, bound1)
    b1 = jax.random.uniform(k4, (D_OUT,), jnp.float32, -bound1, bound1)
    bound2 = 1.0 / np.sqrt(D_OUT)
    W2 = jax.random.uniform(k5, (D_OUT, D_OUT), jnp.float32, -bound2, bound2)
    b2 = jax.random.uniform(k6, (D_OUT,), jnp.float32, -bound2, bound2)
    return {"node_feats": node_feats, "edge_index": edge_index,
            "W1": W1, "b1": b1, "W2": W2, "b2": b2}


def reference(node_feats, edge_index, W1, b1, W2, b2):
    # message: relu(f1(x_src)) computed per-edge (gather src features, then linear)
    src = edge_index[0]
    dst = edge_index[1]
    src_feats = jnp.take(node_feats, src, axis=0)          # gather [E, D_IN]
    msg = jax.nn.relu(src_feats @ W1.T + b1)                # [E, D_OUT]
    # reduce: sum messages into each dst node's mailbox (scatter-add)
    agg = jax.ops.segment_sum(msg, dst, num_segments=node_feats.shape[0])  # [N, D_OUT]
    # final node transform f2
    return agg @ W2.T + b2

if __name__ == "__main__":
    import jax
    _d = setup_inputs()
    print(jax.jit(kernel)(*tuple(_d.values())))

</pallas_src>

<mosaic_0001>
#map = affine_map<(d0, d1) -> (0, 0)>
#map1 = affine_map<(d0, d1) -> (0, 0, 0)>
module attributes {stable_mosaic.version = 14 : i64} {
  func.func @_scatter_body(%arg0: i32, %arg1: i32, %arg2: memref<10000x128xf32, #tpu.memory_space<hbm>>, %arg3: memref<2x320000xi32, #tpu.memory_space<hbm>>, %arg4: memref<2x10000x128xf32, #tpu.memory_space<hbm>>, %arg5: memref<10000x128xf32, #tpu.memory_space<vmem_shared>>, %arg6: memref<2x128xi32, #tpu.memory_space<vmem>>, %arg7: memref<2x128xi32, #tpu.memory_space<vmem>>, %arg8: memref<2x128xi32, #tpu.memory_space<vmem>>, %arg9: memref<2x128xi32, #tpu.memory_space<vmem>>, %arg10: memref<2x128xi32, #tpu.memory_space<vmem>>, %arg11: memref<2x128x128xf32, #tpu.memory_space<vmem>>, %arg12: memref<80x128xf32, #tpu.memory_space<vmem>>, %arg13: memref<!tpu.dma_semaphore, #tpu.memory_space<semaphore_mem>>, %arg14: memref<!tpu.dma_semaphore, #tpu.memory_space<semaphore_mem>>, %arg15: memref<!tpu.dma_semaphore, #tpu.memory_space<semaphore_mem>>, %arg16: memref<!tpu.dma_semaphore, #tpu.memory_space<semaphore_mem>>, %arg17: memref<!tpu.dma_semaphore, #tpu.memory_space<semaphore_mem>>, %arg18: memref<!tpu.dma_semaphore, #tpu.memory_space<semaphore_mem>>, %arg19: memref<!tpu.dma_semaphore, #tpu.memory_space<semaphore_mem>>, %arg20: memref<!tpu.dma_semaphore, #tpu.memory_space<semaphore_mem>>, %arg21: memref<!tpu.dma_semaphore, #tpu.memory_space<semaphore_mem>>) attributes {dimension_semantics = [#tpu.dimension_semantics<core_parallel>, #tpu.dimension_semantics<subcore_parallel>], iteration_bounds = array<i64: 2, 16>, scalar_prefetch = 0 : i64, scratch_operands = 17 : i64, tpu.core_type = #tpu.core_type<sc_vector_subcore>, window_params = [{transform_indices = #map}, {transform_indices = #map}, {transform_indices = #map1}]} {
    %mul3A = arith.constant 2 : i32
    %mul3A_0 = arith.muli %arg1, %mul3A : i32
    %add3A = arith.addi %mul3A_0, %arg0 : i32
    %add3A_1 = arith.constant 0 : i32
    %add3A_2 = arith.addi %add3A, %add3A_1 : i32
    %mul3A_3 = arith.constant 128 : i32
    %mul3A_4 = arith.muli %add3A_2, %mul3A_3 : i32
    %dma_start3A = arith.constant 0 : i32
    %dma_start3A_5 = tpu.memref_slice %arg3[%dma_start3A, %mul3A_4] : memref<2x320000xi32, #tpu.memory_space<hbm>> -> memref<2x128xi32, #tpu.memory_space<hbm>>
    %dma_start3A_6 = arith.constant 0 : i32
    %dma_start3A_7 = tpu.memref_slice %arg3[%dma_start3A_6, %mul3A_4] : memref<2x320000xi32, #tpu.memory_space<hbm>> -> memref<2x128xi32, #tpu.memory_space<hbm>>
    tpu.enqueue_dma source(%dma_start3A_7 : memref<2x128xi32, #tpu.memory_space<hbm>>) target(%arg6 : memref<2x128xi32, #tpu.memory_space<vmem>>) target_semaphore(%arg13 : memref<!tpu.dma_semaphore, #tpu.memory_space<semaphore_mem>>)
    %add3A_8 = arith.constant 32 : i32
    %add3A_9 = arith.addi %add3A, %add3A_8 : i32
    %mul3A_10 = arith.constant 128 : i32
    %mul3A_11 = arith.muli %add3A_9, %mul3A_10 : i32
    %dma_start3A_12 = arith.constant 0 : i32
    %dma_start3A_13 = tpu.memref_slice %arg3[%dma_start3A_12, %mul3A_11] : memref<2x320000xi32, #tpu.memory_space<hbm>> -> memref<2x128xi32, #tpu.memory_space<hbm>>
    %dma_start3A_14 = arith.constant 0 : i32
    %dma_start3A_15 = tpu.memref_slice %arg3[%dma_start3A_14, %mul3A_11] : memref<2x320000xi32, #tpu.memory_space<hbm>> -> memref<2x128xi32, #tpu.memory_space<hbm>>
    tpu.enqueue_dma source(%dma_start3A_15 : memref<2x128xi32, #tpu.memory_space<hbm>>) target(%arg7 : memref<2x128xi32, #tpu.memory_space<vmem>>) target_semaphore(%arg14 : memref<!tpu.dma_semaphore, #tpu.memory_space<semaphore_mem>>)
    %add3A_16 = arith.constant 64 : i32
    %add3A_17 = arith.addi %add3A, %add3A_16 : i32
    %mul3A_18 = arith.constant 128 : i32
    %mul3A_19 = arith.muli %add3A_17, %mul3A_18 : i32
    %dma_start3A_20 = arith.constant 0 : i32
    %dma_start3A_21 = tpu.memref_slice %arg3[%dma_start3A_20, %mul3A_19] : memref<2x320000xi32, #tpu.memory_space<hbm>> -> memref<2x128xi32, #tpu.memory_space<hbm>>
    %dma_start3A_22 = arith.constant 0 : i32
    %dma_start3A_23 = tpu.memref_slice %arg3[%dma_start3A_22, %mul3A_19] : memref<2x320000xi32, #tpu.memory_space<hbm>> -> memref<2x128xi32, #tpu.memory_space<hbm>>
    tpu.enqueue_dma source(%dma_start3A_23 : memref<2x128xi32, #tpu.memory_space<hbm>>) target(%arg8 : memref<2x128xi32, #tpu.memory_space<vmem>>) target_semaphore(%arg15 : memref<!tpu.dma_semaphore, #tpu.memory_space<semaphore_mem>>)
    %scan3A = arith.constant 0 : i32
    %scan3A_24 = arith.constant 0 : i32
    %scan3A_25 = arith.constant 80 : i32
    %scan3A_26 = arith.addi %scan3A_24, %scan3A_25 : i32
    %scan3A_27 = arith.constant 1 : i32
    %scan3A_28 = scf.for %scan3A_451 = %scan3A_24 to %scan3A_26 step %scan3A_27 iter_args(%scan3A_452 = %scan3A) -> (i32)  : i32 {
      %broadcast_in_dim3A = arith.constant 0.000000e+00 : f32
      %broadcast_in_dim3A_453 = vector.broadcast %broadcast_in_dim3A : f32 to vector<16xf32>
      %swap3A = arith.index_cast %scan3A_451 : i32 to index
      %swap3A_454 = arith.constant 0 : index
      %swap3A_455 = tpu.vector_load %arg12[%swap3A, %swap3A_454] {strides = array<i32>} : memref<80x128xf32, #tpu.memory_space<vmem>>, vector<1x16xf32>,
      %swap3A_456 = vector.shape_cast %swap3A_455 : vector<1x16xf32> to vector<16xf32>
      %swap3A_457 = vector.shape_cast %broadcast_in_dim3A_453 : vector<16xf32> to vector<1x16xf32>
      tpu.vector_store %arg12[%swap3A, %swap3A_454], %swap3A_457 {strides = array<i32>} : memref<80x128xf32, #tpu.memory_space<vmem>>, vector<1x16xf32>,
      %broadcast_in_dim3A_458 = arith.constant 0.000000e+00 : f32
      %broadcast_in_dim3A_459 = vector.broadcast %broadcast_in_dim3A_458 : f32 to vector<16xf32>
      %swap3A_460 = arith.index_cast %scan3A_451 : i32 to index
      %swap3A_461 = arith.constant 16 : index
      %swap3A_462 = tpu.vector_load %arg12[%swap3A_460, %swap3A_461] {strides = array<i32>} : memref<80x128xf32, #tpu.memory_space<vmem>>, vector<1x16xf32>,
      %swap3A_463 = vector.shape_cast %swap3A_462 : vector<1x16xf32> to vector<16xf32>
      %swap3A_464 = vector.shape_cast %broadcast_in_dim3A_459 : vector<16xf32> to vector<1x16xf32>
      tpu.vector_store %arg12[%swap3A_460, %swap3A_461], %swap3A_464 {strides = array<i32>} : memref<80x128xf32, #tpu.memory_space<vmem>>, vector<1x16xf32>,
      %broadcast_in_dim3A_465 = arith.constant 0.000000e+00 : f32
      %broadcast_in_dim3A_466 = vector.broadcast %broadcast_in_dim3A_465 : f32 to vector<16xf32>
      %swap3A_467 = arith.index_cast %scan3A_451 : i32 to index
      %swap3A_468 = arith.constant 32 : index
      %swap3A_469 = tpu.vector_load %arg12[%swap3A_467, %swap3A_468] {strides = array<i32>} : memref<80x128xf32, #tpu.memory_space<vmem>>, vector<1x16xf32>,
      %swap3A_470 = vector.shape_cast %swap3A_469 : vector<1x16xf32> to vector<16xf32>
      %swap3A_471 = vector.shape_cast %broadcast_in_dim3A_466 : vector<16xf32> to vector<1x16xf32>
      tpu.vector_store %arg12[%swap3A_467, %swap3A_468], %swap3A_471 {strides = array<i32>} : memref<80x128xf32, #tpu.memory_space<vmem>>, vector<1x16xf32>,
      %broadcast_in_dim3A_472 = arith.constant 0.000000e+00 : f32
      %broadcast_in_dim3A_473 = vector.broadcast %broadcast_in_dim3A_472 : f32 to vector<16xf32>
      %swap3A_474 = arith.index_cast %scan3A_451 : i32 to index
      %swap3A_475 = arith.constant 48 : index
      %swap3A_476 = tpu.vector_load %arg12[%swap3A_474, %swap3A_475] {strides = array<i32>} : memref<80x128xf32, #tpu.memory_space<vmem>>, vector<1x16xf32>,
      %swap3A_477 = vector.shape_cast %swap3A_476 : vector<1x16xf32> to vector<16xf32>
      %swap3A_478 = vector.shape_cast %broadcast_in_dim3A_473 : vector<16xf32> to vector<1x16xf32>
      tpu.vector_store %arg12[%swap3A_474, %swap3A_475], %swap3A_478 {strides = array<i32>} : memref<80x128xf32, #tpu.memory_space<vmem>>, vector<1x16xf32>,
      %broadcast_in_dim3A_479 = arith.constant 0.000000e+00 : f32
      %broadcast_in_dim3A_480 = vector.broadcast %broadcast_in_dim3A_479 : f32 to vector<16xf32>
      %swap3A_481 = arith.index_cast %scan3A_451 : i32 to index
      %swap3A_482 = arith.constant 64 : index
      %swap3A_483 = tpu.vector_load %arg12[%swap3A_481, %swap3A_482] {strides = array<i32>} : memref<80x128xf32, #tpu.memory_space<vmem>>, vector<1x16xf32>,
      %swap3A_484 = vector.shape_cast %swap3A_483 : vector<1x16xf32> to vector<16xf32>
      %swap3A_485 = vector.shape_cast %broadcast_in_dim3A_480 : vector<16xf32> to vector<1x16xf32>
      tpu.vector_store %arg12[%swap3A_481, %swap3A_482], %swap3A_485 {strides = array<i32>} : memref<80x128xf32, #tpu.memory_space<vmem>>, vector<1x16xf32>,
      %broadcast_in_dim3A_486 = arith.constant 0.000000e+00 : f32
      %broadcast_in_dim3A_487 = vector.broadcast %broadcast_in_dim3A_486 : f32 to vector<16xf32>
      %swap3A_488 = arith.index_cast %scan3A_451 : i32 to index
      %swap3A_489 = arith.constant 80 : index
      %swap3A_490 = tpu.vector_load %arg12[%swap3A_488, %swap3A_489] {strides = array<i32>} : memref<80x128xf32, #tpu.memory_space<vmem>>, vector<1x16xf32>,
      %swap3A_491 = vector.shape_cast %swap3A_490 : vector<1x16xf32> to vector<16xf32>
      %swap3A_492 = vector.shape_cast %broadcast_in_dim3A_487 : vector<16xf32> to vector<1x16xf32>
      tpu.vector_store %arg12[%swap3A_488, %swap3A_489], %swap3A_492 {strides = array<i32>} : memref<80x128xf32, #tpu.memory_space<vmem>>, vector<1x16xf32>,
      %broadcast_in_dim3A_493 = arith.constant 0.000000e+00 : f32
      %broadcast_in_dim3A_494 = vector.broadcast %broadcast_in_dim3A_493 : f32 to vector<16xf32>
      %swap3A_495 = arith.index_cast %scan3A_451 : i32 to index
      %swap3A_496 = arith.constant 96 : index
      %swap3A_497 = tpu.vector_load %arg12[%swap3A_495, %swap3A_496] {strides = array<i32>} : memref<80x128xf32, #tpu.memory_space<vmem>>, vector<1x16xf32>,
      %swap3A_498 = vector.shape_cast %swap3A_497 : vector<1x16xf32> to vector<16xf32>
      %swap3A_499 = vector.shape_cast %broadcast_in_dim3A_494 : vector<16xf32> to vector<1x16xf32>
      tpu.vector_store %arg12[%swap3A_495, %swap3A_496], %swap3A_499 {strides = array<i32>} : memref<80x128xf32, #tpu.memory_space<vmem>>, vector<1x16xf32>,
      %broadcast_in_dim3A_500 = arith.constant 0.000000e+00 : f32
      %broadcast_in_dim3A_501 = vector.broadcast %broadcast_in_dim3A_500 : f32 to vector<16xf32>
      %swap3A_502 = arith.index_cast %scan3A_451 : i32 to index
      %swap3A_503 = arith.constant 112 : index
      %swap3A_504 = tpu.vector_load %arg12[%swap3A_502, %swap3A_503] {strides = array<i32>} : memref<80x128xf32, #tpu.memory_space<vmem>>, vector<1x16xf32>,
      %swap3A_505 = vector.shape_cast %swap3A_504 : vector<1x16xf32> to vector<16xf32>
      %swap3A_506 = vector.shape_cast %broadcast_in_dim3A_501 : vector<16xf32> to vector<1x16xf32>
      tpu.vector_store %arg12[%swap3A_502, %swap3A_503], %swap3A_506 {strides = array<i32>} : memref<80x128xf32, #tpu.memory_space<vmem>>, vector<1x16xf32>,
      %scan3A_507 = arith.constant 0 : i32
      scf.yield %scan3A_507 : i32
    }
    %scan3A_29 = arith.constant 80 : i32
    %dma_wait3A = arith.constant 0 : i32
    %dma_wait3A_30 = arith.constant 0 : i32
    %dma_wait3A_31 = tpu.memref_slice %arg3[%dma_wait3A, %dma_wait3A_30] : memref<2x320000xi32, #tpu.memory_space<hbm>> -> memref<2x128xi32, #tpu.memory_space<hbm>>
    %dma_wait3A_32 = arith.constant 0 : i32
    %dma_wait3A_33 = arith.constant 0 : i32
    %dma_wait3A_34 = tpu.memref_slice %arg3[%dma_wait3A_32, %dma_wait3A_33] : memref<2x320000xi32, #tpu.memory_space<hbm>> -> memref<2x128xi32, #tpu.memory_space<hbm>>
    tpu.wait_dma2 semaphore(%arg13 : memref<!tpu.dma_semaphore, #tpu.memory_space<semaphore_mem>>) src(%dma_wait3A_34 : memref<2x128xi32, #tpu.memory_space<hbm>>) dst(%arg6 : memref<2x128xi32, #tpu.memory_space<vmem>>)
    %dma_start3A_35 = arith.constant 0 : i32
    %dma_start3A_36 = arith.constant 0 : i32
    %dma_start3A_37 = arith.constant 0 : i32
    %dma_start3A_38 = arith.constant 0 : i32
    %dma_start3A_39 = tpu.memref_slice %arg11[%dma_start3A_36, %dma_start3A_37, %dma_start3A_38] : memref<2x128x128xf32, #tpu.memory_space<vmem>> -> memref<1x64x128xf32, #tpu.memory_space<vmem>>
    %dma_start3A_40 = tpu.memref_squeeze %dma_start3A_39 : memref<1x64x128xf32, #tpu.memory_space<vmem>> -> memref<64x128xf32, #tpu.memory_space<vmem>>
    %dma_start3A_41 = arith.constant 0 : i32
    %dma_start3A_42 = tpu.memref_slice %arg6[%dma_start3A_35, %dma_start3A_41] : memref<2x128xi32, #tpu.memory_space<vmem>> -> memref<1x128xi32, #tpu.memory_space<vmem>>
    %dma_start3A_43 = tpu.memref_squeeze %dma_start3A_42 : memref<1x128xi32, #tpu.memory_space<vmem>> -> memref<128xi32, #tpu.memory_space<vmem>>
    %dma_start3A_44 = arith.constant 0 : i32
    %dma_start3A_45 = tpu.memref_slice %dma_start3A_43[%dma_start3A_44] : memref<128xi32, #tpu.memory_space<vmem>> -> memref<64xi32, #tpu.memory_space<vmem>>
    %dma_start3A_46 = arith.constant 0 : i32
    %dma_start3A_47 = arith.constant 0 : i32
    %dma_start3A_48 = tpu.memref_slice %arg2[%dma_start3A_46, %dma_start3A_47] : memref<10000x128xf32, #tpu.memory_space<hbm>> -> memref<10000x128xf32, #tpu.memory_space<hbm>>
    tpu.enqueue_indirect_dma source(%dma_start3A_48 : memref<10000x128xf32, #tpu.memory_space<hbm>>) target(%dma_start3A_40 : memref<64x128xf32, #tpu.memory_space<vmem>>) offsets(%dma_start3A_45 : memref<64xi32, #tpu.memory_space<vmem>>) semaphore(%arg17 : memref<!tpu.dma_semaphore, #tpu.memory_space<semaphore_mem>>)
    %dma_start3A_49 = arith.constant 0 : i32
    %dma_start3A_50 = arith.constant 0 : i32
    %dma_start3A_51 = arith.constant 64 : i32
    %dma_start3A_52 = arith.constant 0 : i32
    %dma_start3A_53 = tpu.memref_slice %arg11[%dma_start3A_50, %dma_start3A_51, %dma_start3A_52] : memref<2x128x128xf32, #tpu.memory_space<vmem>> -> memref<1x64x128xf32, #tpu.memory_space<vmem>>
    %dma_start3A_54 = tpu.memref_squeeze %dma_start3A_53 : memref<1x64x128xf32, #tpu.memory_space<vmem>> -> memref<64x128xf32, #tpu.memory_space<vmem>>
    %dma_start3A_55 = arith.constant 0 : i32
    %dma_start3A_56 = tpu.memref_slice %arg6[%dma_start3A_49, %dma_start3A_55] : memref<2x128xi32, #tpu.memory_space<vmem>> -> memref<1x128xi32, #tpu.memory_space<vmem>>
    %dma_start3A_57 = tpu.memref_squeeze %dma_start3A_56 : memref<1x128xi32, #tpu.memory_space<vmem>> -> memref<128xi32, #tpu.memory_space<vmem>>
    %dma_start3A_58 = arith.constant 64 : i32
    %dma_start3A_59 = tpu.memref_slice %dma_start3A_57[%dma_start3A_58] : memref<128xi32, #tpu.memory_space<vmem>> -> memref<64xi32, #tpu.memory_space<vmem>>
    %dma_start3A_60 = arith.constant 0 : i32
    %dma_start3A_61 = arith.constant 0 : i32
    %dma_start3A_62 = tpu.memref_slice %arg2[%dma_start3A_60, %dma_start3A_61] : memref<10000x128xf32, #tpu.memory_space<hbm>> -> memref<10000x128xf32, #tpu.memory_space<hbm>>
    tpu.enqueue_indirect_dma source(%dma_start3A_62 : memref<10000x128xf32, #tpu.memory_space<hbm>>) target(%dma_start3A_54 : memref<64x128xf32, #tpu.memory_space<vmem>>) offsets(%dma_start3A_59 : memref<64xi32, #tpu.memory_space<vmem>>) semaphore(%arg17 : memref<!tpu.dma_semaphore, #tpu.memory_space<semaphore_mem>>)
    %add3A_63 = arith.constant 0 : i32
    %add3A_64 = arith.addi %add3A_63, %arg1 : i32
    %lt3A = arith.constant 125 : i32
    %lt3A_65 = arith.cmpi slt, %add3A_64, %lt3A : i32
    %convert_element_type3A = arith.extui %lt3A_65 : i1 to i32
    %cond3A = arith.constant 0 : i32
    %cond3A_66 = arith.cmpi ne, %convert_element_type3A, %cond3A : i32
    scf.if %cond3A_66 {
      %mul3A_451 = arith.constant 80 : i32
      %mul3A_452 = arith.muli %add3A_64, %mul3A_451 : i32
      %dma_start3A_453 = arith.constant 0 : i32
      %dma_start3A_454 = tpu.memref_slice %arg5[%mul3A_452, %dma_start3A_453] : memref<10000x128xf32, #tpu.memory_space<vmem_shared>> -> memref<80x128xf32, #tpu.memory_space<vmem_shared>>
      %dma_start3A_455 = arith.constant 0 : i32
      %dma_start3A_456 = tpu.memref_slice %arg5[%mul3A_452, %dma_start3A_455] : memref<10000x128xf32, #tpu.memory_space<vmem_shared>> -> memref<80x128xf32, #tpu.memory_space<vmem_shared>>
      tpu.enqueue_dma source(%arg12 : memref<80x128xf32, #tpu.memory_space<vmem>>) target(%dma_start3A_456 : memref<80x128xf32, #tpu.memory_space<vmem_shared>>) target_semaphore(%arg21 : memref<!tpu.dma_semaphore, #tpu.memory_space<semaphore_mem>>)
    } else {
    }
    %add3A_67 = arith.constant 16 : i32
    %add3A_68 = arith.addi %add3A_67, %arg1 : i32
    %lt3A_69 = arith.constant 125 : i32
    %lt3A_70 = arith.cmpi slt, %add3A_68, %lt3A_69 : i32
    %convert_element_type3A_71 = arith.extui %lt3A_70 : i1 to i32
    %cond3A_72 = arith.constant 0 : i32
    %cond3A_73 = arith.cmpi ne, %convert_element_type3A_71, %cond3A_72 : i32
    scf.if %cond3A_73 {
      %mul3A_451 = arith.constant 80 : i32
      %mul3A_452 = arith.muli %add3A_68, %mul3A_451 : i32
      %dma_start3A_453 = arith.constant 0 : i32
      %dma_start3A_454 = tpu.memref_slice %arg5[%mul3A_452, %dma_start3A_453] : memref<10000x128xf32, #tpu.memory_space<vmem_shared>> -> memref<80x128xf32, #tpu.memory_space<vmem_shared>>
      %dma_start3A_455 = arith.constant 0 : i32
      %dma_start3A_456 = tpu.memref_slice %arg5[%mul3A_452, %dma_start3A_455] : memref<10000x128xf32, #tpu.memory_space<vmem_shared>> -> memref<80x128xf32, #tpu.memory_space<vmem_shared>>
      tpu.enqueue_dma source(%arg12 : memref<80x128xf32, #tpu.memory_space<vmem>>) target(%dma_start3A_456 : memref<80x128xf32, #tpu.memory_space<vmem_shared>>) target_semaphore(%arg21 : memref<!tpu.dma_semaphore, #tpu.memory_space<semaphore_mem>>)
    } else {
    }
    %add3A_74 = arith.constant 32 : i32
    %add3A_75 = arith.addi %add3A_74, %arg1 : i32
    %lt3A_76 = arith.constant 125 : i32
    %lt3A_77 = arith.cmpi slt, %add3A_75, %lt3A_76 : i32
    %convert_element_type3A_78 = arith.extui %lt3A_77 : i1 to i32
    %cond3A_79 = arith.constant 0 : i32
    %cond3A_80 = arith.cmpi ne, %convert_element_type3A_78, %cond3A_79 : i32
    scf.if %cond3A_80 {
      %mul3A_451 = arith.constant 80 : i32
      %mul3A_452 = arith.muli %add3A_75, %mul3A_451 : i32
      %dma_start3A_453 = arith.constant 0 : i32
      %dma_start3A_454 = tpu.memref_slice %arg5[%mul3A_452, %dma_start3A_453] : memref<10000x128xf32, #tpu.memory_space<vmem_shared>> -> memref<80x128xf32, #tpu.memory_space<vmem_shared>>
      %dma_start3A_455 = arith.constant 0 : i32
      %dma_start3A_456 = tpu.memref_slice %arg5[%mul3A_452, %dma_start3A_455] : memref<10000x128xf32, #tpu.memory_space<vmem_shared>> -> memref<80x128xf32, #tpu.memory_space<vmem_shared>>
      tpu.enqueue_dma source(%arg12 : memref<80x128xf32, #tpu.memory_space<vmem>>) target(%dma_start3A_456 : memref<80x128xf32, #tpu.memory_space<vmem_shared>>) target_semaphore(%arg21 : memref<!tpu.dma_semaphore, #tpu.memory_space<semaphore_mem>>)
    } else {
    }
    %add3A_81 = arith.constant 48 : i32
    %add3A_82 = arith.addi %add3A_81, %arg1 : i32
    %lt3A_83 = arith.constant 125 : i32
    %lt3A_84 = arith.cmpi slt, %add3A_82, %lt3A_83 : i32
    %convert_element_type3A_85 = arith.extui %lt3A_84 : i1 to i32
    %cond3A_86 = arith.constant 0 : i32
    %cond3A_87 = arith.cmpi ne, %convert_element_type3A_85, %cond3A_86 : i32
    scf.if %cond3A_87 {
      %mul3A_451 = arith.constant 80 : i32
      %mul3A_452 = arith.muli %add3A_82, %mul3A_451 : i32
      %dma_start3A_453 = arith.constant 0 : i32
      %dma_start3A_454 = tpu.memref_slice %arg5[%mul3A_452, %dma_start3A_453] : memref<10000x128xf32, #tpu.memory_space<vmem_shared>> -> memref<80x128xf32, #tpu.memory_space<vmem_shared>>
      %dma_start3A_455 = arith.constant 0 : i32
      %dma_start3A_456 = tpu.memref_slice %arg5[%mul3A_452, %dma_start3A_455] : memref<10000x128xf32, #tpu.memory_space<vmem_shared>> -> memref<80x128xf32, #tpu.memory_space<vmem_shared>>
      tpu.enqueue_dma source(%arg12 : memref<80x128xf32, #tpu.memory_space<vmem>>) target(%dma_start3A_456 : memref<80x128xf32, #tpu.memory_space<vmem_shared>>) target_semaphore(%arg21 : memref<!tpu.dma_semaphore, #tpu.memory_space<semaphore_mem>>)
    } else {
    }
    %add3A_88 = arith.constant 64 : i32
    %add3A_89 = arith.addi %add3A_88, %arg1 : i32
    %lt3A_90 = arith.constant 125 : i32
    %lt3A_91 = arith.cmpi slt, %add3A_89, %lt3A_90 : i32
    %convert_element_type3A_92 = arith.extui %lt3A_91 : i1 to i32
    %cond3A_93 = arith.constant 0 : i32
    %cond3A_94 = arith.cmpi ne, %convert_element_type3A_92, %cond3A_93 : i32
    scf.if %cond3A_94 {
      %mul3A_451 = arith.constant 80 : i32
      %mul3A_452 = arith.muli %add3A_89, %mul3A_451 : i32
      %dma_start3A_453 = arith.constant 0 : i32
      %dma_start3A_454 = tpu.memref_slice %arg5[%mul3A_452, %dma_start3A_453] : memref<10000x128xf32, #tpu.memory_space<vmem_shared>> -> memref<80x128xf32, #tpu.memory_space<vmem_shared>>
      %dma_start3A_455 = arith.constant 0 : i32
      %dma_start3A_456 = tpu.memref_slice %arg5[%mul3A_452, %dma_start3A_455] : memref<10000x128xf32, #tpu.memory_space<vmem_shared>> -> memref<80x128xf32, #tpu.memory_space<vmem_shared>>
      tpu.enqueue_dma source(%arg12 : memref<80x128xf32, #tpu.memory_space<vmem>>) target(%dma_start3A_456 : memref<80x128xf32, #tpu.memory_space<vmem_shared>>) target_semaphore(%arg21 : memref<!tpu.dma_semaphore, #tpu.memory_space<semaphore_mem>>)
    } else {
    }
    %add3A_95 = arith.constant 80 : i32
    %add3A_96 = arith.addi %add3A_95, %arg1 : i32
    %lt3A_97 = arith.constant 125 : i32
    %lt3A_98 = arith.cmpi slt, %add3A_96, %lt3A_97 : i32
    %convert_element_type3A_99 = arith.extui %lt3A_98 : i1 to i32
    %cond3A_100 = arith.constant 0 : i32
    %cond3A_101 = arith.cmpi ne, %convert_element_type3A_99, %cond3A_100 : i32
    scf.if %cond3A_101 {
      %mul3A_451 = arith.constant 80 : i32
      %mul3A_452 = arith.muli %add3A_96, %mul3A_451 : i32
      %dma_start3A_453 = arith.constant 0 : i32
      %dma_start3A_454 = tpu.memref_slice %arg5[%mul3A_452, %dma_start3A_453] : memref<10000x128xf32, #tpu.memory_space<vmem_shared>> -> memref<80x128xf32, #tpu.memory_space<vmem_shared>>
      %dma_start3A_455 = arith.constant 0 : i32
      %dma_start3A_456 = tpu.memref_slice %arg5[%mul3A_452, %dma_start3A_455] : memref<10000x128xf32, #tpu.memory_space<vmem_shared>> -> memref<80x128xf32, #tpu.memory_space<vmem_shared>>
      tpu.enqueue_dma source(%arg12 : memref<80x128xf32, #tpu.memory_space<vmem>>) target(%dma_start3A_456 : memref<80x128xf32, #tpu.memory_space<vmem_shared>>) target_semaphore(%arg21 : memref<!tpu.dma_semaphore, #tpu.memory_space<semaphore_mem>>)
    } else {
    }
    %add3A_102 = arith.constant 96 : i32
    %add3A_103 = arith.addi %add3A_102, %arg1 : i32
    %lt3A_104 = arith.constant 125 : i32
    %lt3A_105 = arith.cmpi slt, %add3A_103, %lt3A_104 : i32
    %convert_element_type3A_106 = arith.extui %lt3A_105 : i1 to i32
    %cond3A_107 = arith.constant 0 : i32
    %cond3A_108 = arith.cmpi ne, %convert_element_type3A_106, %cond3A_107 : i32
    scf.if %cond3A_108 {
      %mul3A_451 = arith.constant 80 : i32
      %mul3A_452 = arith.muli %add3A_103, %mul3A_451 : i32
      %dma_start3A_453 = arith.constant 0 : i32
      %dma_start3A_454 = tpu.memref_slice %arg5[%mul3A_452, %dma_start3A_453] : memref<10000x128xf32, #tpu.memory_space<vmem_shared>> -> memref<80x128xf32, #tpu.memory_space<vmem_shared>>
      %dma_start3A_455 = arith.constant 0 : i32
      %dma_start3A_456 = tpu.memref_slice %arg5[%mul3A_452, %dma_start3A_455] : memref<10000x128xf32, #tpu.memory_space<vmem_shared>> -> memref<80x128xf32, #tpu.memory_space<vmem_shared>>
      tpu.enqueue_dma source(%arg12 : memref<80x128xf32, #tpu.memory_space<vmem>>) target(%dma_start3A_456 : memref<80x128xf32, #tpu.memory_space<vmem_shared>>) target_semaphore(%arg21 : memref<!tpu.dma_semaphore, #tpu.memory_space<semaphore_mem>>)
    } else {
    }
    %add3A_109 = arith.constant 112 : i32
    %add3A_110 = arith.addi %add3A_109, %arg1 : i32
    %lt3A_111 = arith.constant 125 : i32
    %lt3A_112 = arith.cmpi slt, %add3A_110, %lt3A_111 : i32
    %convert_element_type3A_113 = arith.extui %lt3A_112 : i1 to i32
    %cond3A_114 = arith.constant 0 : i32
    %cond3A_115 = arith.cmpi ne, %convert_element_type3A_113, %cond3A_114 : i32
    scf.if %cond3A_115 {
      %mul3A_451 = arith.constant 80 : i32
      %mul3A_452 = arith.muli %add3A_110, %mul3A_451 : i32
      %dma_start3A_453 = arith.constant 0 : i32
      %dma_start3A_454 = tpu.memref_slice %arg5[%mul3A_452, %dma_start3A_453] : memref<10000x128xf32, #tpu.memory_space<vmem_shared>> -> memref<80x128xf32, #tpu.memory_space<vmem_shared>>
      %dma_start3A_455 = arith.constant 0 : i32
      %dma_start3A_456 = tpu.memref_slice %arg5[%mul3A_452, %dma_start3A_455] : memref<10000x128xf32, #tpu.memory_space<vmem_shared>> -> memref<80x128xf32, #tpu.memory_space<vmem_shared>>
      tpu.enqueue_dma source(%arg12 : memref<80x128xf32, #tpu.memory_space<vmem>>) target(%dma_start3A_456 : memref<80x128xf32, #tpu.memory_space<vmem_shared>>) target_semaphore(%arg21 : memref<!tpu.dma_semaphore, #tpu.memory_space<semaphore_mem>>)
    } else {
    }
    %add3A_116 = arith.constant 0 : i32
    %add3A_117 = arith.addi %add3A_116, %arg1 : i32
    %lt3A_118 = arith.constant 125 : i32
    %lt3A_119 = arith.cmpi slt, %add3A_117, %lt3A_118 : i32
    %convert_element_type3A_120 = arith.extui %lt3A_119 : i1 to i32
    %cond3A_121 = arith.constant 0 : i32
    %cond3A_122 = arith.cmpi ne, %convert_element_type3A_120, %cond3A_121 : i32
    scf.if %cond3A_122 {
      %mul3A_451 = arith.constant 80 : i32
      %mul3A_452 = arith.muli %add3A_117, %mul3A_451 : i32
      %dma_wait3A_453 = arith.constant 0 : i32
      %dma_wait3A_454 = tpu.memref_slice %arg5[%mul3A_452, %dma_wait3A_453] : memref<10000x128xf32, #tpu.memory_space<vmem_shared>> -> memref<80x128xf32, #tpu.memory_space<vmem_shared>>
      %dma_wait3A_455 = arith.constant 0 : i32
      %dma_wait3A_456 = tpu.memref_slice %arg5[%mul3A_452, %dma_wait3A_455] : memref<10000x128xf32, #tpu.memory_space<vmem_shared>> -> memref<80x128xf32, #tpu.memory_space<vmem_shared>>
      tpu.wait_dma2 semaphore(%arg21 : memref<!tpu.dma_semaphore, #tpu.memory_space<semaphore_mem>>) src(%arg12 : memref<80x128xf32, #tpu.memory_space<vmem>>) dst(%dma_wait3A_456 : memref<80x128xf32, #tpu.memory_space<vmem_shared>>)
    } else {
    }
    %add3A_123 = arith.constant 16 : i32
    %add3A_124 = arith.addi %add3A_123, %arg1 : i32
    %lt3A_125 = arith.constant 125 : i32
    %lt3A_126 = arith.cmpi slt, %add3A_124, %lt3A_125 : i32
    %convert_element_type3A_127 = arith.extui %lt3A_126 : i1 to i32
    %cond3A_128 = arith.constant 0 : i32
    %cond3A_129 = arith.cmpi ne, %convert_element_type3A_127, %cond3A_128 : i32
    scf.if %cond3A_129 {
      %mul3A_451 = arith.constant 80 : i32
      %mul3A_452 = arith.muli %add3A_124, %mul3A_451 : i32
      %dma_wait3A_453 = arith.constant 0 : i32
      %dma_wait3A_454 = tpu.memref_slice %arg5[%mul3A_452, %dma_wait3A_453] : memref<10000x128xf32, #tpu.memory_space<vmem_shared>> -> memref<80x128xf32, #tpu.memory_space<vmem_shared>>
      %dma_wait3A_455 = arith.constant 0 : i32
      %dma_wait3A_456 = tpu.memref_slice %arg5[%mul3A_452, %dma_wait3A_455] : memref<10000x128xf32, #tpu.memory_space<vmem_shared>> -> memref<80x128xf32, #tpu.memory_space<vmem_shared>>
      tpu.wait_dma2 semaphore(%arg21 : memref<!tpu.dma_semaphore, #tpu.memory_space<semaphore_mem>>) src(%arg12 : memref<80x128xf32, #tpu.memory_space<vmem>>) dst(%dma_wait3A_456 : memref<80x128xf32, #tpu.memory_space<vmem_shared>>)
    } else {
    }
    %add3A_130 = arith.constant 32 : i32
    %add3A_131 = arith.addi %add3A_130, %arg1 : i32
    %lt3A_132 = arith.constant 125 : i32
    %lt3A_133 = arith.cmpi slt, %add3A_131, %lt3A_132 : i32
    %convert_element_type3A_134 = arith.extui %lt3A_133 : i1 to i32
    %cond3A_135 = arith.constant 0 : i32
    %cond3A_136 = arith.cmpi ne, %convert_element_type3A_134, %cond3A_135 : i32
    scf.if %cond3A_136 {
      %mul3A_451 = arith.constant 80 : i32
      %mul3A_452 = arith.muli %add3A_131, %mul3A_451 : i32
      %dma_wait3A_453 = arith.constant 0 : i32
      %dma_wait3A_454 = tpu.memref_slice %arg5[%mul3A_452, %dma_wait3A_453] : memref<10000x128xf32, #tpu.memory_space<vmem_shared>> -> memref<80x128xf32, #tpu.memory_space<vmem_shared>>
      %dma_wait3A_455 = arith.constant 0 : i32
      %dma_wait3A_456 = tpu.memref_slice %arg5[%mul3A_452, %dma_wait3A_455] : memref<10000x128xf32, #tpu.memory_space<vmem_shared>> -> memref<80x128xf32, #tpu.memory_space<vmem_shared>>
      tpu.wait_dma2 semaphore(%arg21 : memref<!tpu.dma_semaphore, #tpu.memory_space<semaphore_mem>>) src(%arg12 : memref<80x128xf32, #tpu.memory_space<vmem>>) dst(%dma_wait3A_456 : memref<80x128xf32, #tpu.memory_space<vmem_shared>>)
    } else {
    }
    %add3A_137 = arith.constant 48 : i32
    %add3A_138 = arith.addi %add3A_137, %arg1 : i32
    %lt3A_139 = arith.constant 125 : i32
    %lt3A_140 = arith.cmpi slt, %add3A_138, %lt3A_139 : i32
    %convert_element_type3A_141 = arith.extui %lt3A_140 : i1 to i32
    %cond3A_142 = arith.constant 0 : i32
    %cond3A_143 = arith.cmpi ne, %convert_element_type3A_141, %cond3A_142 : i32
    scf.if %cond3A_143 {
      %mul3A_451 = arith.constant 80 : i32
      %mul3A_452 = arith.muli %add3A_138, %mul3A_451 : i32
      %dma_wait3A_453 = arith.constant 0 : i32
      %dma_wait3A_454 = tpu.memref_slice %arg5[%mul3A_452, %dma_wait3A_453] : memref<10000x128xf32, #tpu.memory_space<vmem_shared>> -> memref<80x128xf32, #tpu.memory_space<vmem_shared>>
      %dma_wait3A_455 = arith.constant 0 : i32
      %dma_wait3A_456 = tpu.memref_slice %arg5[%mul3A_452, %dma_wait3A_455] : memref<10000x128xf32, #tpu.memory_space<vmem_shared>> -> memref<80x128xf32, #tpu.memory_space<vmem_shared>>
      tpu.wait_dma2 semaphore(%arg21 : memref<!tpu.dma_semaphore, #tpu.memory_space<semaphore_mem>>) src(%arg12 : memref<80x128xf32, #tpu.memory_space<vmem>>) dst(%dma_wait3A_456 : memref<80x128xf32, #tpu.memory_space<vmem_shared>>)
    } else {
    }
    %add3A_144 = arith.constant 64 : i32
    %add3A_145 = arith.addi %add3A_144, %arg1 : i32
    %lt3A_146 = arith.constant 125 : i32
    %lt3A_147 = arith.cmpi slt, %add3A_145, %lt3A_146 : i32
    %convert_element_type3A_148 = arith.extui %lt3A_147 : i1 to i32
    %cond3A_149 = arith.constant 0 : i32
    %cond3A_150 = arith.cmpi ne, %convert_element_type3A_148, %cond3A_149 : i32
    scf.if %cond3A_150 {
      %mul3A_451 = arith.constant 80 : i32
      %mul3A_452 = arith.muli %add3A_145, %mul3A_451 : i32
      %dma_wait3A_453 = arith.constant 0 : i32
      %dma_wait3A_454 = tpu.memref_slice %arg5[%mul3A_452, %dma_wait3A_453] : memref<10000x128xf32, #tpu.memory_space<vmem_shared>> -> memref<80x128xf32, #tpu.memory_space<vmem_shared>>
      %dma_wait3A_455 = arith.constant 0 : i32
      %dma_wait3A_456 = tpu.memref_slice %arg5[%mul3A_452, %dma_wait3A_455] : memref<10000x128xf32, #tpu.memory_space<vmem_shared>> -> memref<80x128xf32, #tpu.memory_space<vmem_shared>>
      tpu.wait_dma2 semaphore(%arg21 : memref<!tpu.dma_semaphore, #tpu.memory_space<semaphore_mem>>) src(%arg12 : memref<80x128xf32, #tpu.memory_space<vmem>>) dst(%dma_wait3A_456 : memref<80x128xf32, #tpu.memory_space<vmem_shared>>)
    } else {
    }
    %add3A_151 = arith.constant 80 : i32
    %add3A_152 = arith.addi %add3A_151, %arg1 : i32
    %lt3A_153 = arith.constant 125 : i32
    %lt3A_154 = arith.cmpi slt, %add3A_152, %lt3A_153 : i32
    %convert_element_type3A_155 = arith.extui %lt3A_154 : i1 to i32
    %cond3A_156 = arith.constant 0 : i32
    %cond3A_157 = arith.cmpi ne, %convert_element_type3A_155, %cond3A_156 : i32
    scf.if %cond3A_157 {
      %mul3A_451 = arith.constant 80 : i32
      %mul3A_452 = arith.muli %add3A_152, %mul3A_451 : i32
      %dma_wait3A_453 = arith.constant 0 : i32
      %dma_wait3A_454 = tpu.memref_slice %arg5[%mul3A_452, %dma_wait3A_453] : memref<10000x128xf32, #tpu.memory_space<vmem_shared>> -> memref<80x128xf32, #tpu.memory_space<vmem_shared>>
      %dma_wait3A_455 = arith.constant 0 : i32
      %dma_wait3A_456 = tpu.memref_slice %arg5[%mul3A_452, %dma_wait3A_455] : memref<10000x128xf32, #tpu.memory_space<vmem_shared>> -> memref<80x128xf32, #tpu.memory_space<vmem_shared>>
      tpu.wait_dma2 semaphore(%arg21 : memref<!tpu.dma_semaphore, #tpu.memory_space<semaphore_mem>>) src(%arg12 : memref<80x128xf32, #tpu.memory_space<vmem>>) dst(%dma_wait3A_456 : memref<80x128xf32, #tpu.memory_space<vmem_shared>>)
    } else {
    }
    %add3A_158 = arith.constant 96 : i32
    %add3A_159 = arith.addi %add3A_158, %arg1 : i32
    %lt3A_160 = arith.constant 125 : i32
    %lt3A_161 = arith.cmpi slt, %add3A_159, %lt3A_160 : i32
    %convert_element_type3A_162 = arith.extui %lt3A_161 : i1 to i32
    %cond3A_163 = arith.constant 0 : i32
    %cond3A_164 = arith.cmpi ne, %convert_element_type3A_162, %cond3A_163 : i32
    scf.if %cond3A_164 {
      %mul3A_451 = arith.constant 80 : i32
      %mul3A_452 = arith.muli %add3A_159, %mul3A_451 : i32
      %dma_wait3A_453 = arith.constant 0 : i32
      %dma_wait3A_454 = tpu.memref_slice %arg5[%mul3A_452, %dma_wait3A_453] : memref<10000x128xf32, #tpu.memory_space<vmem_shared>> -> memref<80x128xf32, #tpu.memory_space<vmem_shared>>
      %dma_wait3A_455 = arith.constant 0 : i32
      %dma_wait3A_456 = tpu.memref_slice %arg5[%mul3A_452, %dma_wait3A_455] : memref<10000x128xf32, #tpu.memory_space<vmem_shared>> -> memref<80x128xf32, #tpu.memory_space<vmem_shared>>
      tpu.wait_dma2 semaphore(%arg21 : memref<!tpu.dma_semaphore, #tpu.memory_space<semaphore_mem>>) src(%arg12 : memref<80x128xf32, #tpu.memory_space<vmem>>) dst(%dma_wait3A_456 : memref<80x128xf32, #tpu.memory_space<vmem_shared>>)
    } else {
    }
    %add3A_165 = arith.constant 112 : i32
    %add3A_166 = arith.addi %add3A_165, %arg1 : i32
    %lt3A_167 = arith.constant 125 : i32
    %lt3A_168 = arith.cmpi slt, %add3A_166, %lt3A_167 : i32
    %convert_element_type3A_169 = arith.extui %lt3A_168 : i1 to i32
    %cond3A_170 = arith.constant 0 : i32
    %cond3A_171 = arith.cmpi ne, %convert_element_type3A_169, %cond3A_170 : i32
    scf.if %cond3A_171 {
      %mul3A_451 = arith.constant 80 : i32
      %mul3A_452 = arith.muli %add3A_166, %mul3A_451 : i32
      %dma_wait3A_453 = arith.constant 0 : i32
      %dma_wait3A_454 = tpu.memref_slice %arg5[%mul3A_452, %dma_wait3A_453] : memref<10000x128xf32, #tpu.memory_space<vmem_shared>> -> memref<80x128xf32, #tpu.memory_space<vmem_shared>>
      %dma_wait3A_455 = arith.constant 0 : i32
      %dma_wait3A_456 = tpu.memref_slice %arg5[%mul3A_452, %dma_wait3A_455] : memref<10000x128xf32, #tpu.memory_space<vmem_shared>> -> memref<80x128xf32, #tpu.memory_space<vmem_shared>>
      tpu.wait_dma2 semaphore(%arg21 : memref<!tpu.dma_semaphore, #tpu.memory_space<semaphore_mem>>) src(%arg12 : memref<80x128xf32, #tpu.memory_space<vmem>>) dst(%dma_wait3A_456 : memref<80x128xf32, #tpu.memory_space<vmem_shared>>)
    } else {
    }
    %barrier3A = arith.constant 0 : index
    tpu.barrier barrier_id(%barrier3A)
    %lt3A_172 = arith.constant 4 : i32
    %lt3A_173 = arith.cmpi slt, %add3A, %lt3A_172 : i32
    %convert_element_type3A_174 = arith.extui %lt3A_173 : i1 to i32
    %cond3A_175 = arith.constant 0 : i32
    %cond3A_176 = arith.cmpi ne, %convert_element_type3A_174, %cond3A_175 : i32
    scf.if %cond3A_176 {
      %add3A_451 = arith.constant 2496 : i32
      %add3A_452 = arith.addi %add3A_451, %add3A : i32
      %mul3A_453 = arith.constant 128 : i32
      %mul3A_454 = arith.muli %add3A_452, %mul3A_453 : i32
      "tpu.region"() ({
        %run_scoped3A_514 = tpu.sem_alloc : memref<!tpu.dma_semaphore, #tpu.memory_space<semaphore_mem>>
        %dma_start3A_515 = arith.constant 0 : i32
        %dma_start3A_516 = tpu.memref_slice %arg3[%dma_start3A_515, %mul3A_454] : memref<2x320000xi32, #tpu.memory_space<hbm>> -> memref<2x128xi32, #tpu.memory_space<hbm>>
        %dma_start3A_517 = arith.constant 0 : i32
        %dma_start3A_518 = tpu.memref_slice %arg3[%dma_start3A_517, %mul3A_454] : memref<2x320000xi32, #tpu.memory_space<hbm>> -> memref<2x128xi32, #tpu.memory_space<hbm>>
        tpu.enqueue_dma source(%dma_start3A_518 : memref<2x128xi32, #tpu.memory_space<hbm>>) target(%arg10 : memref<2x128xi32, #tpu.memory_space<vmem>>) target_semaphore(%run_scoped3A_514 : memref<!tpu.dma_semaphore, #tpu.memory_space<semaphore_mem>>)
        %dma_wait3A_519 = arith.constant 0 : i32
        %dma_wait3A_520 = tpu.memref_slice %arg3[%dma_wait3A_519, %mul3A_454] : memref<2x320000xi32, #tpu.memory_space<hbm>> -> memref<2x128xi32, #tpu.memory_space<hbm>>
        %dma_wait3A_521 = arith.constant 0 : i32
        %dma_wait3A_522 = tpu.memref_slice %arg3[%dma_wait3A_521, %mul3A_454] : memref<2x320000xi32, #tpu.memory_space<hbm>> -> memref<2x128xi32, #tpu.memory_space<hbm>>
        tpu.wait_dma2 semaphore(%run_scoped3A_514 : memref<!tpu.dma_semaphore, #tpu.memory_space<semaphore_mem>>) src(%dma_wait3A_522 : memref<2x128xi32, #tpu.memory_space<hbm>>) dst(%arg10 : memref<2x128xi32, #tpu.memory_space<vmem>>)
        tpu.yield
      }) : () -> ()
      %dma_start3A_455 = arith.constant 0 : i32
      %dma_start3A_456 = arith.constant 1 : i32
      %dma_start3A_457 = arith.constant 0 : i32
      %dma_start3A_458 = arith.constant 0 : i32
      %dma_start3A_459 = tpu.memref_slice %arg11[%dma_start3A_456, %dma_start3A_457, %dma_start3A_458] : memref<2x128x128xf32, #tpu.memory_space<vmem>> -> memref<1x64x128xf32, #tpu.memory_space<vmem>>
      %dma_start3A_460 = tpu.memref_squeeze %dma_start3A_459 : memref<1x64x128xf32, #tpu.memory_space<vmem>> -> memref<64x128xf32, #tpu.memory_space<vmem>>
      %dma_start3A_461 = arith.constant 0 : i32
      %dma_start3A_462 = tpu.memref_slice %arg10[%dma_start3A_455, %dma_start3A_461] : memref<2x128xi32, #tpu.memory_space<vmem>> -> memref<1x128xi32, #tpu.memory_space<vmem>>
      %dma_start3A_463 = tpu.memref_squeeze %dma_start3A_462 : memref<1x128xi32, #tpu.memory_space<vmem>> -> memref<128xi32, #tpu.memory_space<vmem>>
      %dma_start3A_464 = arith.constant 0 : i32
      %dma_start3A_465 = tpu.memref_slice %dma_start3A_463[%dma_start3A_464] : memref<128xi32, #tpu.memory_space<vmem>> -> memref<64xi32, #tpu.memory_space<vmem>>
      %dma_start3A_466 = arith.constant 0 : i32
      %dma_start3A_467 = arith.constant 0 : i32
      %dma_start3A_468 = tpu.memref_slice %arg2[%dma_start3A_466, %dma_start3A_467] : memref<10000x128xf32, #tpu.memory_space<hbm>> -> memref<10000x128xf32, #tpu.memory_space<hbm>>
      tpu.enqueue_indirect_dma source(%dma_start3A_468 : memref<10000x128xf32, #tpu.memory_space<hbm>>) target(%dma_start3A_460 : memref<64x128xf32, #tpu.memory_space<vmem>>) offsets(%dma_start3A_465 : memref<64xi32, #tpu.memory_space<vmem>>) semaphore(%arg18 : memref<!tpu.dma_semaphore, #tpu.memory_space<semaphore_mem>>)
      %dma_start3A_469 = arith.constant 0 : i32
      %dma_start3A_470 = arith.constant 1 : i32
      %dma_start3A_471 = arith.constant 64 : i32
      %dma_start3A_472 = arith.constant 0 : i32
      %dma_start3A_473 = tpu.memref_slice %arg11[%dma_start3A_470, %dma_start3A_471, %dma_start3A_472] : memref<2x128x128xf32, #tpu.memory_space<vmem>> -> memref<1x64x128xf32, #tpu.memory_space<vmem>>
      %dma_start3A_474 = tpu.memref_squeeze %dma_start3A_473 : memref<1x64x128xf32, #tpu.memory_space<vmem>> -> memref<64x128xf32, #tpu.memory_space<vmem>>
      %dma_start3A_475 = arith.constant 0 : i32
      %dma_start3A_476 = tpu.memref_slice %arg10[%dma_start3A_469, %dma_start3A_475] : memref<2x128xi32, #tpu.memory_space<vmem>> -> memref<1x128xi32, #tpu.memory_space<vmem>>
      %dma_start3A_477 = tpu.memref_squeeze %dma_start3A_476 : memref<1x128xi32, #tpu.memory_space<vmem>> -> memref<128xi32, #tpu.memory_space<vmem>>
      %dma_start3A_478 = arith.constant 64 : i32
      %dma_start3A_479 = tpu.memref_slice %dma_start3A_477[%dma_start3A_478] : memref<128xi32, #tpu.memory_space<vmem>> -> memref<64xi32, #tpu.memory_space<vmem>>
      %dma_start3A_480 = arith.constant 0 : i32
      %dma_start3A_481 = arith.constant 0 : i32
      %dma_start3A_482 = tpu.memref_slice %arg2[%dma_start3A_480, %dma_start3A_481] : memref<10000x128xf32, #tpu.memory_space<hbm>> -> memref<10000x128xf32, #tpu.memory_space<hbm>>
      tpu.enqueue_indirect_dma source(%dma_start3A_482 : memref<10000x128xf32, #tpu.memory_space<hbm>>) target(%dma_start3A_474 : memref<64x128xf32, #tpu.memory_space<vmem>>) offsets(%dma_start3A_479 : memref<64xi32, #tpu.memory_space<vmem>>) semaphore(%arg18 : memref<!tpu.dma_semaphore, #tpu.memory_space<semaphore_mem>>)
      %dma_wait3A_483 = arith.constant 1 : i32
      %dma_wait3A_484 = arith.constant 0 : i32
      %dma_wait3A_485 = arith.constant 0 : i32
      %dma_wait3A_486 = tpu.memref_slice %arg11[%dma_wait3A_483, %dma_wait3A_484, %dma_wait3A_485] : memref<2x128x128xf32, #tpu.memory_space<vmem>> -> memref<1x64x128xf32, #tpu.memory_space<vmem>>
      %dma_wait3A_487 = tpu.memref_squeeze %dma_wait3A_486 : memref<1x64x128xf32, #tpu.memory_space<vmem>> -> memref<64x128xf32, #tpu.memory_space<vmem>>
      %dma_wait3A_488 = arith.constant 0 : i32
      %dma_wait3A_489 = arith.constant 0 : i32
      %dma_wait3A_490 = tpu.memref_slice %arg2[%dma_wait3A_488, %dma_wait3A_489] : memref<10000x128xf32, #tpu.memory_space<hbm>> -> memref<64x128xf32, #tpu.memory_space<hbm>>
      %dma_wait3A_491 = arith.constant 0 : i32
      %dma_wait3A_492 = arith.constant 0 : i32
      %dma_wait3A_493 = tpu.memref_slice %arg11[%dma_wait3A_483, %dma_wait3A_491, %dma_wait3A_492] : memref<2x128x128xf32, #tpu.memory_space<vmem>> -> memref<1x64x128xf32, #tpu.memory_space<vmem>>
      %dma_wait3A_494 = tpu.memref_squeeze %dma_wait3A_493 : memref<1x64x128xf32, #tpu.memory_space<vmem>> -> memref<64x128xf32, #tpu.memory_space<vmem>>
      %dma_wait3A_495 = arith.constant 0 : i32
      %dma_wait3A_496 = arith.constant 0 : i32
      %dma_wait3A_497 = tpu.memref_slice %arg2[%dma_wait3A_495, %dma_wait3A_496] : memref<10000x128xf32, #tpu.memory_space<hbm>> -> memref<64x128xf32, #tpu.memory_space<hbm>>
      tpu.wait_dma2 semaphore(%arg18 : memref<!tpu.dma_semaphore, #tpu.memory_space<semaphore_mem>>) src(%dma_wait3A_497 : memref<64x128xf32, #tpu.memory_space<hbm>>) dst(%dma_wait3A_494 : memref<64x128xf32, #tpu.memory_space<vmem>>)
      %dma_wait3A_498 = arith.constant 1 : i32
      %dma_wait3A_499 = arith.constant 64 : i32
      %dma_wait3A_500 = arith.constant 0 : i32
      %dma_wait3A_501 = tpu.memref_slice %arg11[%dma_wait3A_498, %dma_wait3A_499, %dma_wait3A_500] : memref<2x128x128xf32, #tpu.memory_space<vmem>> -> memref<1x64x128xf32, #tpu.memory_space<vmem>>
      %dma_wait3A_502 = tpu.memref_squeeze %dma_wait3A_501 : memref<1x64x128xf32, #tpu.memory_space<vmem>> -> memref<64x128xf32, #tpu.memory_space<vmem>>
      %dma_wait3A_503 = arith.constant 0 : i32
      %dma_wait3A_504 = arith.constant 0 : i32
      %dma_wait3A_505 = tpu.memref_slice %arg2[%dma_wait3A_503, %dma_wait3A_504] : memref<10000x128xf32, #tpu.memory_space<hbm>> -> memref<64x128xf32, #tpu.memory_space<hbm>>
      %dma_wait3A_506 = arith.constant 64 : i32
      %dma_wait3A_507 = arith.constant 0 : i32
      %dma_wait3A_508 = tpu.memref_slice %arg11[%dma_wait3A_498, %dma_wait3A_506, %dma_wait3A_507] : memref<2x128x128xf32, #tpu.memory_space<vmem>> -> memref<1x64x128xf32, #tpu.memory_space<vmem>>
      %dma_wait3A_509 = tpu.memref_squeeze %dma_wait3A_508 : memref<1x64x128xf32, #tpu.memory_space<vmem>> -> memref<64x128xf32, #tpu.memory_space<vmem>>
      %dma_wait3A_510 = arith.constant 0 : i32
      %dma_wait3A_511 = arith.constant 0 : i32
      %dma_wait3A_512 = tpu.memref_slice %arg2[%dma_wait3A_510, %dma_wait3A_511] : memref<10000x128xf32, #tpu.memory_space<hbm>> -> memref<64x128xf32, #tpu.memory_space<hbm>>
      tpu.wait_dma2 semaphore(%arg18 : memref<!tpu.dma_semaphore, #tpu.memory_space<semaphore_mem>>) src(%dma_wait3A_512 : memref<64x128xf32, #tpu.memory_space<hbm>>) dst(%dma_wait3A_509 : memref<64x128xf32, #tpu.memory_space<vmem>>)
      %run_scoped3A = arith.constant 1 : i32
      %run_scoped3A_513 = arith.constant 1 : i32
      "tpu.region"() ({
        %run_scoped3A_514 = tpu.sem_alloc : memref<!tpu.dma_semaphore, #tpu.memory_space<semaphore_mem>>
        %dma_start3A_515 = arith.constant 0 : i32
        %dma_start3A_516 = arith.constant 0 : i32
        %dma_start3A_517 = tpu.memref_slice %arg11[%run_scoped3A, %dma_start3A_515, %dma_start3A_516] : memref<2x128x128xf32, #tpu.memory_space<vmem>> -> memref<1x128x128xf32, #tpu.memory_space<vmem>>
        %dma_start3A_518 = tpu.memref_squeeze %dma_start3A_517 : memref<1x128x128xf32, #tpu.memory_space<vmem>> -> memref<128x128xf32, #tpu.memory_space<vmem>>
        %dma_start3A_519 = arith.constant 0 : i32
        %dma_start3A_520 = tpu.memref_slice %arg10[%run_scoped3A_513, %dma_start3A_519] : memref<2x128xi32, #tpu.memory_space<vmem>> -> memref<1x128xi32, #tpu.memory_space<vmem>>
        %dma_start3A_521 = tpu.memref_squeeze %dma_start3A_520 : memref<1x128xi32, #tpu.memory_space<vmem>> -> memref<128xi32, #tpu.memory_space<vmem>>
        %dma_start3A_522 = arith.constant 0 : i32
        %dma_start3A_523 = arith.constant 0 : i32
        %dma_start3A_524 = tpu.memref_slice %arg5[%dma_start3A_522, %dma_start3A_523] : memref<10000x128xf32, #tpu.memory_space<vmem_shared>> -> memref<10000x128xf32, #tpu.memory_space<vmem_shared>>
        tpu.enqueue_indirect_dma source(%dma_start3A_518 : memref<128x128xf32, #tpu.memory_space<vmem>>) target(%dma_start3A_524 : memref<10000x128xf32, #tpu.memory_space<vmem_shared>>) offsets(%dma_start3A_521 : memref<128xi32, #tpu.memory_space<vmem>>) semaphore(%run_scoped3A_514 : memref<!tpu.dma_semaphore, #tpu.memory_space<semaphore_mem>>) {add = true}
        %dma_wait3A_525 = arith.constant 0 : i32
        %dma_wait3A_526 = arith.constant 0 : i32
        %dma_wait3A_527 = tpu.memref_slice %arg11[%run_scoped3A, %dma_wait3A_525, %dma_wait3A_526] : memref<2x128x128xf32, #tpu.memory_space<vmem>> -> memref<1x128x128xf32, #tpu.memory_space<vmem>>
        %dma_wait3A_528 = tpu.memref_squeeze %dma_wait3A_527 : memref<1x128x128xf32, #tpu.memory_space<vmem>> -> memref<128x128xf32, #tpu.memory_space<vmem>>
        %dma_wait3A_529 = arith.constant 0 : i32
        %dma_wait3A_530 = tpu.memref_slice %arg10[%run_scoped3A_513, %dma_wait3A_529] : memref<2x128xi32, #tpu.memory_space<vmem>> -> memref<1x128xi32, #tpu.memory_space<vmem>>
        %dma_wait3A_531 = tpu.memref_squeeze %dma_wait3A_530 : memref<1x128xi32, #tpu.memory_space<vmem>> -> memref<128xi32, #tpu.memory_space<vmem>>
        %dma_wait3A_532 = arith.constant 0 : i32
        %dma_wait3A_533 = arith.constant 0 : i32
        %dma_wait3A_534 = tpu.memref_slice %arg5[%dma_wait3A_532, %dma_wait3A_533] : memref<10000x128xf32, #tpu.memory_space<vmem_shared>> -> memref<10000x128xf32, #tpu.memory_space<vmem_shared>>
        tpu.wait_indirect_dma semaphore(%run_scoped3A_514 : memref<!tpu.dma_semaphore, #tpu.memory_space<semaphore_mem>>) src(%dma_wait3A_528 : memref<128x128xf32, #tpu.memory_space<vmem>>) dst(%dma_wait3A_534 : memref<10000x128xf32, #tpu.memory_space<vmem_shared>>)
        tpu.yield
      }) : () -> ()
    } else {
    }
    %scan3A_177 = arith.constant 0 : i32
    %scan3A_178 = arith.constant 0 : i32
    %scan3A_179 = arith.constant 19 : i32
    %scan3A_180 = arith.addi %scan3A_178, %scan3A_179 : i32
    %scan3A_181 = arith.constant 1 : i32
    %scan3A_182 = scf.for %scan3A_451 = %scan3A_178 to %scan3A_180 step %scan3A_181 iter_args(%scan3A_452 = %scan3A_177) -> (i32)  : i32 {
      %mul3A_453 = arith.constant 4 : i32
      %mul3A_454 = arith.muli %scan3A_451, %mul3A_453 : i32
      %add3A_455 = arith.constant 0 : i32
      %add3A_456 = arith.addi %mul3A_454, %add3A_455 : i32
      %dma_wait3A_457 = arith.constant 0 : i32
      %dma_wait3A_458 = arith.constant 0 : i32
      %dma_wait3A_459 = arith.constant 0 : i32
      %dma_wait3A_460 = tpu.memref_slice %arg11[%dma_wait3A_457, %dma_wait3A_458, %dma_wait3A_459] : memref<2x128x128xf32, #tpu.memory_space<vmem>> -> memref<1x64x128xf32, #tpu.memory_space<vmem>>
      %dma_wait3A_461 = tpu.memref_squeeze %dma_wait3A_460 : memref<1x64x128xf32, #tpu.memory_space<vmem>> -> memref<64x128xf32, #tpu.memory_space<vmem>>
      %dma_wait3A_462 = arith.constant 0 : i32
      %dma_wait3A_463 = arith.constant 0 : i32
      %dma_wait3A_464 = tpu.memref_slice %arg2[%dma_wait3A_462, %dma_wait3A_463] : memref<10000x128xf32, #tpu.memory_space<hbm>> -> memref<64x128xf32, #tpu.memory_space<hbm>>
      %dma_wait3A_465 = arith.constant 0 : i32
      %dma_wait3A_466 = arith.constant 0 : i32
      %dma_wait3A_467 = tpu.memref_slice %arg11[%dma_wait3A_457, %dma_wait3A_465, %dma_wait3A_466] : memref<2x128x128xf32, #tpu.memory_space<vmem>> -> memref<1x64x128xf32, #tpu.memory_space<vmem>>
      %dma_wait3A_468 = tpu.memref_squeeze %dma_wait3A_467 : memref<1x64x128xf32, #tpu.memory_space<vmem>> -> memref<64x128xf32, #tpu.memory_space<vmem>>
      %dma_wait3A_469 = arith.constant 0 : i32
      %dma_wait3A_470 = arith.constant 0 : i32
      %dma_wait3A_471 = tpu.memref_slice %arg2[%dma_wait3A_469, %dma_wait3A_470] : memref<10000x128xf32, #tpu.memory_space<hbm>> -> memref<64x128xf32, #tpu.memory_space<hbm>>
      tpu.wait_dma2 semaphore(%arg17 : memref<!tpu.dma_semaphore, #tpu.memory_space<semaphore_mem>>) src(%dma_wait3A_471 : memref<64x128xf32, #tpu.memory_space<hbm>>) dst(%dma_wait3A_468 : memref<64x128xf32, #tpu.memory_space<vmem>>)
      %dma_wait3A_472 = arith.constant 0 : i32
      %dma_wait3A_473 = arith.constant 64 : i32
      %dma_wait3A_474 = arith.constant 0 : i32
      %dma_wait3A_475 = tpu.memref_slice %arg11[%dma_wait3A_472, %dma_wait3A_473, %dma_wait3A_474] : memref<2x128x128xf32, #tpu.memory_space<vmem>> -> memref<1x64x128xf32, #tpu.memory_space<vmem>>
      %dma_wait3A_476 = tpu.memref_squeeze %dma_wait3A_475 : memref<1x64x128xf32, #tpu.memory_space<vmem>> -> memref<64x128xf32, #tpu.memory_space<vmem>>
      %dma_wait3A_477 = arith.constant 0 : i32
      %dma_wait3A_478 = arith.constant 0 : i32
      %dma_wait3A_479 = tpu.memref_slice %arg2[%dma_wait3A_477, %dma_wait3A_478] : memref<10000x128xf32, #tpu.memory_space<hbm>> -> memref<64x128xf32, #tpu.memory_space<hbm>>
      %dma_wait3A_480 = arith.constant 64 : i32
      %dma_wait3A_481 = arith.constant 0 : i32
      %dma_wait3A_482 = tpu.memref_slice %arg11[%dma_wait3A_472, %dma_wait3A_480, %dma_wait3A_481] : memref<2x128x128xf32, #tpu.memory_space<vmem>> -> memref<1x64x128xf32, #tpu.memory_space<vmem>>
      %dma_wait3A_483 = tpu.memref_squeeze %dma_wait3A_482 : memref<1x64x128xf32, #tpu.memory_space<vmem>> -> memref<64x128xf32, #tpu.memory_space<vmem>>
      %dma_wait3A_484 = arith.constant 0 : i32
      %dma_wait3A_485 = arith.constant 0 : i32
      %dma_wait3A_486 = tpu.memref_slice %arg2[%dma_wait3A_484, %dma_wait3A_485] : memref<10000x128xf32, #tpu.memory_space<hbm>> -> memref<64x128xf32, #tpu.memory_space<hbm>>
      tpu.wait_dma2 semaphore(%arg17 : memref<!tpu.dma_semaphore, #tpu.memory_space<semaphore_mem>>) src(%dma_wait3A_486 : memref<64x128xf32, #tpu.memory_space<hbm>>) dst(%dma_wait3A_483 : memref<64x128xf32, #tpu.memory_space<vmem>>)
      %dma_start3A_487 = arith.constant 0 : i32
      %dma_start3A_488 = arith.constant 1 : i32
      %dma_start3A_489 = arith.constant 0 : i32
      %dma_start3A_490 = arith.constant 0 : i32
      %dma_start3A_491 = tpu.memref_slice %arg11[%dma_start3A_487, %dma_start3A_489, %dma_start3A_490] : memref<2x128x128xf32, #tpu.memory_space<vmem>> -> memref<1x128x128xf32, #tpu.memory_space<vmem>>
      %dma_start3A_492 = tpu.memref_squeeze %dma_start3A_491 : memref<1x128x128xf32, #tpu.memory_space<vmem>> -> memref<128x128xf32, #tpu.memory_space<vmem>>
      %dma_start3A_493 = arith.constant 0 : i32
      %dma_start3A_494 = tpu.memref_slice %arg6[%dma_start3A_488, %dma_start3A_493] : memref<2x128xi32, #tpu.memory_space<vmem>> -> memref<1x128xi32, #tpu.memory_space<vmem>>
      %dma_start3A_495 = tpu.memref_squeeze %dma_start3A_494 : memref<1x128xi32, #tpu.memory_space<vmem>> -> memref<128xi32, #tpu.memory_space<vmem>>
      %dma_start3A_496 = arith.constant 0 : i32
      %dma_start3A_497 = arith.constant 0 : i32
      %dma_start3A_498 = tpu.memref_slice %arg5[%dma_start3A_496, %dma_start3A_497] : memref<10000x128xf32, #tpu.memory_space<vmem_shared>> -> memref<10000x128xf32, #tpu.memory_space<vmem_shared>>
      tpu.enqueue_indirect_dma source(%dma_start3A_492 : memref<128x128xf32, #tpu.memory_space<vmem>>) target(%dma_start3A_498 : memref<10000x128xf32, #tpu.memory_space<vmem_shared>>) offsets(%dma_start3A_495 : memref<128xi32, #tpu.memory_space<vmem>>) semaphore(%arg19 : memref<!tpu.dma_semaphore, #tpu.memory_space<semaphore_mem>>) {add = true}
      %dma_wait3A_499 = arith.constant 0 : i32
      %dma_wait3A_500 = arith.constant 0 : i32
      %dma_wait3A_501 = tpu.memref_slice %arg3[%dma_wait3A_499, %dma_wait3A_500] : memref<2x320000xi32, #tpu.memory_space<hbm>> -> memref<2x128xi32, #tpu.memory_space<hbm>>
      %dma_wait3A_502 = arith.constant 0 : i32
      %dma_wait3A_503 = arith.constant 0 : i32
      %dma_wait3A_504 = tpu.memref_slice %arg3[%dma_wait3A_502, %dma_wait3A_503] : memref<2x320000xi32, #tpu.memory_space<hbm>> -> memref<2x128xi32, #tpu.memory_space<hbm>>
      tpu.wait_dma2 semaphore(%arg14 : memref<!tpu.dma_semaphore, #tpu.memory_space<semaphore_mem>>) src(%dma_wait3A_504 : memref<2x128xi32, #tpu.memory_space<hbm>>) dst(%arg7 : memref<2x128xi32, #tpu.memory_space<vmem>>)
      %ge3A = arith.constant 1 : i32
      %ge3A_505 = arith.cmpi sge, %scan3A_451, %ge3A : i32
      %convert_element_type3A_506 = arith.extui %ge3A_505 : i1 to i32
      %cond3A_507 = arith.constant 0 : i32
      %cond3A_508 = arith.cmpi ne, %convert_element_type3A_506, %cond3A_507 : i32
      scf.if %cond3A_508 {
        %dma_wait3A_842 = arith.constant 1 : i32
        %dma_wait3A_843 = arith.constant 1 : i32
        %dma_wait3A_844 = arith.constant 0 : i32
        %dma_wait3A_845 = arith.constant 0 : i32
        %dma_wait3A_846 = tpu.memref_slice %arg11[%dma_wait3A_842, %dma_wait3A_844, %dma_wait3A_845] : memref<2x128x128xf32, #tpu.memory_space<vmem>> -> memref<1x128x128xf32, #tpu.memory_space<vmem>>
        %dma_wait3A_847 = tpu.memref_squeeze %dma_wait3A_846 : memref<1x128x128xf32, #tpu.memory_space<vmem>> -> memref<128x128xf32, #tpu.memory_space<vmem>>
        %dma_wait3A_848 = arith.constant 0 : i32
        %dma_wait3A_849 = tpu.memref_slice %arg6[%dma_wait3A_843, %dma_wait3A_848] : memref<2x128xi32, #tpu.memory_space<vmem>> -> memref<1x128xi32, #tpu.memory_space<vmem>>
        %dma_wait3A_850 = tpu.memref_squeeze %dma_wait3A_849 : memref<1x128xi32, #tpu.memory_space<vmem>> -> memref<128xi32, #tpu.memory_space<vmem>>
        %dma_wait3A_851 = arith.constant 0 : i32
        %dma_wait3A_852 = arith.constant 0 : i32
        %dma_wait3A_853 = tpu.memref_slice %arg5[%dma_wait3A_851, %dma_wait3A_852] : memref<10000x128xf32, #tpu.memory_space<vmem_shared>> -> memref<10000x128xf32, #tpu.memory_space<vmem_shared>>
        tpu.wait_indirect_dma semaphore(%arg20 : memref<!tpu.dma_semaphore, #tpu.memory_space<semaphore_mem>>) src(%dma_wait3A_847 : memref<128x128xf32, #tpu.memory_space<vmem>>) dst(%dma_wait3A_853 : memref<10000x128xf32, #tpu.memory_space<vmem_shared>>)
      } else {
      }
      %dma_start3A_509 = arith.constant 0 : i32
      %dma_start3A_510 = arith.constant 1 : i32
      %dma_start3A_511 = arith.constant 0 : i32
      %dma_start3A_512 = arith.constant 0 : i32
      %dma_start3A_513 = tpu.memref_slice %arg11[%dma_start3A_510, %dma_start3A_511, %dma_start3A_512] : memref<2x128x128xf32, #tpu.memory_space<vmem>> -> memref<1x64x128xf32, #tpu.memory_space<vmem>>
      %dma_start3A_514 = tpu.memref_squeeze %dma_start3A_513 : memref<1x64x128xf32, #tpu.memory_space<vmem>> -> memref<64x128xf32, #tpu.memory_space<vmem>>
      %dma_start3A_515 = arith.constant 0 : i32
      %dma_start3A_516 = tpu.memref_slice %arg7[%dma_start3A_509, %dma_start3A_515] : memref<2x128xi32, #tpu.memory_space<vmem>> -> memref<1x128xi32, #tpu.memory_space<vmem>>
      %dma_start3A_517 = tpu.memref_squeeze %dma_start3A_516 : memref<1x128xi32, #tpu.memory_space<vmem>> -> memref<128xi32, #tpu.memory_space<vmem>>
      %dma_start3A_518 = arith.constant 0 : i32
      %dma_start3A_519 = tpu.memref_slice %dma_start3A_517[%dma_start3A_518] : memref<128xi32, #tpu.memory_space<vmem>> -> memref<64xi32, #tpu.memory_space<vmem>>
      %dma_start3A_520 = arith.constant 0 : i32
      %dma_start3A_521 = arith.constant 0 : i32
      %dma_start3A_522 = tpu.memref_slice %arg2[%dma_start3A_520, %dma_start3A_521] : memref<10000x128xf32, #tpu.memory_space<hbm>> -> memref<10000x128xf32, #tpu.memory_space<hbm>>
      tpu.enqueue_indirect_dma source(%dma_start3A_522 : memref<10000x128xf32, #tpu.memory_space<hbm>>) target(%dma_start3A_514 : memref<64x128xf32, #tpu.memory_space<vmem>>) offsets(%dma_start3A_519 : memref<64xi32, #tpu.memory_space<vmem>>) semaphore(%arg18 : memref<!tpu.dma_semaphore, #tpu.memory_space<semaphore_mem>>)
      %dma_start3A_523 = arith.constant 0 : i32
      %dma_start3A_524 = arith.constant 1 : i32
      %dma_start3A_525 = arith.constant 64 : i32
      %dma_start3A_526 = arith.constant 0 : i32
      %dma_start3A_527 = tpu.memref_slice %arg11[%dma_start3A_524, %dma_start3A_525, %dma_start3A_526] : memref<2x128x128xf32, #tpu.memory_space<vmem>> -> memref<1x64x128xf32, #tpu.memory_space<vmem>>
      %dma_start3A_528 = tpu.memref_squeeze %dma_start3A_527 : memref<1x64x128xf32, #tpu.memory_space<vmem>> -> memref<64x128xf32, #tpu.memory_space<vmem>>
      %dma_start3A_529 = arith.constant 0 : i32
      %dma_start3A_530 = tpu.memref_slice %arg7[%dma_start3A_523, %dma_start3A_529] : memref<2x128xi32, #tpu.memory_space<vmem>> -> memref<1x128xi32, #tpu.memory_space<vmem>>
      %dma_start3A_531 = tpu.memref_squeeze %dma_start3A_530 : memref<1x128xi32, #tpu.memory_space<vmem>> -> memref<128xi32, #tpu.memory_space<vmem>>
      %dma_start3A_532 = arith.constant 64 : i32
      %dma_start3A_533 = tpu.memref_slice %dma_start3A_531[%dma_start3A_532] : memref<128xi32, #tpu.memory_space<vmem>> -> memref<64xi32, #tpu.memory_space<vmem>>
      %dma_start3A_534 = arith.constant 0 : i32
      %dma_start3A_535 = arith.constant 0 : i32
      %dma_start3A_536 = tpu.memref_slice %arg2[%dma_start3A_534, %dma_start3A_535] : memref<10000x128xf32, #tpu.memory_space<hbm>> -> memref<10000x128xf32, #tpu.memory_space<hbm>>
      tpu.enqueue_indirect_dma source(%dma_start3A_536 : memref<10000x128xf32, #tpu.memory_space<hbm>>) target(%dma_start3A_528 : memref<64x128xf32, #tpu.memory_space<vmem>>) offsets(%dma_start3A_533 : memref<64xi32, #tpu.memory_space<vmem>>) semaphore(%arg18 : memref<!tpu.dma_semaphore, #tpu.memory_space<semaphore_mem>>)
      %add3A_537 = arith.constant 3 : i32
      %add3A_538 = arith.addi %add3A_456, %add3A_537 : i32
      %lt3A_539 = arith.constant 78 : i32
      %lt3A_540 = arith.cmpi slt, %add3A_538, %lt3A_539 : i32
      %convert_element_type3A_541 = arith.extui %lt3A_540 : i1 to i32
      %cond3A_542 = arith.constant 0 : i32
      %cond3A_543 = arith.cmpi ne, %convert_element_type3A_541, %cond3A_542 : i32
      scf.if %cond3A_543 {
        %add3A_842 = arith.constant 3 : i32
        %add3A_843 = arith.addi %add3A_456, %add3A_842 : i32
        %mul3A_844 = arith.constant 32 : i32
        %mul3A_845 = arith.muli %mul3A_844, %add3A_843 : i32
        %add3A_846 = arith.addi %add3A, %mul3A_845 : i32
        %mul3A_847 = arith.constant 128 : i32
        %mul3A_848 = arith.muli %add3A_846, %mul3A_847 : i32
        %dma_start3A_849 = arith.constant 0 : i32
        %dma_start3A_850 = tpu.memref_slice %arg3[%dma_start3A_849, %mul3A_848] : memref<2x320000xi32, #tpu.memory_space<hbm>> -> memref<2x128xi32, #tpu.memory_space<hbm>>
        %dma_start3A_851 = arith.constant 0 : i32
        %dma_start3A_852 = tpu.memref_slice %arg3[%dma_start3A_851, %mul3A_848] : memref<2x320000xi32, #tpu.memory_space<hbm>> -> memref<2x128xi32, #tpu.memory_space<hbm>>
        tpu.enqueue_dma source(%dma_start3A_852 : memref<2x128xi32, #tpu.memory_space<hbm>>) target(%arg9 : memref<2x128xi32, #tpu.memory_space<vmem>>) target_semaphore(%arg16 : memref<!tpu.dma_semaphore, #tpu.memory_space<semaphore_mem>>)
      } else {
      }
      %mul3A_544 = arith.constant 4 : i32
      %mul3A_545 = arith.muli %scan3A_451, %mul3A_544 : i32
      %add3A_546 = arith.constant 1 : i32
      %add3A_547 = arith.addi %mul3A_545, %add3A_546 : i32
      %dma_wait3A_548 = arith.constant 1 : i32
      %dma_wait3A_549 = arith.constant 0 : i32
      %dma_wait3A_550 = arith.constant 0 : i32
      %dma_wait3A_551 = tpu.memref_slice %arg11[%dma_wait3A_548, %dma_wait3A_549, %dma_wait3A_550] : memref<2x128x128xf32, #tpu.memory_space<vmem>> -> memref<1x64x128xf32, #tpu.memory_space<vmem>>
      %dma_wait3A_552 = tpu.memref_squeeze %dma_wait3A_551 : memref<1x64x128xf32, #tpu.memory_space<vmem>> -> memref<64x128xf32, #tpu.memory_space<vmem>>
      %dma_wait3A_553 = arith.constant 0 : i32
      %dma_wait3A_554 = arith.constant 0 : i32
      %dma_wait3A_555 = tpu.memref_slice %arg2[%dma_wait3A_553, %dma_wait3A_554] : memref<10000x128xf32, #tpu.memory_space<hbm>> -> memref<64x128xf32, #tpu.memory_space<hbm>>
      %dma_wait3A_556 = arith.constant 0 : i32
      %dma_wait3A_557 = arith.constant 0 : i32
      %dma_wait3A_558 = tpu.memref_slice %arg11[%dma_wait3A_548, %dma_wait3A_556, %dma_wait3A_557] : memref<2x128x128xf32, #tpu.memory_space<vmem>> -> memref<1x64x128xf32, #tpu.memory_space<vmem>>
      %dma_wait3A_559 = tpu.memref_squeeze %dma_wait3A_558 : memref<1x64x128xf32, #tpu.memory_space<vmem>> -> memref<64x128xf32, #tpu.memory_space<vmem>>
      %dma_wait3A_560 = arith.constant 0 : i32
      %dma_wait3A_561 = arith.constant 0 : i32
      %dma_wait3A_562 = tpu.memref_slice %arg2[%dma_wait3A_560, %dma_wait3A_561] : memref<10000x128xf32, #tpu.memory_space<hbm>> -> memref<64x128xf32, #tpu.memory_space<hbm>>
      tpu.wait_dma2 semaphore(%arg18 : memref<!tpu.dma_semaphore, #tpu.memory_space<semaphore_mem>>) src(%dma_wait3A_562 : memref<64x128xf32, #tpu.memory_space<hbm>>) dst(%dma_wait3A_559 : memref<64x128xf32, #tpu.memory_space<vmem>>)
      %dma_wait3A_563 = arith.constant 1 : i32
      %dma_wait3A_564 = arith.constant 64 : i32
      %dma_wait3A_565 = arith.constant 0 : i32
      %dma_wait3A_566 = tpu.memref_slice %arg11[%dma_wait3A_563, %dma_wait3A_564, %dma_wait3A_565] : memref<2x128x128xf32, #tpu.memory_space<vmem>> -> memref<1x64x128xf32, #tpu.memory_space<vmem>>
      %dma_wait3A_567 = tpu.memref_squeeze %dma_wait3A_566 : memref<1x64x128xf32, #tpu.memory_space<vmem>> -> memref<64x128xf32, #tpu.memory_space<vmem>>
      %dma_wait3A_568 = arith.constant 0 : i32
      %dma_wait3A_569 = arith.constant 0 : i32
      %dma_wait3A_570 = tpu.memref_slice %arg2[%dma_wait3A_568, %dma_wait3A_569] : memref<10000x128xf32, #tpu.memory_space<hbm>> -> memref<64x128xf32, #tpu.memory_space<hbm>>
      %dma_wait3A_571 = arith.constant 64 : i32
      %dma_wait3A_572 = arith.constant 0 : i32
      %dma_wait3A_573 = tpu.memref_slice %arg11[%dma_wait3A_563, %dma_wait3A_571, %dma_wait3A_572] : memref<2x128x128xf32, #tpu.memory_space<vmem>> -> memref<1x64x128xf32, #tpu.memory_space<vmem>>
      %dma_wait3A_574 = tpu.memref_squeeze %dma_wait3A_573 : memref<1x64x128xf32, #tpu.memory_space<vmem>> -> memref<64x128xf32, #tpu.memory_space<vmem>>
      %dma_wait3A_575 = arith.constant 0 : i32
      %dma_wait3A_576 = arith.constant 0 : i32
      %dma_wait3A_577 = tpu.memref_slice %arg2[%dma_wait3A_575, %dma_wait3A_576] : memref<10000x128xf32, #tpu.memory_space<hbm>> -> memref<64x128xf32, #tpu.memory_space<hbm>>
      tpu.wait_dma2 semaphore(%arg18 : memref<!tpu.dma_semaphore, #tpu.memory_space<semaphore_mem>>) src(%dma_wait3A_577 : memref<64x128xf32, #tpu.memory_space<hbm>>) dst(%dma_wait3A_574 : memref<64x128xf32, #tpu.memory_space<vmem>>)
      %dma_start3A_578 = arith.constant 1 : i32
      %dma_start3A_579 = arith.constant 1 : i32
      %dma_start3A_580 = arith.constant 0 : i32
      %dma_start3A_581 = arith.constant 0 : i32
      %dma_start3A_582 = tpu.memref_slice %arg11[%dma_start3A_578, %dma_start3A_580, %dma_start3A_581] : memref<2x128x128xf32, #tpu.memory_space<vmem>> -> memref<1x128x128xf32, #tpu.memory_space<vmem>>
      %dma_start3A_583 = tpu.memref_squeeze %dma_start3A_582 : memref<1x128x128xf32, #tpu.memory_space<vmem>> -> memref<128x128xf32, #tpu.memory_space<vmem>>
      %dma_start3A_584 = arith.constant 0 : i32
      %dma_start3A_585 = tpu.memref_slice %arg7[%dma_start3A_579, %dma_start3A_584] : memref<2x128xi32, #tpu.memory_space<vmem>> -> memref<1x128xi32, #tpu.memory_space<vmem>>
      %dma_start3A_586 = tpu.memref_squeeze %dma_start3A_585 : memref<1x128xi32, #tpu.memory_space<vmem>> -> memref<128xi32, #tpu.memory_space<vmem>>
      %dma_start3A_587 = arith.constant 0 : i32
      %dma_start3A_588 = arith.constant 0 : i32
      %dma_start3A_589 = tpu.memref_slice %arg5[%dma_start3A_587, %dma_start3A_588] : memref<10000x128xf32, #tpu.memory_space<vmem_shared>> -> memref<10000x128xf32, #tpu.memory_space<vmem_shared>>
      tpu.enqueue_indirect_dma source(%dma_start3A_583 : memref<128x128xf32, #tpu.memory_space<vmem>>) target(%dma_start3A_589 : memref<10000x128xf32, #tpu.memory_space<vmem_shared>>) offsets(%dma_start3A_586 : memref<128xi32, #tpu.memory_space<vmem>>) semaphore(%arg20 : memref<!tpu.dma_semaphore, #tpu.memory_space<semaphore_mem>>) {add = true}
      %dma_wait3A_590 = arith.constant 0 : i32
      %dma_wait3A_591 = arith.constant 0 : i32
      %dma_wait3A_592 = tpu.memref_slice %arg3[%dma_wait3A_590, %dma_wait3A_591] : memref<2x320000xi32, #tpu.memory_space<hbm>> -> memref<2x128xi32, #tpu.memory_space<hbm>>
      %dma_wait3A_593 = arith.constant 0 : i32
      %dma_wait3A_594 = arith.constant 0 : i32
      %dma_wait3A_595 = tpu.memref_slice %arg3[%dma_wait3A_593, %dma_wait3A_594] : memref<2x320000xi32, #tpu.memory_space<hbm>> -> memref<2x128xi32, #tpu.memory_space<hbm>>
      tpu.wait_dma2 semaphore(%arg15 : memref<!tpu.dma_semaphore, #tpu.memory_space<semaphore_mem>>) src(%dma_wait3A_595 : memref<2x128xi32, #tpu.memory_space<hbm>>) dst(%arg8 : memref<2x128xi32, #tpu.memory_space<vmem>>)
      %dma_wait3A_596 = arith.constant 0 : i32
      %dma_wait3A_597 = arith.constant 1 : i32
      %dma_wait3A_598 = arith.constant 0 : i32
      %dma_wait3A_599 = arith.constant 0 : i32
      %dma_wait3A_600 = tpu.memref_slice %arg11[%dma_wait3A_596, %dma_wait3A_598, %dma_wait3A_599] : memref<2x128x128xf32, #tpu.memory_space<vmem>> -> memref<1x128x128xf32, #tpu.memory_space<vmem>>
      %dma_wait3A_601 = tpu.memref_squeeze %dma_wait3A_600 : memref<1x128x128xf32, #tpu.memory_space<vmem>> -> memref<128x128xf32, #tpu.memory_space<vmem>>
      %dma_wait3A_602 = arith.constant 0 : i32
      %dma_wait3A_603 = tpu.memref_slice %arg6[%dma_wait3A_597, %dma_wait3A_602] : memref<2x128xi32, #tpu.memory_space<vmem>> -> memref<1x128xi32, #tpu.memory_space<vmem>>
      %dma_wait3A_604 = tpu.memref_squeeze %dma_wait3A_603 : memref<1x128xi32, #tpu.memory_space<vmem>> -> memref<128xi32, #tpu.memory_space<vmem>>
      %dma_wait3A_605 = arith.constant 0 : i32
      %dma_wait3A_606 = arith.constant 0 : i32
      %dma_wait3A_607 = tpu.memref_slice %arg5[%dma_wait3A_605, %dma_wait3A_606] : memref<10000x128xf32, #tpu.memory_space<vmem_shared>> -> memref<10000x128xf32, #tpu.memory_space<vmem_shared>>
      tpu.wait_indirect_dma semaphore(%arg19 : memref<!tpu.dma_semaphore, #tpu.memory_space<semaphore_mem>>) src(%dma_wait3A_601 : memref<128x128xf32, #tpu.memory_space<vmem>>) dst(%dma_wait3A_607 : memref<10000x128xf32, #tpu.memory_space<vmem_shared>>)
      %dma_start3A_608 = arith.constant 0 : i32
      %dma_start3A_609 = arith.constant 0 : i32
      %dma_start3A_610 = arith.constant 0 : i32
      %dma_start3A_611 = arith.constant 0 : i32
      %dma_start3A_612 = tpu.memref_slice %arg11[%dma_start3A_609, %dma_start3A_610, %dma_start3A_611] : memref<2x128x128xf32, #tpu.memory_space<vmem>> -> memref<1x64x128xf32, #tpu.memory_space<vmem>>
      %dma_start3A_613 = tpu.memref_squeeze %dma_start3A_612 : memref<1x64x128xf32, #tpu.memory_space<vmem>> -> memref<64x128xf32, #tpu.memory_space<vmem>>
      %dma_start3A_614 = arith.constant 0 : i32
      %dma_start3A_615 = tpu.memref_slice %arg8[%dma_start3A_608, %dma_start3A_614] : memref<2x128xi32, #tpu.memory_space<vmem>> -> memref<1x128xi32, #tpu.memory_space<vmem>>
      %dma_start3A_616 = tpu.memref_squeeze %dma_start3A_615 : memref<1x128xi32, #tpu.memory_space<vmem>> -> memref<128xi32, #tpu.memory_space<vmem>>
      %dma_start3A_617 = arith.constant 0 : i32
      %dma_start3A_618 = tpu.memref_slice %dma_start3A_616[%dma_start3A_617] : memref<128xi32, #tpu.memory_space<vmem>> -> memref<64xi32, #tpu.memory_space<vmem>>
      %dma_start3A_619 = arith.constant 0 : i32
      %dma_start3A_620 = arith.constant 0 : i32
      %dma_start3A_621 = tpu.memref_slice %arg2[%dma_start3A_619, %dma_start3A_620] : memref<10000x128xf32, #tpu.memory_space<hbm>> -> memref<10000x128xf32, #tpu.memory_space<hbm>>
      tpu.enqueue_indirect_dma source(%dma_start3A_621 : memref<10000x128xf32, #tpu.memory_space<hbm>>) target(%dma_start3A_613 : memref<64x128xf32, #tpu.memory_space<vmem>>) offsets(%dma_start3A_618 : memref<64xi32, #tpu.memory_space<vmem>>) semaphore(%arg17 : memref<!tpu.dma_semaphore, #tpu.memory_space<semaphore_mem>>)
      %dma_start3A_622 = arith.constant 0 : i32
      %dma_start3A_623 = arith.constant 0 : i32
      %dma_start3A_624 = arith.constant 64 : i32
      %dma_start3A_625 = arith.constant 0 : i32
      %dma_start3A_626 = tpu.memref_slice %arg11[%dma_start3A_623, %dma_start3A_624, %dma_start3A_625] : memref<2x128x128xf32, #tpu.memory_space<vmem>> -> memref<1x64x128xf32, #tpu.memory_space<vmem>>
      %dma_start3A_627 = tpu.memref_squeeze %dma_start3A_626 : memref<1x64x128xf32, #tpu.memory_space<vmem>> -> memref<64x128xf32, #tpu.memory_space<vmem>>
      %dma_start3A_628 = arith.constant 0 : i32
      %dma_start3A_629 = tpu.memref_slice %arg8[%dma_start3A_622, %dma_start3A_628] : memref<2x128xi32, #tpu.memory_space<vmem>> -> memref<1x128xi32, #tpu.memory_space<vmem>>
      %dma_start3A_630 = tpu.memref_squeeze %dma_start3A_629 : memref<1x128xi32, #tpu.memory_space<vmem>> -> memref<128xi32, #tpu.memory_space<vmem>>
      %dma_start3A_631 = arith.constant 64 : i32
      %dma_start3A_632 = tpu.memref_slice %dma_start3A_630[%dma_start3A_631] : memref<128xi32, #tpu.memory_space<vmem>> -> memref<64xi32, #tpu.memory_space<vmem>>
      %dma_start3A_633 = arith.constant 0 : i32
      %dma_start3A_634 = arith.constant 0 : i32
      %dma_start3A_635 = tpu.memref_slice %arg2[%dma_start3A_633, %dma_start3A_634] : memref<10000x128xf32, #tpu.memory_space<hbm>> -> memref<10000x128xf32, #tpu.memory_space<hbm>>
      tpu.enqueue_indirect_dma source(%dma_start3A_635 : memref<10000x128xf32, #tpu.memory_space<hbm>>) target(%dma_start3A_627 : memref<64x128xf32, #tpu.memory_space<vmem>>) offsets(%dma_start3A_632 : memref<64xi32, #tpu.memory_space<vmem>>) semaphore(%arg17 : memref<!tpu.dma_semaphore, #tpu.memory_space<semaphore_mem>>)
      %add3A_636 = arith.constant 3 : i32
      %add3A_637 = arith.addi %add3A_547, %add3A_636 : i32
      %lt3A_638 = arith.constant 78 : i32
      %lt3A_639 = arith.cmpi slt, %add3A_637, %lt3A_638 : i32
      %convert_element_type3A_640 = arith.extui %lt3A_639 : i1 to i32
      %cond3A_641 = arith.constant 0 : i32
      %cond3A_642 = arith.cmpi ne, %convert_element_type3A_640, %cond3A_641 : i32
      scf.if %cond3A_642 {
        %add3A_842 = arith.constant 3 : i32
        %add3A_843 = arith.addi %add3A_547, %add3A_842 : i32
        %mul3A_844 = arith.constant 32 : i32
        %mul3A_845 = arith.muli %mul3A_844, %add3A_843 : i32
        %add3A_846 = arith.addi %add3A, %mul3A_845 : i32
        %mul3A_847 = arith.constant 128 : i32
        %mul3A_848 = arith.muli %add3A_846, %mul3A_847 : i32
        %dma_start3A_849 = arith.constant 0 : i32
        %dma_start3A_850 = tpu.memref_slice %arg3[%dma_start3A_849, %mul3A_848] : memref<2x320000xi32, #tpu.memory_space<hbm>> -> memref<2x128xi32, #tpu.memory_space<hbm>>
        %dma_start3A_851 = arith.constant 0 : i32
        %dma_start3A_852 = tpu.memref_slice %arg3[%dma_start3A_851, %mul3A_848] : memref<2x320000xi32, #tpu.memory_space<hbm>> -> memref<2x128xi32, #tpu.memory_space<hbm>>
        tpu.enqueue_dma source(%dma_start3A_852 : memref<2x128xi32, #tpu.memory_space<hbm>>) target(%arg6 : memref<2x128xi32, #tpu.memory_space<vmem>>) target_semaphore(%arg13 : memref<!tpu.dma_semaphore, #tpu.memory_space<semaphore_mem>>)
      } else {
      }
      %mul3A_643 = arith.constant 4 : i32
      %mul3A_644 = arith.muli %scan3A_451, %mul3A_643 : i32
      %add3A_645 = arith.constant 2 : i32
      %add3A_646 = arith.addi %mul3A_644, %add3A_645 : i32
      %dma_wait3A_647 = arith.constant 0 : i32
      %dma_wait3A_648 = arith.constant 0 : i32
      %dma_wait3A_649 = arith.constant 0 : i32
      %dma_wait3A_650 = tpu.memref_slice %arg11[%dma_wait3A_647, %dma_wait3A_648, %dma_wait3A_649] : memref<2x128x128xf32, #tpu.memory_space<vmem>> -> memref<1x64x128xf32, #tpu.memory_space<vmem>>
      %dma_wait3A_651 = tpu.memref_squeeze %dma_wait3A_650 : memref<1x64x128xf32, #tpu.memory_space<vmem>> -> memref<64x128xf32, #tpu.memory_space<vmem>>
      %dma_wait3A_652 = arith.constant 0 : i32
      %dma_wait3A_653 = arith.constant 0 : i32
      %dma_wait3A_654 = tpu.memref_slice %arg2[%dma_wait3A_652, %dma_wait3A_653] : memref<10000x128xf32, #tpu.memory_space<hbm>> -> memref<64x128xf32, #tpu.memory_space<hbm>>
      %dma_wait3A_655 = arith.constant 0 : i32
      %dma_wait3A_656 = arith.constant 0 : i32
      %dma_wait3A_657 = tpu.memref_slice %arg11[%dma_wait3A_647, %dma_wait3A_655, %dma_wait3A_656] : memref<2x128x128xf32, #tpu.memory_space<vmem>> -> memref<1x64x128xf32, #tpu.memory_space<vmem>>
      %dma_wait3A_658 = tpu.memref_squeeze %dma_wait3A_657 : memref<1x64x128xf32, #tpu.memory_space<vmem>> -> memref<64x128xf32, #tpu.memory_space<vmem>>
      %dma_wait3A_659 = arith.constant 0 : i32
      %dma_wait3A_660 = arith.constant 0 : i32
      %dma_wait3A_661 = tpu.memref_slice %arg2[%dma_wait3A_659, %dma_wait3A_660] : memref<10000x128xf32, #tpu.memory_space<hbm>> -> memref<64x128xf32, #tpu.memory_space<hbm>>
      tpu.wait_dma2 semaphore(%arg17 : memref<!tpu.dma_semaphore, #tpu.memory_space<semaphore_mem>>) src(%dma_wait3A_661 : memref<64x128xf32, #tpu.memory_space<hbm>>) dst(%dma_wait3A_658 : memref<64x128xf32, #tpu.memory_space<vmem>>)
      %dma_wait3A_662 = arith.constant 0 : i32
      %dma_wait3A_663 = arith.constant 64 : i32
      %dma_wait3A_664 = arith.constant 0 : i32
      %dma_wait3A_665 = tpu.memref_slice %arg11[%dma_wait3A_662, %dma_wait3A_663, %dma_wait3A_664] : memref<2x128x128xf32, #tpu.memory_space<vmem>> -> memref<1x64x128xf32, #tpu.memory_space<vmem>>
      %dma_wait3A_666 = tpu.memref_squeeze %dma_wait3A_665 : memref<1x64x128xf32, #tpu.memory_space<vmem>> -> memref<64x128xf32, #tpu.memory_space<vmem>>
      %dma_wait3A_667 = arith.constant 0 : i32
      %dma_wait3A_668 = arith.constant 0 : i32
      %dma_wait3A_669 = tpu.memref_slice %arg2[%dma_wait3A_667, %dma_wait3A_668] : memref<10000x128xf32, #tpu.memory_space<hbm>> -> memref<64x128xf32, #tpu.memory_space<hbm>>
      %dma_wait3A_670 = arith.constant 64 : i32
      %dma_wait3A_671 = arith.constant 0 : i32
      %dma_wait3A_672 = tpu.memref_slice %arg11[%dma_wait3A_662, %dma_wait3A_670, %dma_wait3A_671] : memref<2x128x128xf32, #tpu.memory_space<vmem>> -> memref<1x64x128xf32, #tpu.memory_space<vmem>>
      %dma_wait3A_673 = tpu.memref_squeeze %dma_wait3A_672 : memref<1x64x128xf32, #tpu.memory_space<vmem>> -> memref<64x128xf32, #tpu.memory_space<vmem>>
      %dma_wait3A_674 = arith.constant 0 : i32
      %dma_wait3A_675 = arith.constant 0 : i32
      %dma_wait3A_676 = tpu.memref_slice %arg2[%dma_wait3A_674, %dma_wait3A_675] : memref<10000x128xf32, #tpu.memory_space<hbm>> -> memref<64x128xf32, #tpu.memory_space<hbm>>
      tpu.wait_dma2 semaphore(%arg17 : memref<!tpu.dma_semaphore, #tpu.memory_space<semaphore_mem>>) src(%dma_wait3A_676 : memref<64x128xf32, #tpu.memory_space<hbm>>) dst(%dma_wait3A_673 : memref<64x128xf32, #tpu.memory_space<vmem>>)
      %dma_start3A_677 = arith.constant 0 : i32
      %dma_start3A_678 = arith.constant 1 : i32
      %dma_start3A_679 = arith.constant 0 : i32
      %dma_start3A_680 = arith.constant 0 : i32
      %dma_start3A_681 = tpu.memref_slice %arg11[%dma_start3A_677, %dma_start3A_679, %dma_start3A_680] : memref<2x128x128xf32, #tpu.memory_space<vmem>> -> memref<1x128x128xf32, #tpu.memory_space<vmem>>
      %dma_start3A_682 = tpu.memref_squeeze %dma_start3A_681 : memref<1x128x128xf32, #tpu.memory_space<vmem>> -> memref<128x128xf32, #tpu.memory_space<vmem>>
      %dma_start3A_683 = arith.constant 0 : i32
      %dma_start3A_684 = tpu.memref_slice %arg8[%dma_start3A_678, %dma_start3A_683] : memref<2x128xi32, #tpu.memory_space<vmem>> -> memref<1x128xi32, #tpu.memory_space<vmem>>
      %dma_start3A_685 = tpu.memref_squeeze %dma_start3A_684 : memref<1x128xi32, #tpu.memory_space<vmem>> -> memref<128xi32, #tpu.memory_space<vmem>>
      %dma_start3A_686 = arith.constant 0 : i32
      %dma_start3A_687 = arith.constant 0 : i32
      %dma_start3A_688 = tpu.memref_slice %arg5[%dma_start3A_686, %dma_start3A_687] : memref<10000x128xf32, #tpu.memory_space<vmem_shared>> -> memref<10000x128xf32, #tpu.memory_space<vmem_shared>>
      tpu.enqueue_indirect_dma source(%dma_start3A_682 : memref<128x128xf32, #tpu.memory_space<vmem>>) target(%dma_start3A_688 : memref<10000x128xf32, #tpu.memory_space<vmem_shared>>) offsets(%dma_start3A_685 : memref<128xi32, #tpu.memory_space<vmem>>) semaphore(%arg19 : memref<!tpu.dma_semaphore, #tpu.memory_space<semaphore_mem>>) {add = true}
      %dma_wait3A_689 = arith.constant 0 : i32
      %dma_wait3A_690 = arith.constant 0 : i32
      %dma_wait3A_691 = tpu.memref_slice %arg3[%dma_wait3A_689, %dma_wait3A_690] : memref<2x320000xi32, #tpu.memory_space<hbm>> -> memref<2x128xi32, #tpu.memory_space<hbm>>
      %dma_wait3A_692 = arith.constant 0 : i32
      %dma_wait3A_693 = arith.constant 0 : i32
      %dma_wait3A_694 = tpu.memref_slice %arg3[%dma_wait3A_692, %dma_wait3A_693] : memref<2x320000xi32, #tpu.memory_space<hbm>> -> memref<2x128xi32, #tpu.memory_space<hbm>>
      tpu.wait_dma2 semaphore(%arg16 : memref<!tpu.dma_semaphore, #tpu.memory_space<semaphore_mem>>) src(%dma_wait3A_694 : memref<2x128xi32, #tpu.memory_space<hbm>>) dst(%arg9 : memref<2x128xi32, #tpu.memory_space<vmem>>)
      %dma_wait3A_695 = arith.constant 1 : i32
      %dma_wait3A_696 = arith.constant 1 : i32
      %dma_wait3A_697 = arith.constant 0 : i32
      %dma_wait3A_698 = arith.constant 0 : i32
      %dma_wait3A_699 = tpu.memref_slice %arg11[%dma_wait3A_695, %dma_wait3A_697, %dma_wait3A_698] : memref<2x128x128xf32, #tpu.memory_space<vmem>> -> memref<1x128x128xf32, #tpu.memory_space<vmem>>
      %dma_wait3A_700 = tpu.memref_squeeze %dma_wait3A_699 : memref<1x128x128xf32, #tpu.memory_space<vmem>> -> memref<128x128xf32, #tpu.memory_space<vmem>>
      %dma_wait3A_701 = arith.constant 0 : i32
      %dma_wait3A_702 = tpu.memref_slice %arg6[%dma_wait3A_696, %dma_wait3A_701] : memref<2x128xi32, #tpu.memory_space<vmem>> -> memref<1x128xi32, #tpu.memory_space<vmem>>
      %dma_wait3A_703 = tpu.memref_squeeze %dma_wait3A_702 : memref<1x128xi32, #tpu.memory_space<vmem>> -> memref<128xi32, #tpu.memory_space<vmem>>
      %dma_wait3A_704 = arith.constant 0 : i32
      %dma_wait3A_705 = arith.constant 0 : i32
      %dma_wait3A_706 = tpu.memref_slice %arg5[%dma_wait3A_704, %dma_wait3A_705] : memref<10000x128xf32, #tpu.memory_space<vmem_shared>> -> memref<10000x128xf32, #tpu.memory_space<vmem_shared>>
      tpu.wait_indirect_dma semaphore(%arg20 : memref<!tpu.dma_semaphore, #tpu.memory_space<semaphore_mem>>) src(%dma_wait3A_700 : memref<128x128xf32, #tpu.memory_space<vmem>>) dst(%dma_wait3A_706 : memref<10000x128xf32, #tpu.memory_space<vmem_shared>>)
      %dma_start3A_707 = arith.constant 0 : i32
      %dma_start3A_708 = arith.constant 1 : i32
      %dma_start3A_709 = arith.constant 0 : i32
      %dma_start3A_710 = arith.constant 0 : i32
      %dma_start3A_711 = tpu.memref_slice %arg11[%dma_start3A_708, %dma_start3A_709, %dma_start3A_710] : memref<2x128x128xf32, #tpu.memory_space<vmem>> -> memref<1x64x128xf32, #tpu.memory_space<vmem>>
      %dma_start3A_712 = tpu.memref_squeeze %dma_start3A_711 : memref<1x64x128xf32, #tpu.memory_space<vmem>> -> memref<64x128xf32, #tpu.memory_space<vmem>>
      %dma_start3A_713 = arith.constant 0 : i32
      %dma_start3A_714 = tpu.memref_slice %arg9[%dma_start3A_707, %dma_start3A_713] : memref<2x128xi32, #tpu.memory_space<vmem>> -> memref<1x128xi32, #tpu.memory_space<vmem>>
      %dma_start3A_715 = tpu.memref_squeeze %dma_start3A_714 : memref<1x128xi32, #tpu.memory_space<vmem>> -> memref<128xi32, #tpu.memory_space<vmem>>
      %dma_start3A_716 = arith.constant 0 : i32
      %dma_start3A_717 = tpu.memref_slice %dma_start3A_715[%dma_start3A_716] : memref<128xi32, #tpu.memory_space<vmem>> -> memref<64xi32, #tpu.memory_space<vmem>>
      %dma_start3A_718 = arith.constant 0 : i32
      %dma_start3A_719 = arith.constant 0 : i32
      %dma_start3A_720 = tpu.memref_slice %arg2[%dma_start3A_718, %dma_start3A_719] : memref<10000x128xf32, #tpu.memory_space<hbm>> -> memref<10000x128xf32, #tpu.memory_space<hbm>>
      tpu.enqueue_indirect_dma source(%dma_start3A_720 : memref<10000x128xf32, #tpu.memory_space<hbm>>) target(%dma_start3A_712 : memref<64x128xf32, #tpu.memory_space<vmem>>) offsets(%dma_start3A_717 : memref<64xi32, #tpu.memory_space<vmem>>) semaphore(%arg18 : memref<!tpu.dma_semaphore, #tpu.memory_space<semaphore_mem>>)
      %dma_start3A_721 = arith.constant 0 : i32
      %dma_start3A_722 = arith.constant 1 : i32
      %dma_start3A_723 = arith.constant 64 : i32
      %dma_start3A_724 = arith.constant 0 : i32
      %dma_start3A_725 = tpu.memref_slice %arg11[%dma_start3A_722, %dma_start3A_723, %dma_start3A_724] : memref<2x128x128xf32, #tpu.memory_space<vmem>> -> memref<1x64x128xf32, #tpu.memory_space<vmem>>
      %dma_start3A_726 = tpu.memref_squeeze %dma_start3A_725 : memref<1x64x128xf32, #tpu.memory_space<vmem>> -> memref<64x128xf32, #tpu.memory_space<vmem>>
      %dma_start3A_727 = arith.constant 0 : i32
      %dma_start3A_728 = tpu.memref_slice %arg9[%dma_start3A_721, %dma_start3A_727] : memref<2x128xi32, #tpu.memory_space<vmem>> -> memref<1x128xi32, #tpu.memory_space<vmem>>
      %dma_start3A_729 = tpu.memref_squeeze %dma_start3A_728 : memref<1x128xi32, #tpu.memory_space<vmem>> -> memref<128xi32, #tpu.memory_space<vmem>>
      %dma_start3A_730 = arith.constant 64 : i32
      %dma_start3A_731 = tpu.memref_slice %dma_start3A_729[%dma_start3A_730] : memref<128xi32, #tpu.memory_space<vmem>> -> memref<64xi32, #tpu.memory_space<vmem>>
      %dma_start3A_732 = arith.constant 0 : i32
      %dma_start3A_733 = arith.constant 0 : i32
      %dma_start3A_734 = tpu.memref_slice %arg2[%dma_start3A_732, %dma_start3A_733] : memref<10000x128xf32, #tpu.memory_space<hbm>> -> memref<10000x128xf32, #tpu.memory_space<hbm>>
      tpu.enqueue_indirect_dma source(%dma_start3A_734 : memref<10000x128xf32, #tpu.memory_space<hbm>>) target(%dma_start3A_726 : memref<64x128xf32, #tpu.memory_space<vmem>>) offsets(%dma_start3A_731 : memref<64xi32, #tpu.memory_space<vmem>>) semaphore(%arg18 : memref<!tpu.dma_semaphore, #tpu.memory_space<semaphore_mem>>)
      %add3A_735 = arith.constant 3 : i32
      %add3A_736 = arith.addi %add3A_646, %add3A_735 : i32
      %lt3A_737 = arith.constant 78 : i32
      %lt3A_738 = arith.cmpi slt, %add3A_736, %lt3A_737 : i32
      %convert_element_type3A_739 = arith.extui %lt3A_738 : i1 to i32
      %cond3A_740 = arith.constant 0 : i32
      %cond3A_741 = arith.cmpi ne, %convert_element_type3A_739, %cond3A_740 : i32
      scf.if %cond3A_741 {
        %add3A_842 = arith.constant 3 : i32
        %add3A_843 = arith.addi %add3A_646, %add3A_842 : i32
        %mul3A_844 = arith.constant 32 : i32
        %mul3A_845 = arith.muli %mul3A_844, %add3A_843 : i32
        %add3A_846 = arith.addi %add3A, %mul3A_845 : i32
        %mul3A_847 = arith.constant 128 : i32
        %mul3A_848 = arith.muli %add3A_846, %mul3A_847 : i32
        %dma_start3A_849 = arith.constant 0 : i32
        %dma_start3A_850 = tpu.memref_slice %arg3[%dma_start3A_849, %mul3A_848] : memref<2x320000xi32, #tpu.memory_space<hbm>> -> memref<2x128xi32, #tpu.memory_space<hbm>>
        %dma_start3A_851 = arith.constant 0 : i32
        %dma_start3A_852 = tpu.memref_slice %arg3[%dma_start3A_851, %mul3A_848] : memref<2x320000xi32, #tpu.memory_space<hbm>> -> memref<2x128xi32, #tpu.memory_space<hbm>>
        tpu.enqueue_dma source(%dma_start3A_852 : memref<2x128xi32, #tpu.memory_space<hbm>>) target(%arg7 : memref<2x128xi32, #tpu.memory_space<vmem>>) target_semaphore(%arg14 : memref<!tpu.dma_semaphore, #tpu.memory_space<semaphore_mem>>)
      } else {
      }
      %mul3A_742 = arith.constant 4 : i32
      %mul3A_743 = arith.muli %scan3A_451, %mul3A_742 : i32
      %add3A_744 = arith.constant 3 : i32
      %add3A_745 = arith.addi %mul3A_743, %add3A_744 : i32
      %dma_wait3A_746 = arith.constant 1 : i32
      %dma_wait3A_747 = arith.constant 0 : i32
      %dma_wait3A_748 = arith.constant 0 : i32
      %dma_wait3A_749 = tpu.memref_slice %arg11[%dma_wait3A_746, %dma_wait3A_747, %dma_wait3A_748] : memref<2x128x128xf32, #tpu.memory_space<vmem>> -> memref<1x64x128xf32, #tpu.memory_space<vmem>>
      %dma_wait3A_750 = tpu.memref_squeeze %dma_wait3A_749 : memref<1x64x128xf32, #tpu.memory_space<vmem>> -> memref<64x128xf32, #tpu.memory_space<vmem>>
      %dma_wait3A_751 = arith.constant 0 : i32
      %dma_wait3A_752 = arith.constant 0 : i32
      %dma_wait3A_753 = tpu.memref_slice %arg2[%dma_wait3A_751, %dma_wait3A_752] : memref<10000x128xf32, #tpu.memory_space<hbm>> -> memref<64x128xf32, #tpu.memory_space<hbm>>
      %dma_wait3A_754 = arith.constant 0 : i32
      %dma_wait3A_755 = arith.constant 0 : i32
      %dma_wait3A_756 = tpu.memref_slice %arg11[%dma_wait3A_746, %dma_wait3A_754, %dma_wait3A_755] : memref<2x128x128xf32, #tpu.memory_space<vmem>> -> memref<1x64x128xf32, #tpu.memory_space<vmem>>
      %dma_wait3A_757 = tpu.memref_squeeze %dma_wait3A_756 : memref<1x64x128xf32, #tpu.memory_space<vmem>> -> memref<64x128xf32, #tpu.memory_space<vmem>>
      %dma_wait3A_758 = arith.constant 0 : i32
      %dma_wait3A_759 = arith.constant 0 : i32
      %dma_wait3A_760 = tpu.memref_slice %arg2[%dma_wait3A_758, %dma_wait3A_759] : memref<10000x128xf32, #tpu.memory_space<hbm>> -> memref<64x128xf32, #tpu.memory_space<hbm>>
      tpu.wait_dma2 semaphore(%arg18 : memref<!tpu.dma_semaphore, #tpu.memory_space<semaphore_mem>>) src(%dma_wait3A_760 : memref<64x128xf32, #tpu.memory_space<hbm>>) dst(%dma_wait3A_757 : memref<64x128xf32, #tpu.memory_space<vmem>>)
      %dma_wait3A_761 = arith.constant 1 : i32
      %dma_wait3A_762 = arith.constant 64 : i32
      %dma_wait3A_763 = arith.constant 0 : i32
      %dma_wait3A_764 = tpu.memref_slice %arg11[%dma_wait3A_761, %dma_wait3A_762, %dma_wait3A_763] : memref<2x128x128xf32, #tpu.memory_space<vmem>> -> memref<1x64x128xf32, #tpu.memory_space<vmem>>
      %dma_wait3A_765 = tpu.memref_squeeze %dma_wait3A_764 : memref<1x64x128xf32, #tpu.memory_space<vmem>> -> memref<64x128xf32, #tpu.memory_space<vmem>>
      %dma_wait3A_766 = arith.constant 0 : i32
      %dma_wait3A_767 = arith.constant 0 : i32
      %dma_wait3A_768 = tpu.memref_slice %arg2[%dma_wait3A_766, %dma_wait3A_767] : memref<10000x128xf32, #tpu.memory_space<hbm>> -> memref<64x128xf32, #tpu.memory_space<hbm>>
      %dma_wait3A_769 = arith.constant 64 : i32
      %dma_wait3A_770 = arith.constant 0 : i32
      %dma_wait3A_771 = tpu.memref_slice %arg11[%dma_wait3A_761, %dma_wait3A_769, %dma_wait3A_770] : memref<2x128x128xf32, #tpu.memory_space<vmem>> -> memref<1x64x128xf32, #tpu.memory_space<vmem>>
      %dma_wait3A_772 = tpu.memref_squeeze %dma_wait3A_771 : memref<1x64x128xf32, #tpu.memory_space<vmem>> -> memref<64x128xf32, #tpu.memory_space<vmem>>
      %dma_wait3A_773 = arith.constant 0 : i32
      %dma_wait3A_774 = arith.constant 0 : i32
      %dma_wait3A_775 = tpu.memref_slice %arg2[%dma_wait3A_773, %dma_wait3A_774] : memref<10000x128xf32, #tpu.memory_space<hbm>> -> memref<64x128xf32, #tpu.memory_space<hbm>>
      tpu.wait_dma2 semaphore(%arg18 : memref<!tpu.dma_semaphore, #tpu.memory_space<semaphore_mem>>) src(%dma_wait3A_775 : memref<64x128xf32, #tpu.memory_space<hbm>>) dst(%dma_wait3A_772 : memref<64x128xf32, #tpu.memory_space<vmem>>)
      %dma_start3A_776 = arith.constant 1 : i32
      %dma_start3A_777 = arith.constant 1 : i32
      %dma_start3A_778 = arith.constant 0 : i32
      %dma_start3A_779 = arith.constant 0 : i32
      %dma_start3A_780 = tpu.memref_slice %arg11[%dma_start3A_776, %dma_start3A_778, %dma_start3A_779] : memref<2x128x128xf32, #tpu.memory_space<vmem>> -> memref<1x128x128xf32, #tpu.memory_space<vmem>>
      %dma_start3A_781 = tpu.memref_squeeze %dma_start3A_780 : memref<1x128x128xf32, #tpu.memory_space<vmem>> -> memref<128x128xf32, #tpu.memory_space<vmem>>
      %dma_start3A_782 = arith.constant 0 : i32
      %dma_start3A_783 = tpu.memref_slice %arg9[%dma_start3A_777, %dma_start3A_782] : memref<2x128xi32, #tpu.memory_space<vmem>> -> memref<1x128xi32, #tpu.memory_space<vmem>>
      %dma_start3A_784 = tpu.memref_squeeze %dma_start3A_783 : memref<1x128xi32, #tpu.memory_space<vmem>> -> memref<128xi32, #tpu.memory_space<vmem>>
      %dma_start3A_785 = arith.constant 0 : i32
      %dma_start3A_786 = arith.constant 0 : i32
      %dma_start3A_787 = tpu.memref_slice %arg5[%dma_start3A_785, %dma_start3A_786] : memref<10000x128xf32, #tpu.memory_space<vmem_shared>> -> memref<10000x128xf32, #tpu.memory_space<vmem_shared>>
      tpu.enqueue_indirect_dma source(%dma_start3A_781 : memref<128x128xf32, #tpu.memory_space<vmem>>) target(%dma_start3A_787 : memref<10000x128xf32, #tpu.memory_space<vmem_shared>>) offsets(%dma_start3A_784 : memref<128xi32, #tpu.memory_space<vmem>>) semaphore(%arg20 : memref<!tpu.dma_semaphore, #tpu.memory_space<semaphore_mem>>) {add = true}
      %dma_wait3A_788 = arith.constant 0 : i32
      %dma_wait3A_789 = arith.constant 0 : i32
      %dma_wait3A_790 = tpu.memref_slice %arg3[%dma_wait3A_788, %dma_wait3A_789] : memref<2x320000xi32, #tpu.memory_space<hbm>> -> memref<2x128xi32, #tpu.memory_space<hbm>>
      %dma_wait3A_791 = arith.constant 0 : i32
      %dma_wait3A_792 = arith.constant 0 : i32
      %dma_wait3A_793 = tpu.memref_slice %arg3[%dma_wait3A_791, %dma_wait3A_792] : memref<2x320000xi32, #tpu.memory_space<hbm>> -> memref<2x128xi32, #tpu.memory_space<hbm>>
      tpu.wait_dma2 semaphore(%arg13 : memref<!tpu.dma_semaphore, #tpu.memory_space<semaphore_mem>>) src(%dma_wait3A_793 : memref<2x128xi32, #tpu.memory_space<hbm>>) dst(%arg6 : memref<2x128xi32, #tpu.memory_space<vmem>>)
      %dma_wait3A_794 = arith.constant 0 : i32
      %dma_wait3A_795 = arith.constant 1 : i32
      %dma_wait3A_796 = arith.constant 0 : i32
      %dma_wait3A_797 = arith.constant 0 : i32
      %dma_wait3A_798 = tpu.memref_slice %arg11[%dma_wait3A_794, %dma_wait3A_796, %dma_wait3A_797] : memref<2x128x128xf32, #tpu.memory_space<vmem>> -> memref<1x128x128xf32, #tpu.memory_space<vmem>>
      %dma_wait3A_799 = tpu.memref_squeeze %dma_wait3A_798 : memref<1x128x128xf32, #tpu.memory_space<vmem>> -> memref<128x128xf32, #tpu.memory_space<vmem>>
      %dma_wait3A_800 = arith.constant 0 : i32
      %dma_wait3A_801 = tpu.memref_slice %arg6[%dma_wait3A_795, %dma_wait3A_800] : memref<2x128xi32, #tpu.memory_space<vmem>> -> memref<1x128xi32, #tpu.memory_space<vmem>>
      %dma_wait3A_802 = tpu.memref_squeeze %dma_wait3A_801 : memref<1x128xi32, #tpu.memory_space<vmem>> -> memref<128xi32, #tpu.memory_space<vmem>>
      %dma_wait3A_803 = arith.constant 0 : i32
      %dma_wait3A_804 = arith.constant 0 : i32
      %dma_wait3A_805 = tpu.memref_slice %arg5[%dma_wait3A_803, %dma_wait3A_804] : memref<10000x128xf32, #tpu.memory_space<vmem_shared>> -> memref<10000x128xf32, #tpu.memory_space<vmem_shared>>
      tpu.wait_indirect_dma semaphore(%arg19 : memref<!tpu.dma_semaphore, #tpu.memory_space<semaphore_mem>>) src(%dma_wait3A_799 : memref<128x128xf32, #tpu.memory_space<vmem>>) dst(%dma_wait3A_805 : memref<10000x128xf32, #tpu.memory_space<vmem_shared>>)
      %dma_start3A_806 = arith.constant 0 : i32
      %dma_start3A_807 = arith.constant 0 : i32
      %dma_start3A_808 = arith.constant 0 : i32
      %dma_start3A_809 = arith.constant 0 : i32
      %dma_start3A_810 = tpu.memref_slice %arg11[%dma_start3A_807, %dma_start3A_808, %dma_start3A_809] : memref<2x128x128xf32, #tpu.memory_space<vmem>> -> memref<1x64x128xf32, #tpu.memory_space<vmem>>
      %dma_start3A_811 = tpu.memref_squeeze %dma_start3A_810 : memref<1x64x128xf32, #tpu.memory_space<vmem>> -> memref<64x128xf32, #tpu.memory_space<vmem>>
      %dma_start3A_812 = arith.constant 0 : i32
      %dma_start3A_813 = tpu.memref_slice %arg6[%dma_start3A_806, %dma_start3A_812] : memref<2x128xi32, #tpu.memory_space<vmem>> -> memref<1x128xi32, #tpu.memory_space<vmem>>
      %dma_start3A_814 = tpu.memref_squeeze %dma_start3A_813 : memref<1x128xi32, #tpu.memory_space<vmem>> -> memref<128xi32, #tpu.memory_space<vmem>>
      %dma_start3A_815 = arith.constant 0 : i32
      %dma_start3A_816 = tpu.memref_slice %dma_start3A_814[%dma_start3A_815] : memref<128xi32, #tpu.memory_space<vmem>> -> memref<64xi32, #tpu.memory_space<vmem>>
      %dma_start3A_817 = arith.constant 0 : i32
      %dma_start3A_818 = arith.constant 0 : i32
      %dma_start3A_819 = tpu.memref_slice %arg2[%dma_start3A_817, %dma_start3A_818] : memref<10000x128xf32, #tpu.memory_space<hbm>> -> memref<10000x128xf32, #tpu.memory_space<hbm>>
      tpu.enqueue_indirect_dma source(%dma_start3A_819 : memref<10000x128xf32, #tpu.memory_space<hbm>>) target(%dma_start3A_811 : memref<64x128xf32, #tpu.memory_space<vmem>>) offsets(%dma_start3A_816 : memref<64xi32, #tpu.memory_space<vmem>>) semaphore(%arg17 : memref<!tpu.dma_semaphore, #tpu.memory_space<semaphore_mem>>)
      %dma_start3A_820 = arith.constant 0 : i32
      %dma_start3A_821 = arith.constant 0 : i32
      %dma_start3A_822 = arith.constant 64 : i32
      %dma_start3A_823 = arith.constant 0 : i32
      %dma_start3A_824 = tpu.memref_slice %arg11[%dma_start3A_821, %dma_start3A_822, %dma_start3A_823] : memref<2x128x128xf32, #tpu.memory_space<vmem>> -> memref<1x64x128xf32, #tpu.memory_space<vmem>>
      %dma_start3A_825 = tpu.memref_squeeze %dma_start3A_824 : memref<1x64x128xf32, #tpu.memory_space<vmem>> -> memref<64x128xf32, #tpu.memory_space<vmem>>
      %dma_start3A_826 = arith.constant 0 : i32
      %dma_start3A_827 = tpu.memref_slice %arg6[%dma_start3A_820, %dma_start3A_826] : memref<2x128xi32, #tpu.memory_space<vmem>> -> memref<1x128xi32, #tpu.memory_space<vmem>>
      %dma_start3A_828 = tpu.memref_squeeze %dma_start3A_827 : memref<1x128xi32, #tpu.memory_space<vmem>> -> memref<128xi32, #tpu.memory_space<vmem>>
      %dma_start3A_829 = arith.constant 64 : i32
      %dma_start3A_830 = tpu.memref_slice %dma_start3A_828[%dma_start3A_829] : memref<128xi32, #tpu.memory_space<vmem>> -> memref<64xi32, #tpu.memory_space<vmem>>
      %dma_start3A_831 = arith.constant 0 : i32
      %dma_start3A_832 = arith.constant 0 : i32
      %dma_start3A_833 = tpu.memref_slice %arg2[%dma_start3A_831, %dma_start3A_832] : memref<10000x128xf32, #tpu.memory_space<hbm>> -> memref<10000x128xf32, #tpu.memory_space<hbm>>
      tpu.enqueue_indirect_dma source(%dma_start3A_833 : memref<10000x128xf32, #tpu.memory_space<hbm>>) target(%dma_start3A_825 : memref<64x128xf32, #tpu.memory_space<vmem>>) offsets(%dma_start3A_830 : memref<64xi32, #tpu.memory_space<vmem>>) semaphore(%arg17 : memref<!tpu.dma_semaphore, #tpu.memory_space<semaphore_mem>>)
      %add3A_834 = arith.constant 3 : i32
      %add3A_835 = arith.addi %add3A_745, %add3A_834 : i32
      %lt3A_836 = arith.constant 78 : i32
      %lt3A_837 = arith.cmpi slt, %add3A_835, %lt3A_836 : i32
      %convert_element_type3A_838 = arith.extui %lt3A_837 : i1 to i32
      %cond3A_839 = arith.constant 0 : i32
      %cond3A_840 = arith.cmpi ne, %convert_element_type3A_838, %cond3A_839 : i32
      scf.if %cond3A_840 {
        %add3A_842 = arith.constant 3 : i32
        %add3A_843 = arith.addi %add3A_745, %add3A_842 : i32
        %mul3A_844 = arith.constant 32 : i32
        %mul3A_845 = arith.muli %mul3A_844, %add3A_843 : i32
        %add3A_846 = arith.addi %add3A, %mul3A_845 : i32
        %mul3A_847 = arith.constant 128 : i32
        %mul3A_848 = arith.muli %add3A_846, %mul3A_847 : i32
        %dma_start3A_849 = arith.constant 0 : i32
        %dma_start3A_850 = tpu.memref_slice %arg3[%dma_start3A_849, %mul3A_848] : memref<2x320000xi32, #tpu.memory_space<hbm>> -> memref<2x128xi32, #tpu.memory_space<hbm>>
        %dma_start3A_851 = arith.constant 0 : i32
        %dma_start3A_852 = tpu.memref_slice %arg3[%dma_start3A_851, %mul3A_848] : memref<2x320000xi32, #tpu.memory_space<hbm>> -> memref<2x128xi32, #tpu.memory_space<hbm>>
        tpu.enqueue_dma source(%dma_start3A_852 : memref<2x128xi32, #tpu.memory_space<hbm>>) target(%arg8 : memref<2x128xi32, #tpu.memory_space<vmem>>) target_semaphore(%arg15 : memref<!tpu.dma_semaphore, #tpu.memory_space<semaphore_mem>>)
      } else {
      }
      %scan3A_841 = arith.constant 0 : i32
      scf.yield %scan3A_841 : i32
    }
    %scan3A_183 = arith.constant 19 : i32
    %dma_wait3A_184 = arith.constant 0 : i32
    %dma_wait3A_185 = arith.constant 0 : i32
    %dma_wait3A_186 = arith.constant 0 : i32
    %dma_wait3A_187 = tpu.memref_slice %arg11[%dma_wait3A_184, %dma_wait3A_185, %dma_wait3A_186] : memref<2x128x128xf32, #tpu.memory_space<vmem>> -> memref<1x64x128xf32, #tpu.memory_space<vmem>>
    %dma_wait3A_188 = tpu.memref_squeeze %dma_wait3A_187 : memref<1x64x128xf32, #tpu.memory_space<vmem>> -> memref<64x128xf32, #tpu.memory_space<vmem>>
    %dma_wait3A_189 = arith.constant 0 : i32
    %dma_wait3A_190 = arith.constant 0 : i32
    %dma_wait3A_191 = tpu.memref_slice %arg2[%dma_wait3A_189, %dma_wait3A_190] : memref<10000x128xf32, #tpu.memory_space<hbm>> -> memref<64x128xf32, #tpu.memory_space<hbm>>
    %dma_wait3A_192 = arith.constant 0 : i32
    %dma_wait3A_193 = arith.constant 0 : i32
    %dma_wait3A_194 = tpu.memref_slice %arg11[%dma_wait3A_184, %dma_wait3A_192, %dma_wait3A_193] : memref<2x128x128xf32, #tpu.memory_space<vmem>> -> memref<1x64x128xf32, #tpu.memory_space<vmem>>
    %dma_wait3A_195 = tpu.memref_squeeze %dma_wait3A_194 : memref<1x64x128xf32, #tpu.memory_space<vmem>> -> memref<64x128xf32, #tpu.memory_space<vmem>>
    %dma_wait3A_196 = arith.constant 0 : i32
    %dma_wait3A_197 = arith.constant 0 : i32
    %dma_wait3A_198 = tpu.memref_slice %arg2[%dma_wait3A_196, %dma_wait3A_197] : memref<10000x128xf32, #tpu.memory_space<hbm>> -> memref<64x128xf32, #tpu.memory_space<hbm>>
    tpu.wait_dma2 semaphore(%arg17 : memref<!tpu.dma_semaphore, #tpu.memory_space<semaphore_mem>>) src(%dma_wait3A_198 : memref<64x128xf32, #tpu.memory_space<hbm>>) dst(%dma_wait3A_195 : memref<64x128xf32, #tpu.memory_space<vmem>>)
    %dma_wait3A_199 = arith.constant 0 : i32
    %dma_wait3A_200 = arith.constant 64 : i32
    %dma_wait3A_201 = arith.constant 0 : i32
    %dma_wait3A_202 = tpu.memref_slice %arg11[%dma_wait3A_199, %dma_wait3A_200, %dma_wait3A_201] : memref<2x128x128xf32, #tpu.memory_space<vmem>> -> memref<1x64x128xf32, #tpu.memory_space<vmem>>
    %dma_wait3A_203 = tpu.memref_squeeze %dma_wait3A_202 : memref<1x64x128xf32, #tpu.memory_space<vmem>> -> memref<64x128xf32, #tpu.memory_space<vmem>>
    %dma_wait3A_204 = arith.constant 0 : i32
    %dma_wait3A_205 = arith.constant 0 : i32
    %dma_wait3A_206 = tpu.memref_slice %arg2[%dma_wait3A_204, %dma_wait3A_205] : memref<10000x128xf32, #tpu.memory_space<hbm>> -> memref<64x128xf32, #tpu.memory_space<hbm>>
    %dma_wait3A_207 = arith.constant 64 : i32
    %dma_wait3A_208 = arith.constant 0 : i32
    %dma_wait3A_209 = tpu.memref_slice %arg11[%dma_wait3A_199, %dma_wait3A_207, %dma_wait3A_208] : memref<2x128x128xf32, #tpu.memory_space<vmem>> -> memref<1x64x128xf32, #tpu.memory_space<vmem>>
    %dma_wait3A_210 = tpu.memref_squeeze %dma_wait3A_209 : memref<1x64x128xf32, #tpu.memory_space<vmem>> -> memref<64x128xf32, #tpu.memory_space<vmem>>
    %dma_wait3A_211 = arith.constant 0 : i32
    %dma_wait3A_212 = arith.constant 0 : i32
    %dma_wait3A_213 = tpu.memref_slice %arg2[%dma_wait3A_211, %dma_wait3A_212] : memref<10000x128xf32, #tpu.memory_space<hbm>> -> memref<64x128xf32, #tpu.memory_space<hbm>>
    tpu.wait_dma2 semaphore(%arg17 : memref<!tpu.dma_semaphore, #tpu.memory_space<semaphore_mem>>) src(%dma_wait3A_213 : memref<64x128xf32, #tpu.memory_space<hbm>>) dst(%dma_wait3A_210 : memref<64x128xf32, #tpu.memory_space<vmem>>)
    %dma_start3A_214 = arith.constant 0 : i32
    %dma_start3A_215 = arith.constant 1 : i32
    %dma_start3A_216 = arith.constant 0 : i32
    %dma_start3A_217 = arith.constant 0 : i32
    %dma_start3A_218 = tpu.memref_slice %arg11[%dma_start3A_214, %dma_start3A_216, %dma_start3A_217] : memref<2x128x128xf32, #tpu.memory_space<vmem>> -> memref<1x128x128xf32, #tpu.memory_space<vmem>>
    %dma_start3A_219 = tpu.memref_squeeze %dma_start3A_218 : memref<1x128x128xf32, #tpu.memory_space<vmem>> -> memref<128x128xf32, #tpu.memory_space<vmem>>
    %dma_start3A_220 = arith.constant 0 : i32
    %dma_start3A_221 = tpu.memref_slice %arg6[%dma_start3A_215, %dma_start3A_220] : memref<2x128xi32, #tpu.memory_space<vmem>> -> memref<1x128xi32, #tpu.memory_space<vmem>>
    %dma_start3A_222 = tpu.memref_squeeze %dma_start3A_221 : memref<1x128xi32, #tpu.memory_space<vmem>> -> memref<128xi32, #tpu.memory_space<vmem>>
    %dma_start3A_223 = arith.constant 0 : i32
    %dma_start3A_224 = arith.constant 0 : i32
    %dma_start3A_225 = tpu.memref_slice %arg5[%dma_start3A_223, %dma_start3A_224] : memref<10000x128xf32, #tpu.memory_space<vmem_shared>> -> memref<10000x128xf32, #tpu.memory_space<vmem_shared>>
    tpu.enqueue_indirect_dma source(%dma_start3A_219 : memref<128x128xf32, #tpu.memory_space<vmem>>) target(%dma_start3A_225 : memref<10000x128xf32, #tpu.memory_space<vmem_shared>>) offsets(%dma_start3A_222 : memref<128xi32, #tpu.memory_space<vmem>>) semaphore(%arg19 : memref<!tpu.dma_semaphore, #tpu.memory_space<semaphore_mem>>) {add = true}
    %dma_wait3A_226 = arith.constant 0 : i32
    %dma_wait3A_227 = arith.constant 0 : i32
    %dma_wait3A_228 = tpu.memref_slice %arg3[%dma_wait3A_226, %dma_wait3A_227] : memref<2x320000xi32, #tpu.memory_space<hbm>> -> memref<2x128xi32, #tpu.memory_space<hbm>>
    %dma_wait3A_229 = arith.constant 0 : i32
    %dma_wait3A_230 = arith.constant 0 : i32
    %dma_wait3A_231 = tpu.memref_slice %arg3[%dma_wait3A_229, %dma_wait3A_230] : memref<2x320000xi32, #tpu.memory_space<hbm>> -> memref<2x128xi32, #tpu.memory_space<hbm>>
    tpu.wait_dma2 semaphore(%arg14 : memref<!tpu.dma_semaphore, #tpu.memory_space<semaphore_mem>>) src(%dma_wait3A_231 : memref<2x128xi32, #tpu.memory_space<hbm>>) dst(%arg7 : memref<2x128xi32, #tpu.memory_space<vmem>>)
    %dma_wait3A_232 = arith.constant 1 : i32
    %dma_wait3A_233 = arith.constant 1 : i32
    %dma_wait3A_234 = arith.constant 0 : i32
    %dma_wait3A_235 = arith.constant 0 : i32
    %dma_wait3A_236 = tpu.memref_slice %arg11[%dma_wait3A_232, %dma_wait3A_234, %dma_wait3A_235] : memref<2x128x128xf32, #tpu.memory_space<vmem>> -> memref<1x128x128xf32, #tpu.memory_space<vmem>>
    %dma_wait3A_237 = tpu.memref_squeeze %dma_wait3A_236 : memref<1x128x128xf32, #tpu.memory_space<vmem>> -> memref<128x128xf32, #tpu.memory_space<vmem>>
    %dma_wait3A_238 = arith.constant 0 : i32
    %dma_wait3A_239 = tpu.memref_slice %arg6[%dma_wait3A_233, %dma_wait3A_238] : memref<2x128xi32, #tpu.memory_space<vmem>> -> memref<1x128xi32, #tpu.memory_space<vmem>>
    %dma_wait3A_240 = tpu.memref_squeeze %dma_wait3A_239 : memref<1x128xi32, #tpu.memory_space<vmem>> -> memref<128xi32, #tpu.memory_space<vmem>>
    %dma_wait3A_241 = arith.constant 0 : i32
    %dma_wait3A_242 = arith.constant 0 : i32
    %dma_wait3A_243 = tpu.memref_slice %arg5[%dma_wait3A_241, %dma_wait3A_242] : memref<10000x128xf32, #tpu.memory_space<vmem_shared>> -> memref<10000x128xf32, #tpu.memory_space<vmem_shared>>
    tpu.wait_indirect_dma semaphore(%arg20 : memref<!tpu.dma_semaphore, #tpu.memory_space<semaphore_mem>>) src(%dma_wait3A_237 : memref<128x128xf32, #tpu.memory_space<vmem>>) dst(%dma_wait3A_243 : memref<10000x128xf32, #tpu.memory_space<vmem_shared>>)
    %dma_start3A_244 = arith.constant 0 : i32
    %dma_start3A_245 = arith.constant 1 : i32
    %dma_start3A_246 = arith.constant 0 : i32
    %dma_start3A_247 = arith.constant 0 : i32
    %dma_start3A_248 = tpu.memref_slice %arg11[%dma_start3A_245, %dma_start3A_246, %dma_start3A_247] : memref<2x128x128xf32, #tpu.memory_space<vmem>> -> memref<1x64x128xf32, #tpu.memory_space<vmem>>
    %dma_start3A_249 = tpu.memref_squeeze %dma_start3A_248 : memref<1x64x128xf32, #tpu.memory_space<vmem>> -> memref<64x128xf32, #tpu.memory_space<vmem>>
    %dma_start3A_250 = arith.constant 0 : i32
    %dma_start3A_251 = tpu.memref_slice %arg7[%dma_start3A_244, %dma_start3A_250] : memref<2x128xi32, #tpu.memory_space<vmem>> -> memref<1x128xi32, #tpu.memory_space<vmem>>
    %dma_start3A_252 = tpu.memref_squeeze %dma_start3A_251 : memref<1x128xi32, #tpu.memory_space<vmem>> -> memref<128xi32, #tpu.memory_space<vmem>>
    %dma_start3A_253 = arith.constant 0 : i32
    %dma_start3A_254 = tpu.memref_slice %dma_start3A_252[%dma_start3A_253] : memref<128xi32, #tpu.memory_space<vmem>> -> memref<64xi32, #tpu.memory_space<vmem>>
    %dma_start3A_255 = arith.constant 0 : i32
    %dma_start3A_256 = arith.constant 0 : i32
    %dma_start3A_257 = tpu.memref_slice %arg2[%dma_start3A_255, %dma_start3A_256] : memref<10000x128xf32, #tpu.memory_space<hbm>> -> memref<10000x128xf32, #tpu.memory_space<hbm>>
    tpu.enqueue_indirect_dma source(%dma_start3A_257 : memref<10000x128xf32, #tpu.memory_space<hbm>>) target(%dma_start3A_249 : memref<64x128xf32, #tpu.memory_space<vmem>>) offsets(%dma_start3A_254 : memref<64xi32, #tpu.memory_space<vmem>>) semaphore(%arg18 : memref<!tpu.dma_semaphore, #tpu.memory_space<semaphore_mem>>)
    %dma_start3A_258 = arith.constant 0 : i32
    %dma_start3A_259 = arith.constant 1 : i32
    %dma_start3A_260 = arith.constant 64 : i32
    %dma_start3A_261 = arith.constant 0 : i32
    %dma_start3A_262 = tpu.memref_slice %arg11[%dma_start3A_259, %dma_start3A_260, %dma_start3A_261] : memref<2x128x128xf32, #tpu.memory_space<vmem>> -> memref<1x64x128xf32, #tpu.memory_space<vmem>>
    %dma_start3A_263 = tpu.memref_squeeze %dma_start3A_262 : memref<1x64x128xf32, #tpu.memory_space<vmem>> -> memref<64x128xf32, #tpu.memory_space<vmem>>
    %dma_start3A_264 = arith.constant 0 : i32
    %dma_start3A_265 = tpu.memref_slice %arg7[%dma_start3A_258, %dma_start3A_264] : memref<2x128xi32, #tpu.memory_space<vmem>> -> memref<1x128xi32, #tpu.memory_space<vmem>>
    %dma_start3A_266 = tpu.memref_squeeze %dma_start3A_265 : memref<1x128xi32, #tpu.memory_space<vmem>> -> memref<128xi32, #tpu.memory_space<vmem>>
    %dma_start3A_267 = arith.constant 64 : i32
    %dma_start3A_268 = tpu.memref_slice %dma_start3A_266[%dma_start3A_267] : memref<128xi32, #tpu.memory_space<vmem>> -> memref<64xi32, #tpu.memory_space<vmem>>
    %dma_start3A_269 = arith.constant 0 : i32
    %dma_start3A_270 = arith.constant 0 : i32
    %dma_start3A_271 = tpu.memref_slice %arg2[%dma_start3A_269, %dma_start3A_270] : memref<10000x128xf32, #tpu.memory_space<hbm>> -> memref<10000x128xf32, #tpu.memory_space<hbm>>
    tpu.enqueue_indirect_dma source(%dma_start3A_271 : memref<10000x128xf32, #tpu.memory_space<hbm>>) target(%dma_start3A_263 : memref<64x128xf32, #tpu.memory_space<vmem>>) offsets(%dma_start3A_268 : memref<64xi32, #tpu.memory_space<vmem>>) semaphore(%arg18 : memref<!tpu.dma_semaphore, #tpu.memory_space<semaphore_mem>>)
    %dma_wait3A_272 = arith.constant 1 : i32
    %dma_wait3A_273 = arith.constant 0 : i32
    %dma_wait3A_274 = arith.constant 0 : i32
    %dma_wait3A_275 = tpu.memref_slice %arg11[%dma_wait3A_272, %dma_wait3A_273, %dma_wait3A_274] : memref<2x128x128xf32, #tpu.memory_space<vmem>> -> memref<1x64x128xf32, #tpu.memory_space<vmem>>
    %dma_wait3A_276 = tpu.memref_squeeze %dma_wait3A_275 : memref<1x64x128xf32, #tpu.memory_space<vmem>> -> memref<64x128xf32, #tpu.memory_space<vmem>>
    %dma_wait3A_277 = arith.constant 0 : i32
    %dma_wait3A_278 = arith.constant 0 : i32
    %dma_wait3A_279 = tpu.memref_slice %arg2[%dma_wait3A_277, %dma_wait3A_278] : memref<10000x128xf32, #tpu.memory_space<hbm>> -> memref<64x128xf32, #tpu.memory_space<hbm>>
    %dma_wait3A_280 = arith.constant 0 : i32
    %dma_wait3A_281 = arith.constant 0 : i32
    %dma_wait3A_282 = tpu.memref_slice %arg11[%dma_wait3A_272, %dma_wait3A_280, %dma_wait3A_281] : memref<2x128x128xf32, #tpu.memory_space<vmem>> -> memref<1x64x128xf32, #tpu.memory_space<vmem>>
    %dma_wait3A_283 = tpu.memref_squeeze %dma_wait3A_282 : memref<1x64x128xf32, #tpu.memory_space<vmem>> -> memref<64x128xf32, #tpu.memory_space<vmem>>
    %dma_wait3A_284 = arith.constant 0 : i32
    %dma_wait3A_285 = arith.constant 0 : i32
    %dma_wait3A_286 = tpu.memref_slice %arg2[%dma_wait3A_284, %dma_wait3A_285] : memref<10000x128xf32, #tpu.memory_space<hbm>> -> memref<64x128xf32, #tpu.memory_space<hbm>>
    tpu.wait_dma2 semaphore(%arg18 : memref<!tpu.dma_semaphore, #tpu.memory_space<semaphore_mem>>) src(%dma_wait3A_286 : memref<64x128xf32, #tpu.memory_space<hbm>>) dst(%dma_wait3A_283 : memref<64x128xf32, #tpu.memory_space<vmem>>)
    %dma_wait3A_287 = arith.constant 1 : i32
    %dma_wait3A_288 = arith.constant 64 : i32
    %dma_wait3A_289 = arith.constant 0 : i32
    %dma_wait3A_290 = tpu.memref_slice %arg11[%dma_wait3A_287, %dma_wait3A_288, %dma_wait3A_289] : memref<2x128x128xf32, #tpu.memory_space<vmem>> -> memref<1x64x128xf32, #tpu.memory_space<vmem>>
    %dma_wait3A_291 = tpu.memref_squeeze %dma_wait3A_290 : memref<1x64x128xf32, #tpu.memory_space<vmem>> -> memref<64x128xf32, #tpu.memory_space<vmem>>
    %dma_wait3A_292 = arith.constant 0 : i32
    %dma_wait3A_293 = arith.constant 0 : i32
    %dma_wait3A_294 = tpu.memref_slice %arg2[%dma_wait3A_292, %dma_wait3A_293] : memref<10000x128xf32, #tpu.memory_space<hbm>> -> memref<64x128xf32, #tpu.memory_space<hbm>>
    %dma_wait3A_295 = arith.constant 64 : i32
    %dma_wait3A_296 = arith.constant 0 : i32
    %dma_wait3A_297 = tpu.memref_slice %arg11[%dma_wait3A_287, %dma_wait3A_295, %dma_wait3A_296] : memref<2x128x128xf32, #tpu.memory_space<vmem>> -> memref<1x64x128xf32, #tpu.memory_space<vmem>>
    %dma_wait3A_298 = tpu.memref_squeeze %dma_wait3A_297 : memref<1x64x128xf32, #tpu.memory_space<vmem>> -> memref<64x128xf32, #tpu.memory_space<vmem>>
    %dma_wait3A_299 = arith.constant 0 : i32
    %dma_wait3A_300 = arith.constant 0 : i32
    %dma_wait3A_301 = tpu.memref_slice %arg2[%dma_wait3A_299, %dma_wait3A_300] : memref<10000x128xf32, #tpu.memory_space<hbm>> -> memref<64x128xf32, #tpu.memory_space<hbm>>
    tpu.wait_dma2 semaphore(%arg18 : memref<!tpu.dma_semaphore, #tpu.memory_space<semaphore_mem>>) src(%dma_wait3A_301 : memref<64x128xf32, #tpu.memory_space<hbm>>) dst(%dma_wait3A_298 : memref<64x128xf32, #tpu.memory_space<vmem>>)
    %dma_start3A_302 = arith.constant 1 : i32
    %dma_start3A_303 = arith.constant 1 : i32
    %dma_start3A_304 = arith.constant 0 : i32
    %dma_start3A_305 = arith.constant 0 : i32
    %dma_start3A_306 = tpu.memref_slice %arg11[%dma_start3A_302, %dma_start3A_304, %dma_start3A_305] : memref<2x128x128xf32, #tpu.memory_space<vmem>> -> memref<1x128x128xf32, #tpu.memory_space<vmem>>
    %dma_start3A_307 = tpu.memref_squeeze %dma_start3A_306 : memref<1x128x128xf32, #tpu.memory_space<vmem>> -> memref<128x128xf32, #tpu.memory_space<vmem>>
    %dma_start3A_308 = arith.constant 0 : i32
    %dma_start3A_309 = tpu.memref_slice %arg7[%dma_start3A_303, %dma_start3A_308] : memref<2x128xi32, #tpu.memory_space<vmem>> -> memref<1x128xi32, #tpu.memory_space<vmem>>
    %dma_start3A_310 = tpu.memref_squeeze %dma_start3A_309 : memref<1x128xi32, #tpu.memory_space<vmem>> -> memref<128xi32, #tpu.memory_space<vmem>>
    %dma_start3A_311 = arith.constant 0 : i32
    %dma_start3A_312 = arith.constant 0 : i32
    %dma_start3A_313 = tpu.memref_slice %arg5[%dma_start3A_311, %dma_start3A_312] : memref<10000x128xf32, #tpu.memory_space<vmem_shared>> -> memref<10000x128xf32, #tpu.memory_space<vmem_shared>>
    tpu.enqueue_indirect_dma source(%dma_start3A_307 : memref<128x128xf32, #tpu.memory_space<vmem>>) target(%dma_start3A_313 : memref<10000x128xf32, #tpu.memory_space<vmem_shared>>) offsets(%dma_start3A_310 : memref<128xi32, #tpu.memory_space<vmem>>) semaphore(%arg20 : memref<!tpu.dma_semaphore, #tpu.memory_space<semaphore_mem>>) {add = true}
    %dma_wait3A_314 = arith.constant 0 : i32
    %dma_wait3A_315 = arith.constant 1 : i32
    %dma_wait3A_316 = arith.constant 0 : i32
    %dma_wait3A_317 = arith.constant 0 : i32
    %dma_wait3A_318 = tpu.memref_slice %arg11[%dma_wait3A_314, %dma_wait3A_316, %dma_wait3A_317] : memref<2x128x128xf32, #tpu.memory_space<vmem>> -> memref<1x128x128xf32, #tpu.memory_space<vmem>>
    %dma_wait3A_319 = tpu.memref_squeeze %dma_wait3A_318 : memref<1x128x128xf32, #tpu.memory_space<vmem>> -> memref<128x128xf32, #tpu.memory_space<vmem>>
    %dma_wait3A_320 = arith.constant 0 : i32
    %dma_wait3A_321 = tpu.memref_slice %arg6[%dma_wait3A_315, %dma_wait3A_320] : memref<2x128xi32, #tpu.memory_space<vmem>> -> memref<1x128xi32, #tpu.memory_space<vmem>>
    %dma_wait3A_322 = tpu.memref_squeeze %dma_wait3A_321 : memref<1x128xi32, #tpu.memory_space<vmem>> -> memref<128xi32, #tpu.memory_space<vmem>>
    %dma_wait3A_323 = arith.constant 0 : i32
    %dma_wait3A_324 = arith.constant 0 : i32
    %dma_wait3A_325 = tpu.memref_slice %arg5[%dma_wait3A_323, %dma_wait3A_324] : memref<10000x128xf32, #tpu.memory_space<vmem_shared>> -> memref<10000x128xf32, #tpu.memory_space<vmem_shared>>
    tpu.wait_indirect_dma semaphore(%arg19 : memref<!tpu.dma_semaphore, #tpu.memory_space<semaphore_mem>>) src(%dma_wait3A_319 : memref<128x128xf32, #tpu.memory_space<vmem>>) dst(%dma_wait3A_325 : memref<10000x128xf32, #tpu.memory_space<vmem_shared>>)
    %dma_wait3A_326 = arith.constant 1 : i32
    %dma_wait3A_327 = arith.constant 1 : i32
    %dma_wait3A_328 = arith.constant 0 : i32
    %dma_wait3A_329 = arith.constant 0 : i32
    %dma_wait3A_330 = tpu.memref_slice %arg11[%dma_wait3A_326, %dma_wait3A_328, %dma_wait3A_329] : memref<2x128x128xf32, #tpu.memory_space<vmem>> -> memref<1x128x128xf32, #tpu.memory_space<vmem>>
    %dma_wait3A_331 = tpu.memref_squeeze %dma_wait3A_330 : memref<1x128x128xf32, #tpu.memory_space<vmem>> -> memref<128x128xf32, #tpu.memory_space<vmem>>
    %dma_wait3A_332 = arith.constant 0 : i32
    %dma_wait3A_333 = tpu.memref_slice %arg6[%dma_wait3A_327, %dma_wait3A_332] : memref<2x128xi32, #tpu.memory_space<vmem>> -> memref<1x128xi32, #tpu.memory_space<vmem>>
    %dma_wait3A_334 = tpu.memref_squeeze %dma_wait3A_333 : memref<1x128xi32, #tpu.memory_space<vmem>> -> memref<128xi32, #tpu.memory_space<vmem>>
    %dma_wait3A_335 = arith.constant 0 : i32
    %dma_wait3A_336 = arith.constant 0 : i32
    %dma_wait3A_337 = tpu.memref_slice %arg5[%dma_wait3A_335, %dma_wait3A_336] : memref<10000x128xf32, #tpu.memory_space<vmem_shared>> -> memref<10000x128xf32, #tpu.memory_space<vmem_shared>>
    tpu.wait_indirect_dma semaphore(%arg20 : memref<!tpu.dma_semaphore, #tpu.memory_space<semaphore_mem>>) src(%dma_wait3A_331 : memref<128x128xf32, #tpu.memory_space<vmem>>) dst(%dma_wait3A_337 : memref<10000x128xf32, #tpu.memory_space<vmem_shared>>)
    %barrier3A_338 = arith.constant 0 : index
    tpu.barrier barrier_id(%barrier3A_338)
    %add3A_339 = arith.constant 0 : i32
    %add3A_340 = arith.addi %add3A_339, %arg1 : i32
    %lt3A_341 = arith.constant 125 : i32
    %lt3A_342 = arith.cmpi slt, %add3A_340, %lt3A_341 : i32
    %convert_element_type3A_343 = arith.extui %lt3A_342 : i1 to i32
    %cond3A_344 = arith.constant 0 : i32
    %cond3A_345 = arith.cmpi ne, %convert_element_type3A_343, %cond3A_344 : i32
    scf.if %cond3A_345 {
      %mul3A_451 = arith.constant 80 : i32
      %mul3A_452 = arith.muli %add3A_340, %mul3A_451 : i32
      %run_scoped3A = arith.constant 0 : i32
      "tpu.region"() ({
        %run_scoped3A_468 = tpu.sem_alloc : memref<!tpu.dma_semaphore, #tpu.memory_space<semaphore_mem>>
        %dma_start3A_469 = arith.constant 0 : i32
        %dma_start3A_470 = arith.constant 0 : i32
        %dma_start3A_471 = tpu.memref_slice %arg11[%run_scoped3A, %dma_start3A_469, %dma_start3A_470] : memref<2x128x128xf32, #tpu.memory_space<vmem>> -> memref<1x80x128xf32, #tpu.memory_space<vmem>>
        %dma_start3A_472 = tpu.memref_squeeze %dma_start3A_471 : memref<1x80x128xf32, #tpu.memory_space<vmem>> -> memref<80x128xf32, #tpu.memory_space<vmem>>
        %dma_start3A_473 = arith.constant 0 : i32
        %dma_start3A_474 = tpu.memref_slice %arg5[%mul3A_452, %dma_start3A_473] : memref<10000x128xf32, #tpu.memory_space<vmem_shared>> -> memref<80x128xf32, #tpu.memory_space<vmem_shared>>
        %dma_start3A_475 = arith.constant 0 : i32
        %dma_start3A_476 = arith.constant 0 : i32
        %dma_start3A_477 = tpu.memref_slice %arg11[%run_scoped3A, %dma_start3A_475, %dma_start3A_476] : memref<2x128x128xf32, #tpu.memory_space<vmem>> -> memref<1x80x128xf32, #tpu.memory_space<vmem>>
        %dma_start3A_478 = tpu.memref_squeeze %dma_start3A_477 : memref<1x80x128xf32, #tpu.memory_space<vmem>> -> memref<80x128xf32, #tpu.memory_space<vmem>>
        %dma_start3A_479 = arith.constant 0 : i32
        %dma_start3A_480 = tpu.memref_slice %arg5[%mul3A_452, %dma_start3A_479] : memref<10000x128xf32, #tpu.memory_space<vmem_shared>> -> memref<80x128xf32, #tpu.memory_space<vmem_shared>>
        tpu.enqueue_dma source(%dma_start3A_480 : memref<80x128xf32, #tpu.memory_space<vmem_shared>>) target(%dma_start3A_478 : memref<80x128xf32, #tpu.memory_space<vmem>>) target_semaphore(%run_scoped3A_468 : memref<!tpu.dma_semaphore, #tpu.memory_space<semaphore_mem>>)
        %dma_wait3A_481 = arith.constant 0 : i32
        %dma_wait3A_482 = arith.constant 0 : i32
        %dma_wait3A_483 = tpu.memref_slice %arg11[%run_scoped3A, %dma_wait3A_481, %dma_wait3A_482] : memref<2x128x128xf32, #tpu.memory_space<vmem>> -> memref<1x80x128xf32, #tpu.memory_space<vmem>>
        %dma_wait3A_484 = tpu.memref_squeeze %dma_wait3A_483 : memref<1x80x128xf32, #tpu.memory_space<vmem>> -> memref<80x128xf32, #tpu.memory_space<vmem>>
        %dma_wait3A_485 = arith.constant 0 : i32
        %dma_wait3A_486 = tpu.memref_slice %arg5[%mul3A_452, %dma_wait3A_485] : memref<10000x128xf32, #tpu.memory_space<vmem_shared>> -> memref<80x128xf32, #tpu.memory_space<vmem_shared>>
        %dma_wait3A_487 = arith.constant 0 : i32
        %dma_wait3A_488 = arith.constant 0 : i32
        %dma_wait3A_489 = tpu.memref_slice %arg11[%run_scoped3A, %dma_wait3A_487, %dma_wait3A_488] : memref<2x128x128xf32, #tpu.memory_space<vmem>> -> memref<1x80x128xf32, #tpu.memory_space<vmem>>
        %dma_wait3A_490 = tpu.memref_squeeze %dma_wait3A_489 : memref<1x80x128xf32, #tpu.memory_space<vmem>> -> memref<80x128xf32, #tpu.memory_space<vmem>>
        %dma_wait3A_491 = arith.constant 0 : i32
        %dma_wait3A_492 = tpu.memref_slice %arg5[%mul3A_452, %dma_wait3A_491] : memref<10000x128xf32, #tpu.memory_space<vmem_shared>> -> memref<80x128xf32, #tpu.memory_space<vmem_shared>>
        tpu.wait_dma2 semaphore(%run_scoped3A_468 : memref<!tpu.dma_semaphore, #tpu.memory_space<semaphore_mem>>) src(%dma_wait3A_492 : memref<80x128xf32, #tpu.memory_space<vmem_shared>>) dst(%dma_wait3A_490 : memref<80x128xf32, #tpu.memory_space<vmem>>)
        tpu.yield
      }) : () -> ()
      %dma_start3A_453 = arith.constant 0 : i32
      %dma_start3A_454 = arith.constant 0 : i32
      %dma_start3A_455 = arith.constant 0 : i32
      %dma_start3A_456 = tpu.memref_slice %arg11[%dma_start3A_453, %dma_start3A_454, %dma_start3A_455] : memref<2x128x128xf32, #tpu.memory_space<vmem>> -> memref<1x80x128xf32, #tpu.memory_space<vmem>>
      %dma_start3A_457 = tpu.memref_squeeze %dma_start3A_456 : memref<1x80x128xf32, #tpu.memory_space<vmem>> -> memref<80x128xf32, #tpu.memory_space<vmem>>
      %dma_start3A_458 = arith.constant 0 : i32
      %dma_start3A_459 = tpu.memref_slice %arg4[%arg0, %mul3A_452, %dma_start3A_458] : memref<2x10000x128xf32, #tpu.memory_space<hbm>> -> memref<1x80x128xf32, #tpu.memory_space<hbm>>
      %dma_start3A_460 = tpu.memref_squeeze %dma_start3A_459 : memref<1x80x128xf32, #tpu.memory_space<hbm>> -> memref<80x128xf32, #tpu.memory_space<hbm>>
      %dma_start3A_461 = arith.constant 0 : i32
      %dma_start3A_462 = tpu.memref_slice %arg4[%arg0, %mul3A_452, %dma_start3A_461] : memref<2x10000x128xf32, #tpu.memory_space<hbm>> -> memref<1x80x128xf32, #tpu.memory_space<hbm>>
      %dma_start3A_463 = tpu.memref_squeeze %dma_start3A_462 : memref<1x80x128xf32, #tpu.memory_space<hbm>> -> memref<80x128xf32, #tpu.memory_space<hbm>>
      %dma_start3A_464 = arith.constant 0 : i32
      %dma_start3A_465 = arith.constant 0 : i32
      %dma_start3A_466 = tpu.memref_slice %arg11[%dma_start3A_453, %dma_start3A_464, %dma_start3A_465] : memref<2x128x128xf32, #tpu.memory_space<vmem>> -> memref<1x80x128xf32, #tpu.memory_space<vmem>>
      %dma_start3A_467 = tpu.memref_squeeze %dma_start3A_466 : memref<1x80x128xf32, #tpu.memory_space<vmem>> -> memref<80x128xf32, #tpu.memory_space<vmem>>
      tpu.enqueue_dma source(%dma_start3A_467 : memref<80x128xf32, #tpu.memory_space<vmem>>) target(%dma_start3A_463 : memref<80x128xf32, #tpu.memory_space<hbm>>) target_semaphore(%arg17 : memref<!tpu.dma_semaphore, #tpu.memory_space<semaphore_mem>>)
    } else {
    }
    %add3A_346 = arith.constant 16 : i32
    %add3A_347 = arith.addi %add3A_346, %arg1 : i32
    %lt3A_348 = arith.constant 125 : i32
    %lt3A_349 = arith.cmpi slt, %add3A_347, %lt3A_348 : i32
    %convert_element_type3A_350 = arith.extui %lt3A_349 : i1 to i32
    %cond3A_351 = arith.constant 0 : i32
    %cond3A_352 = arith.cmpi ne, %convert_element_type3A_350, %cond3A_351 : i32
    scf.if %cond3A_352 {
      %mul3A_451 = arith.constant 80 : i32
      %mul3A_452 = arith.muli %add3A_347, %mul3A_451 : i32
      %run_scoped3A = arith.constant 1 : i32
      "tpu.region"() ({
        %run_scoped3A_468 = tpu.sem_alloc : memref<!tpu.dma_semaphore, #tpu.memory_space<semaphore_mem>>
        %dma_start3A_469 = arith.constant 0 : i32
        %dma_start3A_470 = arith.constant 0 : i32
        %dma_start3A_471 = tpu.memref_slice %arg11[%run_scoped3A, %dma_start3A_469, %dma_start3A_470] : memref<2x128x128xf32, #tpu.memory_space<vmem>> -> memref<1x80x128xf32, #tpu.memory_space<vmem>>
        %dma_start3A_472 = tpu.memref_squeeze %dma_start3A_471 : memref<1x80x128xf32, #tpu.memory_space<vmem>> -> memref<80x128xf32, #tpu.memory_space<vmem>>
        %dma_start3A_473 = arith.constant 0 : i32
        %dma_start3A_474 = tpu.memref_slice %arg5[%mul3A_452, %dma_start3A_473] : memref<10000x128xf32, #tpu.memory_space<vmem_shared>> -> memref<80x128xf32, #tpu.memory_space<vmem_shared>>
        %dma_start3A_475 = arith.constant 0 : i32
        %dma_start3A_476 = arith.constant 0 : i32
        %dma_start3A_477 = tpu.memref_slice %arg11[%run_scoped3A, %dma_start3A_475, %dma_start3A_476] : memref<2x128x128xf32, #tpu.memory_space<vmem>> -> memref<1x80x128xf32, #tpu.memory_space<vmem>>
        %dma_start3A_478 = tpu.memref_squeeze %dma_start3A_477 : memref<1x80x128xf32, #tpu.memory_space<vmem>> -> memref<80x128xf32, #tpu.memory_space<vmem>>
        %dma_start3A_479 = arith.constant 0 : i32
        %dma_start3A_480 = tpu.memref_slice %arg5[%mul3A_452, %dma_start3A_479] : memref<10000x128xf32, #tpu.memory_space<vmem_shared>> -> memref<80x128xf32, #tpu.memory_space<vmem_shared>>
        tpu.enqueue_dma source(%dma_start3A_480 : memref<80x128xf32, #tpu.memory_space<vmem_shared>>) target(%dma_start3A_478 : memref<80x128xf32, #tpu.memory_space<vmem>>) target_semaphore(%run_scoped3A_468 : memref<!tpu.dma_semaphore, #tpu.memory_space<semaphore_mem>>)
        %dma_wait3A_481 = arith.constant 0 : i32
        %dma_wait3A_482 = arith.constant 0 : i32
        %dma_wait3A_483 = tpu.memref_slice %arg11[%run_scoped3A, %dma_wait3A_481, %dma_wait3A_482] : memref<2x128x128xf32, #tpu.memory_space<vmem>> -> memref<1x80x128xf32, #tpu.memory_space<vmem>>
        %dma_wait3A_484 = tpu.memref_squeeze %dma_wait3A_483 : memref<1x80x128xf32, #tpu.memory_space<vmem>> -> memref<80x128xf32, #tpu.memory_space<vmem>>
        %dma_wait3A_485 = arith.constant 0 : i32
        %dma_wait3A_486 = tpu.memref_slice %arg5[%mul3A_452, %dma_wait3A_485] : memref<10000x128xf32, #tpu.memory_space<vmem_shared>> -> memref<80x128xf32, #tpu.memory_space<vmem_shared>>
        %dma_wait3A_487 = arith.constant 0 : i32
        %dma_wait3A_488 = arith.constant 0 : i32
        %dma_wait3A_489 = tpu.memref_slice %arg11[%run_scoped3A, %dma_wait3A_487, %dma_wait3A_488] : memref<2x128x128xf32, #tpu.memory_space<vmem>> -> memref<1x80x128xf32, #tpu.memory_space<vmem>>
        %dma_wait3A_490 = tpu.memref_squeeze %dma_wait3A_489 : memref<1x80x128xf32, #tpu.memory_space<vmem>> -> memref<80x128xf32, #tpu.memory_space<vmem>>
        %dma_wait3A_491 = arith.constant 0 : i32
        %dma_wait3A_492 = tpu.memref_slice %arg5[%mul3A_452, %dma_wait3A_491] : memref<10000x128xf32, #tpu.memory_space<vmem_shared>> -> memref<80x128xf32, #tpu.memory_space<vmem_shared>>
        tpu.wait_dma2 semaphore(%run_scoped3A_468 : memref<!tpu.dma_semaphore, #tpu.memory_space<semaphore_mem>>) src(%dma_wait3A_492 : memref<80x128xf32, #tpu.memory_space<vmem_shared>>) dst(%dma_wait3A_490 : memref<80x128xf32, #tpu.memory_space<vmem>>)
        tpu.yield
      }) : () -> ()
      %dma_start3A_453 = arith.constant 1 : i32
      %dma_start3A_454 = arith.constant 0 : i32
      %dma_start3A_455 = arith.constant 0 : i32
      %dma_start3A_456 = tpu.memref_slice %arg11[%dma_start3A_453, %dma_start3A_454, %dma_start3A_455] : memref<2x128x128xf32, #tpu.memory_space<vmem>> -> memref<1x80x128xf32, #tpu.memory_space<vmem>>
      %dma_start3A_457 = tpu.memref_squeeze %dma_start3A_456 : memref<1x80x128xf32, #tpu.memory_space<vmem>> -> memref<80x128xf32, #tpu.memory_space<vmem>>
      %dma_start3A_458 = arith.constant 0 : i32
      %dma_start3A_459 = tpu.memref_slice %arg4[%arg0, %mul3A_452, %dma_start3A_458] : memref<2x10000x128xf32, #tpu.memory_space<hbm>> -> memref<1x80x128xf32, #tpu.memory_space<hbm>>
      %dma_start3A_460 = tpu.memref_squeeze %dma_start3A_459 : memref<1x80x128xf32, #tpu.memory_space<hbm>> -> memref<80x128xf32, #tpu.memory_space<hbm>>
      %dma_start3A_461 = arith.constant 0 : i32
      %dma_start3A_462 = tpu.memref_slice %arg4[%arg0, %mul3A_452, %dma_start3A_461] : memref<2x10000x128xf32, #tpu.memory_space<hbm>> -> memref<1x80x128xf32, #tpu.memory_space<hbm>>
      %dma_start3A_463 = tpu.memref_squeeze %dma_start3A_462 : memref<1x80x128xf32, #tpu.memory_space<hbm>> -> memref<80x128xf32, #tpu.memory_space<hbm>>
      %dma_start3A_464 = arith.constant 0 : i32
      %dma_start3A_465 = arith.constant 0 : i32
      %dma_start3A_466 = tpu.memref_slice %arg11[%dma_start3A_453, %dma_start3A_464, %dma_start3A_465] : memref<2x128x128xf32, #tpu.memory_space<vmem>> -> memref<1x80x128xf32, #tpu.memory_space<vmem>>
      %dma_start3A_467 = tpu.memref_squeeze %dma_start3A_466 : memref<1x80x128xf32, #tpu.memory_space<vmem>> -> memref<80x128xf32, #tpu.memory_space<vmem>>
      tpu.enqueue_dma source(%dma_start3A_467 : memref<80x128xf32, #tpu.memory_space<vmem>>) target(%dma_start3A_463 : memref<80x128xf32, #tpu.memory_space<hbm>>) target_semaphore(%arg18 : memref<!tpu.dma_semaphore, #tpu.memory_space<semaphore_mem>>)
    } else {
    }
    %add3A_353 = arith.constant 0 : i32
    %add3A_354 = arith.addi %add3A_353, %arg1 : i32
    %lt3A_355 = arith.constant 125 : i32
    %lt3A_356 = arith.cmpi slt, %add3A_354, %lt3A_355 : i32
    %convert_element_type3A_357 = arith.extui %lt3A_356 : i1 to i32
    %cond3A_358 = arith.constant 0 : i32
    %cond3A_359 = arith.cmpi ne, %convert_element_type3A_357, %cond3A_358 : i32
    scf.if %cond3A_359 {
      %mul3A_451 = arith.constant 80 : i32
      %mul3A_452 = arith.muli %add3A_354, %mul3A_451 : i32
      %dma_wait3A_453 = arith.constant 0 : i32
      %dma_wait3A_454 = arith.constant 0 : i32
      %dma_wait3A_455 = arith.constant 0 : i32
      %dma_wait3A_456 = tpu.memref_slice %arg11[%dma_wait3A_453, %dma_wait3A_454, %dma_wait3A_455] : memref<2x128x128xf32, #tpu.memory_space<vmem>> -> memref<1x80x128xf32, #tpu.memory_space<vmem>>
      %dma_wait3A_457 = tpu.memref_squeeze %dma_wait3A_456 : memref<1x80x128xf32, #tpu.memory_space<vmem>> -> memref<80x128xf32, #tpu.memory_space<vmem>>
      %dma_wait3A_458 = arith.constant 0 : i32
      %dma_wait3A_459 = tpu.memref_slice %arg4[%arg0, %mul3A_452, %dma_wait3A_458] : memref<2x10000x128xf32, #tpu.memory_space<hbm>> -> memref<1x80x128xf32, #tpu.memory_space<hbm>>
      %dma_wait3A_460 = tpu.memref_squeeze %dma_wait3A_459 : memref<1x80x128xf32, #tpu.memory_space<hbm>> -> memref<80x128xf32, #tpu.memory_space<hbm>>
      %dma_wait3A_461 = arith.constant 0 : i32
      %dma_wait3A_462 = tpu.memref_slice %arg4[%arg0, %mul3A_452, %dma_wait3A_461] : memref<2x10000x128xf32, #tpu.memory_space<hbm>> -> memref<1x80x128xf32, #tpu.memory_space<hbm>>
      %dma_wait3A_463 = tpu.memref_squeeze %dma_wait3A_462 : memref<1x80x128xf32, #tpu.memory_space<hbm>> -> memref<80x128xf32, #tpu.memory_space<hbm>>
      %dma_wait3A_464 = arith.constant 0 : i32
      %dma_wait3A_465 = arith.constant 0 : i32
      %dma_wait3A_466 = tpu.memref_slice %arg11[%dma_wait3A_453, %dma_wait3A_464, %dma_wait3A_465] : memref<2x128x128xf32, #tpu.memory_space<vmem>> -> memref<1x80x128xf32, #tpu.memory_space<vmem>>
      %dma_wait3A_467 = tpu.memref_squeeze %dma_wait3A_466 : memref<1x80x128xf32, #tpu.memory_space<vmem>> -> memref<80x128xf32, #tpu.memory_space<vmem>>
      tpu.wait_dma2 semaphore(%arg17 : memref<!tpu.dma_semaphore, #tpu.memory_space<semaphore_mem>>) src(%dma_wait3A_467 : memref<80x128xf32, #tpu.memory_space<vmem>>) dst(%dma_wait3A_463 : memref<80x128xf32, #tpu.memory_space<hbm>>)
    } else {
    }
    %add3A_360 = arith.constant 32 : i32
    %add3A_361 = arith.addi %add3A_360, %arg1 : i32
    %lt3A_362 = arith.constant 125 : i32
    %lt3A_363 = arith.cmpi slt, %add3A_361, %lt3A_362 : i32
    %convert_element_type3A_364 = arith.extui %lt3A_363 : i1 to i32
    %cond3A_365 = arith.constant 0 : i32
    %cond3A_366 = arith.cmpi ne, %convert_element_type3A_364, %cond3A_365 : i32
    scf.if %cond3A_366 {
      %mul3A_451 = arith.constant 80 : i32
      %mul3A_452 = arith.muli %add3A_361, %mul3A_451 : i32
      %run_scoped3A = arith.constant 0 : i32
      "tpu.region"() ({
        %run_scoped3A_468 = tpu.sem_alloc : memref<!tpu.dma_semaphore, #tpu.memory_space<semaphore_mem>>
        %dma_start3A_469 = arith.constant 0 : i32
        %dma_start3A_470 = arith.constant 0 : i32
        %dma_start3A_471 = tpu.memref_slice %arg11[%run_scoped3A, %dma_start3A_469, %dma_start3A_470] : memref<2x128x128xf32, #tpu.memory_space<vmem>> -> memref<1x80x128xf32, #tpu.memory_space<vmem>>
        %dma_start3A_472 = tpu.memref_squeeze %dma_start3A_471 : memref<1x80x128xf32, #tpu.memory_space<vmem>> -> memref<80x128xf32, #tpu.memory_space<vmem>>
        %dma_start3A_473 = arith.constant 0 : i32
        %dma_start3A_474 = tpu.memref_slice %arg5[%mul3A_452, %dma_start3A_473] : memref<10000x128xf32, #tpu.memory_space<vmem_shared>> -> memref<80x128xf32, #tpu.memory_space<vmem_shared>>
        %dma_start3A_475 = arith.constant 0 : i32
        %dma_start3A_476 = arith.constant 0 : i32
        %dma_start3A_477 = tpu.memref_slice %arg11[%run_scoped3A, %dma_start3A_475, %dma_start3A_476] : memref<2x128x128xf32, #tpu.memory_space<vmem>> -> memref<1x80x128xf32, #tpu.memory_space<vmem>>
        %dma_start3A_478 = tpu.memref_squeeze %dma_start3A_477 : memref<1x80x128xf32, #tpu.memory_space<vmem>> -> memref<80x128xf32, #tpu.memory_space<vmem>>
        %dma_start3A_479 = arith.constant 0 : i32
        %dma_start3A_480 = tpu.memref_slice %arg5[%mul3A_452, %dma_start3A_479] : memref<10000x128xf32, #tpu.memory_space<vmem_shared>> -> memref<80x128xf32, #tpu.memory_space<vmem_shared>>
        tpu.enqueue_dma source(%dma_start3A_480 : memref<80x128xf32, #tpu.memory_space<vmem_shared>>) target(%dma_start3A_478 : memref<80x128xf32, #tpu.memory_space<vmem>>) target_semaphore(%run_scoped3A_468 : memref<!tpu.dma_semaphore, #tpu.memory_space<semaphore_mem>>)
        %dma_wait3A_481 = arith.constant 0 : i32
        %dma_wait3A_482 = arith.constant 0 : i32
        %dma_wait3A_483 = tpu.memref_slice %arg11[%run_scoped3A, %dma_wait3A_481, %dma_wait3A_482] : memref<2x128x128xf32, #tpu.memory_space<vmem>> -> memref<1x80x128xf32, #tpu.memory_space<vmem>>
        %dma_wait3A_484 = tpu.memref_squeeze %dma_wait3A_483 : memref<1x80x128xf32, #tpu.memory_space<vmem>> -> memref<80x128xf32, #tpu.memory_space<vmem>>
        %dma_wait3A_485 = arith.constant 0 : i32
        %dma_wait3A_486 = tpu.memref_slice %arg5[%mul3A_452, %dma_wait3A_485] : memref<10000x128xf32, #tpu.memory_space<vmem_shared>> -> memref<80x128xf32, #tpu.memory_space<vmem_shared>>
        %dma_wait3A_487 = arith.constant 0 : i32
        %dma_wait3A_488 = arith.constant 0 : i32
        %dma_wait3A_489 = tpu.memref_slice %arg11[%run_scoped3A, %dma_wait3A_487, %dma_wait3A_488] : memref<2x128x128xf32, #tpu.memory_space<vmem>> -> memref<1x80x128xf32, #tpu.memory_space<vmem>>
        %dma_wait3A_490 = tpu.memref_squeeze %dma_wait3A_489 : memref<1x80x128xf32, #tpu.memory_space<vmem>> -> memref<80x128xf32, #tpu.memory_space<vmem>>
        %dma_wait3A_491 = arith.constant 0 : i32
        %dma_wait3A_492 = tpu.memref_slice %arg5[%mul3A_452, %dma_wait3A_491] : memref<10000x128xf32, #tpu.memory_space<vmem_shared>> -> memref<80x128xf32, #tpu.memory_space<vmem_shared>>
        tpu.wait_dma2 semaphore(%run_scoped3A_468 : memref<!tpu.dma_semaphore, #tpu.memory_space<semaphore_mem>>) src(%dma_wait3A_492 : memref<80x128xf32, #tpu.memory_space<vmem_shared>>) dst(%dma_wait3A_490 : memref<80x128xf32, #tpu.memory_space<vmem>>)
        tpu.yield
      }) : () -> ()
      %dma_start3A_453 = arith.constant 0 : i32
      %dma_start3A_454 = arith.constant 0 : i32
      %dma_start3A_455 = arith.constant 0 : i32
      %dma_start3A_456 = tpu.memref_slice %arg11[%dma_start3A_453, %dma_start3A_454, %dma_start3A_455] : memref<2x128x128xf32, #tpu.memory_space<vmem>> -> memref<1x80x128xf32, #tpu.memory_space<vmem>>
      %dma_start3A_457 = tpu.memref_squeeze %dma_start3A_456 : memref<1x80x128xf32, #tpu.memory_space<vmem>> -> memref<80x128xf32, #tpu.memory_space<vmem>>
      %dma_start3A_458 = arith.constant 0 : i32
      %dma_start3A_459 = tpu.memref_slice %arg4[%arg0, %mul3A_452, %dma_start3A_458] : memref<2x10000x128xf32, #tpu.memory_space<hbm>> -> memref<1x80x128xf32, #tpu.memory_space<hbm>>
      %dma_start3A_460 = tpu.memref_squeeze %dma_start3A_459 : memref<1x80x128xf32, #tpu.memory_space<hbm>> -> memref<80x128xf32, #tpu.memory_space<hbm>>
      %dma_start3A_461 = arith.constant 0 : i32
      %dma_start3A_462 = tpu.memref_slice %arg4[%arg0, %mul3A_452, %dma_start3A_461] : memref<2x10000x128xf32, #tpu.memory_space<hbm>> -> memref<1x80x128xf32, #tpu.memory_space<hbm>>
      %dma_start3A_463 = tpu.memref_squeeze %dma_start3A_462 : memref<1x80x128xf32, #tpu.memory_space<hbm>> -> memref<80x128xf32, #tpu.memory_space<hbm>>
      %dma_start3A_464 = arith.constant 0 : i32
      %dma_start3A_465 = arith.constant 0 : i32
      %dma_start3A_466 = tpu.memref_slice %arg11[%dma_start3A_453, %dma_start3A_464, %dma_start3A_465] : memref<2x128x128xf32, #tpu.memory_space<vmem>> -> memref<1x80x128xf32, #tpu.memory_space<vmem>>
      %dma_start3A_467 = tpu.memref_squeeze %dma_start3A_466 : memref<1x80x128xf32, #tpu.memory_space<vmem>> -> memref<80x128xf32, #tpu.memory_space<vmem>>
      tpu.enqueue_dma source(%dma_start3A_467 : memref<80x128xf32, #tpu.memory_space<vmem>>) target(%dma_start3A_463 : memref<80x128xf32, #tpu.memory_space<hbm>>) target_semaphore(%arg17 : memref<!tpu.dma_semaphore, #tpu.memory_space<semaphore_mem>>)
    } else {
    }
    %add3A_367 = arith.constant 16 : i32
    %add3A_368 = arith.addi %add3A_367, %arg1 : i32
    %lt3A_369 = arith.constant 125 : i32
    %lt3A_370 = arith.cmpi slt, %add3A_368, %lt3A_369 : i32
    %convert_element_type3A_371 = arith.extui %lt3A_370 : i1 to i32
    %cond3A_372 = arith.constant 0 : i32
    %cond3A_373 = arith.cmpi ne, %convert_element_type3A_371, %cond3A_372 : i32
    scf.if %cond3A_373 {
      %mul3A_451 = arith.constant 80 : i32
      %mul3A_452 = arith.muli %add3A_368, %mul3A_451 : i32
      %dma_wait3A_453 = arith.constant 1 : i32
      %dma_wait3A_454 = arith.constant 0 : i32
      %dma_wait3A_455 = arith.constant 0 : i32
      %dma_wait3A_456 = tpu.memref_slice %arg11[%dma_wait3A_453, %dma_wait3A_454, %dma_wait3A_455] : memref<2x128x128xf32, #tpu.memory_space<vmem>> -> memref<1x80x128xf32, #tpu.memory_space<vmem>>
      %dma_wait3A_457 = tpu.memref_squeeze %dma_wait3A_456 : memref<1x80x128xf32, #tpu.memory_space<vmem>> -> memref<80x128xf32, #tpu.memory_space<vmem>>
      %dma_wait3A_458 = arith.constant 0 : i32
      %dma_wait3A_459 = tpu.memref_slice %arg4[%arg0, %mul3A_452, %dma_wait3A_458] : memref<2x10000x128xf32, #tpu.memory_space<hbm>> -> memref<1x80x128xf32, #tpu.memory_space<hbm>>
      %dma_wait3A_460 = tpu.memref_squeeze %dma_wait3A_459 : memref<1x80x128xf32, #tpu.memory_space<hbm>> -> memref<80x128xf32, #tpu.memory_space<hbm>>
      %dma_wait3A_461 = arith.constant 0 : i32
      %dma_wait3A_462 = tpu.memref_slice %arg4[%arg0, %mul3A_452, %dma_wait3A_461] : memref<2x10000x128xf32, #tpu.memory_space<hbm>> -> memref<1x80x128xf32, #tpu.memory_space<hbm>>
      %dma_wait3A_463 = tpu.memref_squeeze %dma_wait3A_462 : memref<1x80x128xf32, #tpu.memory_space<hbm>> -> memref<80x128xf32, #tpu.memory_space<hbm>>
      %dma_wait3A_464 = arith.constant 0 : i32
      %dma_wait3A_465 = arith.constant 0 : i32
      %dma_wait3A_466 = tpu.memref_slice %arg11[%dma_wait3A_453, %dma_wait3A_464, %dma_wait3A_465] : memref<2x128x128xf32, #tpu.memory_space<vmem>> -> memref<1x80x128xf32, #tpu.memory_space<vmem>>
      %dma_wait3A_467 = tpu.memref_squeeze %dma_wait3A_466 : memref<1x80x128xf32, #tpu.memory_space<vmem>> -> memref<80x128xf32, #tpu.memory_space<vmem>>
      tpu.wait_dma2 semaphore(%arg18 : memref<!tpu.dma_semaphore, #tpu.memory_space<semaphore_mem>>) src(%dma_wait3A_467 : memref<80x128xf32, #tpu.memory_space<vmem>>) dst(%dma_wait3A_463 : memref<80x128xf32, #tpu.memory_space<hbm>>)
    } else {
    }
    %add3A_374 = arith.constant 48 : i32
    %add3A_375 = arith.addi %add3A_374, %arg1 : i32
    %lt3A_376 = arith.constant 125 : i32
    %lt3A_377 = arith.cmpi slt, %add3A_375, %lt3A_376 : i32
    %convert_element_type3A_378 = arith.extui %lt3A_377 : i1 to i32
    %cond3A_379 = arith.constant 0 : i32
    %cond3A_380 = arith.cmpi ne, %convert_element_type3A_378, %cond3A_379 : i32
    scf.if %cond3A_380 {
      %mul3A_451 = arith.constant 80 : i32
      %mul3A_452 = arith.muli %add3A_375, %mul3A_451 : i32
      %run_scoped3A = arith.constant 1 : i32
      "tpu.region"() ({
        %run_scoped3A_468 = tpu.sem_alloc : memref<!tpu.dma_semaphore, #tpu.memory_space<semaphore_mem>>
        %dma_start3A_469 = arith.constant 0 : i32
        %dma_start3A_470 = arith.constant 0 : i32
        %dma_start3A_471 = tpu.memref_slice %arg11[%run_scoped3A, %dma_start3A_469, %dma_start3A_470] : memref<2x128x128xf32, #tpu.memory_space<vmem>> -> memref<1x80x128xf32, #tpu.memory_space<vmem>>
        %dma_start3A_472 = tpu.memref_squeeze %dma_start3A_471 : memref<1x80x128xf32, #tpu.memory_space<vmem>> -> memref<80x128xf32, #tpu.memory_space<vmem>>
        %dma_start3A_473 = arith.constant 0 : i32
        %dma_start3A_474 = tpu.memref_slice %arg5[%mul3A_452, %dma_start3A_473] : memref<10000x128xf32, #tpu.memory_space<vmem_shared>> -> memref<80x128xf32, #tpu.memory_space<vmem_shared>>
        %dma_start3A_475 = arith.constant 0 : i32
        %dma_start3A_476 = arith.constant 0 : i32
        %dma_start3A_477 = tpu.memref_slice %arg11[%run_scoped3A, %dma_start3A_475, %dma_start3A_476] : memref<2x128x128xf32, #tpu.memory_space<vmem>> -> memref<1x80x128xf32, #tpu.memory_space<vmem>>
        %dma_start3A_478 = tpu.memref_squeeze %dma_start3A_477 : memref<1x80x128xf32, #tpu.memory_space<vmem>> -> memref<80x128xf32, #tpu.memory_space<vmem>>
        %dma_start3A_479 = arith.constant 0 : i32
        %dma_start3A_480 = tpu.memref_slice %arg5[%mul3A_452, %dma_start3A_479] : memref<10000x128xf32, #tpu.memory_space<vmem_shared>> -> memref<80x128xf32, #tpu.memory_space<vmem_shared>>
        tpu.enqueue_dma source(%dma_start3A_480 : memref<80x128xf32, #tpu.memory_space<vmem_shared>>) target(%dma_start3A_478 : memref<80x128xf32, #tpu.memory_space<vmem>>) target_semaphore(%run_scoped3A_468 : memref<!tpu.dma_semaphore, #tpu.memory_space<semaphore_mem>>)
        %dma_wait3A_481 = arith.constant 0 : i32
        %dma_wait3A_482 = arith.constant 0 : i32
        %dma_wait3A_483 = tpu.memref_slice %arg11[%run_scoped3A, %dma_wait3A_481, %dma_wait3A_482] : memref<2x128x128xf32, #tpu.memory_space<vmem>> -> memref<1x80x128xf32, #tpu.memory_space<vmem>>
        %dma_wait3A_484 = tpu.memref_squeeze %dma_wait3A_483 : memref<1x80x128xf32, #tpu.memory_space<vmem>> -> memref<80x128xf32, #tpu.memory_space<vmem>>
        %dma_wait3A_485 = arith.constant 0 : i32
        %dma_wait3A_486 = tpu.memref_slice %arg5[%mul3A_452, %dma_wait3A_485] : memref<10000x128xf32, #tpu.memory_space<vmem_shared>> -> memref<80x128xf32, #tpu.memory_space<vmem_shared>>
        %dma_wait3A_487 = arith.constant 0 : i32
        %dma_wait3A_488 = arith.constant 0 : i32
        %dma_wait3A_489 = tpu.memref_slice %arg11[%run_scoped3A, %dma_wait3A_487, %dma_wait3A_488] : memref<2x128x128xf32, #tpu.memory_space<vmem>> -> memref<1x80x128xf32, #tpu.memory_space<vmem>>
        %dma_wait3A_490 = tpu.memref_squeeze %dma_wait3A_489 : memref<1x80x128xf32, #tpu.memory_space<vmem>> -> memref<80x128xf32, #tpu.memory_space<vmem>>
        %dma_wait3A_491 = arith.constant 0 : i32
        %dma_wait3A_492 = tpu.memref_slice %arg5[%mul3A_452, %dma_wait3A_491] : memref<10000x128xf32, #tpu.memory_space<vmem_shared>> -> memref<80x128xf32, #tpu.memory_space<vmem_shared>>
        tpu.wait_dma2 semaphore(%run_scoped3A_468 : memref<!tpu.dma_semaphore, #tpu.memory_space<semaphore_mem>>) src(%dma_wait3A_492 : memref<80x128xf32, #tpu.memory_space<vmem_shared>>) dst(%dma_wait3A_490 : memref<80x128xf32, #tpu.memory_space<vmem>>)
        tpu.yield
      }) : () -> ()
      %dma_start3A_453 = arith.constant 1 : i32
      %dma_start3A_454 = arith.constant 0 : i32
      %dma_start3A_455 = arith.constant 0 : i32
      %dma_start3A_456 = tpu.memref_slice %arg11[%dma_start3A_453, %dma_start3A_454, %dma_start3A_455] : memref<2x128x128xf32, #tpu.memory_space<vmem>> -> memref<1x80x128xf32, #tpu.memory_space<vmem>>
      %dma_start3A_457 = tpu.memref_squeeze %dma_start3A_456 : memref<1x80x128xf32, #tpu.memory_space<vmem>> -> memref<80x128xf32, #tpu.memory_space<vmem>>
      %dma_start3A_458 = arith.constant 0 : i32
      %dma_start3A_459 = tpu.memref_slice %arg4[%arg0, %mul3A_452, %dma_start3A_458] : memref<2x10000x128xf32, #tpu.memory_space<hbm>> -> memref<1x80x128xf32, #tpu.memory_space<hbm>>
      %dma_start3A_460 = tpu.memref_squeeze %dma_start3A_459 : memref<1x80x128xf32, #tpu.memory_space<hbm>> -> memref<80x128xf32, #tpu.memory_space<hbm>>
      %dma_start3A_461 = arith.constant 0 : i32
      %dma_start3A_462 = tpu.memref_slice %arg4[%arg0, %mul3A_452, %dma_start3A_461] : memref<2x10000x128xf32, #tpu.memory_space<hbm>> -> memref<1x80x128xf32, #tpu.memory_space<hbm>>
      %dma_start3A_463 = tpu.memref_squeeze %dma_start3A_462 : memref<1x80x128xf32, #tpu.memory_space<hbm>> -> memref<80x128xf32, #tpu.memory_space<hbm>>
      %dma_start3A_464 = arith.constant 0 : i32
      %dma_start3A_465 = arith.constant 0 : i32
      %dma_start3A_466 = tpu.memref_slice %arg11[%dma_start3A_453, %dma_start3A_464, %dma_start3A_465] : memref<2x128x128xf32, #tpu.memory_space<vmem>> -> memref<1x80x128xf32, #tpu.memory_space<vmem>>
      %dma_start3A_467 = tpu.memref_squeeze %dma_start3A_466 : memref<1x80x128xf32, #tpu.memory_space<vmem>> -> memref<80x128xf32, #tpu.memory_space<vmem>>
      tpu.enqueue_dma source(%dma_start3A_467 : memref<80x128xf32, #tpu.memory_space<vmem>>) target(%dma_start3A_463 : memref<80x128xf32, #tpu.memory_space<hbm>>) target_semaphore(%arg18 : memref<!tpu.dma_semaphore, #tpu.memory_space<semaphore_mem>>)
    } else {
    }
    %add3A_381 = arith.constant 32 : i32
    %add3A_382 = arith.addi %add3A_381, %arg1 : i32
    %lt3A_383 = arith.constant 125 : i32
    %lt3A_384 = arith.cmpi slt, %add3A_382, %lt3A_383 : i32
    %convert_element_type3A_385 = arith.extui %lt3A_384 : i1 to i32
    %cond3A_386 = arith.constant 0 : i32
    %cond3A_387 = arith.cmpi ne, %convert_element_type3A_385, %cond3A_386 : i32
    scf.if %cond3A_387 {
      %mul3A_451 = arith.constant 80 : i32
      %mul3A_452 = arith.muli %add3A_382, %mul3A_451 : i32
      %dma_wait3A_453 = arith.constant 0 : i32
      %dma_wait3A_454 = arith.constant 0 : i32
      %dma_wait3A_455 = arith.constant 0 : i32
      %dma_wait3A_456 = tpu.memref_slice %arg11[%dma_wait3A_453, %dma_wait3A_454, %dma_wait3A_455] : memref<2x128x128xf32, #tpu.memory_space<vmem>> -> memref<1x80x128xf32, #tpu.memory_space<vmem>>
      %dma_wait3A_457 = tpu.memref_squeeze %dma_wait3A_456 : memref<1x80x128xf32, #tpu.memory_space<vmem>> -> memref<80x128xf32, #tpu.memory_space<vmem>>
      %dma_wait3A_458 = arith.constant 0 : i32
      %dma_wait3A_459 = tpu.memref_slice %arg4[%arg0, %mul3A_452, %dma_wait3A_458] : memref<2x10000x128xf32, #tpu.memory_space<hbm>> -> memref<1x80x128xf32, #tpu.memory_space<hbm>>
      %dma_wait3A_460 = tpu.memref_squeeze %dma_wait3A_459 : memref<1x80x128xf32, #tpu.memory_space<hbm>> -> memref<80x128xf32, #tpu.memory_space<hbm>>
      %dma_wait3A_461 = arith.constant 0 : i32
      %dma_wait3A_462 = tpu.memref_slice %arg4[%arg0, %mul3A_452, %dma_wait3A_461] : memref<2x10000x128xf32, #tpu.memory_space<hbm>> -> memref<1x80x128xf32, #tpu.memory_space<hbm>>
      %dma_wait3A_463 = tpu.memref_squeeze %dma_wait3A_462 : memref<1x80x128xf32, #tpu.memory_space<hbm>> -> memref<80x128xf32, #tpu.memory_space<hbm>>
      %dma_wait3A_464 = arith.constant 0 : i32
      %dma_wait3A_465 = arith.constant 0 : i32
      %dma_wait3A_466 = tpu.memref_slice %arg11[%dma_wait3A_453, %dma_wait3A_464, %dma_wait3A_465] : memref<2x128x128xf32, #tpu.memory_space<vmem>> -> memref<1x80x128xf32, #tpu.memory_space<vmem>>
      %dma_wait3A_467 = tpu.memref_squeeze %dma_wait3A_466 : memref<1x80x128xf32, #tpu.memory_space<vmem>> -> memref<80x128xf32, #tpu.memory_space<vmem>>
      tpu.wait_dma2 semaphore(%arg17 : memref<!tpu.dma_semaphore, #tpu.memory_space<semaphore_mem>>) src(%dma_wait3A_467 : memref<80x128xf32, #tpu.memory_space<vmem>>) dst(%dma_wait3A_463 : memref<80x128xf32, #tpu.memory_space<hbm>>)
    } else {
    }
    %add3A_388 = arith.constant 64 : i32
    %add3A_389 = arith.addi %add3A_388, %arg1 : i32
    %lt3A_390 = arith.constant 125 : i32
    %lt3A_391 = arith.cmpi slt, %add3A_389, %lt3A_390 : i32
    %convert_element_type3A_392 = arith.extui %lt3A_391 : i1 to i32
    %cond3A_393 = arith.constant 0 : i32
    %cond3A_394 = arith.cmpi ne, %convert_element_type3A_392, %cond3A_393 : i32
    scf.if %cond3A_394 {
      %mul3A_451 = arith.constant 80 : i32
      %mul3A_452 = arith.muli %add3A_389, %mul3A_451 : i32
      %run_scoped3A = arith.constant 0 : i32
      "tpu.region"() ({
        %run_scoped3A_468 = tpu.sem_alloc : memref<!tpu.dma_semaphore, #tpu.memory_space<semaphore_mem>>
        %dma_start3A_469 = arith.constant 0 : i32
        %dma_start3A_470 = arith.constant 0 : i32
        %dma_start3A_471 = tpu.memref_slice %arg11[%run_scoped3A, %dma_start3A_469, %dma_start3A_470] : memref<2x128x128xf32, #tpu.memory_space<vmem>> -> memref<1x80x128xf32, #tpu.memory_space<vmem>>
        %dma_start3A_472 = tpu.memref_squeeze %dma_start3A_471 : memref<1x80x128xf32, #tpu.memory_space<vmem>> -> memref<80x128xf32, #tpu.memory_space<vmem>>
        %dma_start3A_473 = arith.constant 0 : i32
        %dma_start3A_474 = tpu.memref_slice %arg5[%mul3A_452, %dma_start3A_473] : memref<10000x128xf32, #tpu.memory_space<vmem_shared>> -> memref<80x128xf32, #tpu.memory_space<vmem_shared>>
        %dma_start3A_475 = arith.constant 0 : i32
        %dma_start3A_476 = arith.constant 0 : i32
        %dma_start3A_477 = tpu.memref_slice %arg11[%run_scoped3A, %dma_start3A_475, %dma_start3A_476] : memref<2x128x128xf32, #tpu.memory_space<vmem>> -> memref<1x80x128xf32, #tpu.memory_space<vmem>>
        %dma_start3A_478 = tpu.memref_squeeze %dma_start3A_477 : memref<1x80x128xf32, #tpu.memory_space<vmem>> -> memref<80x128xf32, #tpu.memory_space<vmem>>
        %dma_start3A_479 = arith.constant 0 : i32
        %dma_start3A_480 = tpu.memref_slice %arg5[%mul3A_452, %dma_start3A_479] : memref<10000x128xf32, #tpu.memory_space<vmem_shared>> -> memref<80x128xf32, #tpu.memory_space<vmem_shared>>
        tpu.enqueue_dma source(%dma_start3A_480 : memref<80x128xf32, #tpu.memory_space<vmem_shared>>) target(%dma_start3A_478 : memref<80x128xf32, #tpu.memory_space<vmem>>) target_semaphore(%run_scoped3A_468 : memref<!tpu.dma_semaphore, #tpu.memory_space<semaphore_mem>>)
        %dma_wait3A_481 = arith.constant 0 : i32
        %dma_wait3A_482 = arith.constant 0 : i32
        %dma_wait3A_483 = tpu.memref_slice %arg11[%run_scoped3A, %dma_wait3A_481, %dma_wait3A_482] : memref<2x128x128xf32, #tpu.memory_space<vmem>> -> memref<1x80x128xf32, #tpu.memory_space<vmem>>
        %dma_wait3A_484 = tpu.memref_squeeze %dma_wait3A_483 : memref<1x80x128xf32, #tpu.memory_space<vmem>> -> memref<80x128xf32, #tpu.memory_space<vmem>>
        %dma_wait3A_485 = arith.constant 0 : i32
        %dma_wait3A_486 = tpu.memref_slice %arg5[%mul3A_452, %dma_wait3A_485] : memref<10000x128xf32, #tpu.memory_space<vmem_shared>> -> memref<80x128xf32, #tpu.memory_space<vmem_shared>>
        %dma_wait3A_487 = arith.constant 0 : i32
        %dma_wait3A_488 = arith.constant 0 : i32
        %dma_wait3A_489 = tpu.memref_slice %arg11[%run_scoped3A, %dma_wait3A_487, %dma_wait3A_488] : memref<2x128x128xf32, #tpu.memory_space<vmem>> -> memref<1x80x128xf32, #tpu.memory_space<vmem>>
        %dma_wait3A_490 = tpu.memref_squeeze %dma_wait3A_489 : memref<1x80x128xf32, #tpu.memory_space<vmem>> -> memref<80x128xf32, #tpu.memory_space<vmem>>
        %dma_wait3A_491 = arith.constant 0 : i32
        %dma_wait3A_492 = tpu.memref_slice %arg5[%mul3A_452, %dma_wait3A_491] : memref<10000x128xf32, #tpu.memory_space<vmem_shared>> -> memref<80x128xf32, #tpu.memory_space<vmem_shared>>
        tpu.wait_dma2 semaphore(%run_scoped3A_468 : memref<!tpu.dma_semaphore, #tpu.memory_space<semaphore_mem>>) src(%dma_wait3A_492 : memref<80x128xf32, #tpu.memory_space<vmem_shared>>) dst(%dma_wait3A_490 : memref<80x128xf32, #tpu.memory_space<vmem>>)
        tpu.yield
      }) : () -> ()
      %dma_start3A_453 = arith.constant 0 : i32
      %dma_start3A_454 = arith.constant 0 : i32
      %dma_start3A_455 = arith.constant 0 : i32
      %dma_start3A_456 = tpu.memref_slice %arg11[%dma_start3A_453, %dma_start3A_454, %dma_start3A_455] : memref<2x128x128xf32, #tpu.memory_space<vmem>> -> memref<1x80x128xf32, #tpu.memory_space<vmem>>
      %dma_start3A_457 = tpu.memref_squeeze %dma_start3A_456 : memref<1x80x128xf32, #tpu.memory_space<vmem>> -> memref<80x128xf32, #tpu.memory_space<vmem>>
      %dma_start3A_458 = arith.constant 0 : i32
      %dma_start3A_459 = tpu.memref_slice %arg4[%arg0, %mul3A_452, %dma_start3A_458] : memref<2x10000x128xf32, #tpu.memory_space<hbm>> -> memref<1x80x128xf32, #tpu.memory_space<hbm>>
      %dma_start3A_460 = tpu.memref_squeeze %dma_start3A_459 : memref<1x80x128xf32, #tpu.memory_space<hbm>> -> memref<80x128xf32, #tpu.memory_space<hbm>>
      %dma_start3A_461 = arith.constant 0 : i32
      %dma_start3A_462 = tpu.memref_slice %arg4[%arg0, %mul3A_452, %dma_start3A_461] : memref<2x10000x128xf32, #tpu.memory_space<hbm>> -> memref<1x80x128xf32, #tpu.memory_space<hbm>>
      %dma_start3A_463 = tpu.memref_squeeze %dma_start3A_462 : memref<1x80x128xf32, #tpu.memory_space<hbm>> -> memref<80x128xf32, #tpu.memory_space<hbm>>
      %dma_start3A_464 = arith.constant 0 : i32
      %dma_start3A_465 = arith.constant 0 : i32
      %dma_start3A_466 = tpu.memref_slice %arg11[%dma_start3A_453, %dma_start3A_464, %dma_start3A_465] : memref<2x128x128xf32, #tpu.memory_space<vmem>> -> memref<1x80x128xf32, #tpu.memory_space<vmem>>
      %dma_start3A_467 = tpu.memref_squeeze %dma_start3A_466 : memref<1x80x128xf32, #tpu.memory_space<vmem>> -> memref<80x128xf32, #tpu.memory_space<vmem>>
      tpu.enqueue_dma source(%dma_start3A_467 : memref<80x128xf32, #tpu.memory_space<vmem>>) target(%dma_start3A_463 : memref<80x128xf32, #tpu.memory_space<hbm>>) target_semaphore(%arg17 : memref<!tpu.dma_semaphore, #tpu.memory_space<semaphore_mem>>)
    } else {
    }
    %add3A_395 = arith.constant 48 : i32
    %add3A_396 = arith.addi %add3A_395, %arg1 : i32
    %lt3A_397 = arith.constant 125 : i32
    %lt3A_398 = arith.cmpi slt, %add3A_396, %lt3A_397 : i32
    %convert_element_type3A_399 = arith.extui %lt3A_398 : i1 to i32
    %cond3A_400 = arith.constant 0 : i32
    %cond3A_401 = arith.cmpi ne, %convert_element_type3A_399, %cond3A_400 : i32
    scf.if %cond3A_401 {
      %mul3A_451 = arith.constant 80 : i32
      %mul3A_452 = arith.muli %add3A_396, %mul3A_451 : i32
      %dma_wait3A_453 = arith.constant 1 : i32
      %dma_wait3A_454 = arith.constant 0 : i32
      %dma_wait3A_455 = arith.constant 0 : i32
      %dma_wait3A_456 = tpu.memref_slice %arg11[%dma_wait3A_453, %dma_wait3A_454, %dma_wait3A_455] : memref<2x128x128xf32, #tpu.memory_space<vmem>> -> memref<1x80x128xf32, #tpu.memory_space<vmem>>
      %dma_wait3A_457 = tpu.memref_squeeze %dma_wait3A_456 : memref<1x80x128xf32, #tpu.memory_space<vmem>> -> memref<80x128xf32, #tpu.memory_space<vmem>>
      %dma_wait3A_458 = arith.constant 0 : i32
      %dma_wait3A_459 = tpu.memref_slice %arg4[%arg0, %mul3A_452, %dma_wait3A_458] : memref<2x10000x128xf32, #tpu.memory_space<hbm>> -> memref<1x80x128xf32, #tpu.memory_space<hbm>>
      %dma_wait3A_460 = tpu.memref_squeeze %dma_wait3A_459 : memref<1x80x128xf32, #tpu.memory_space<hbm>> -> memref<80x128xf32, #tpu.memory_space<hbm>>
      %dma_wait3A_461 = arith.constant 0 : i32
      %dma_wait3A_462 = tpu.memref_slice %arg4[%arg0, %mul3A_452, %dma_wait3A_461] : memref<2x10000x128xf32, #tpu.memory_space<hbm>> -> memref<1x80x128xf32, #tpu.memory_space<hbm>>
      %dma_wait3A_463 = tpu.memref_squeeze %dma_wait3A_462 : memref<1x80x128xf32, #tpu.memory_space<hbm>> -> memref<80x128xf32, #tpu.memory_space<hbm>>
      %dma_wait3A_464 = arith.constant 0 : i32
      %dma_wait3A_465 = arith.constant 0 : i32
      %dma_wait3A_466 = tpu.memref_slice %arg11[%dma_wait3A_453, %dma_wait3A_464, %dma_wait3A_465] : memref<2x128x128xf32, #tpu.memory_space<vmem>> -> memref<1x80x128xf32, #tpu.memory_space<vmem>>
      %dma_wait3A_467 = tpu.memref_squeeze %dma_wait3A_466 : memref<1x80x128xf32, #tpu.memory_space<vmem>> -> memref<80x128xf32, #tpu.memory_space<vmem>>
      tpu.wait_dma2 semaphore(%arg18 : memref<!tpu.dma_semaphore, #tpu.memory_space<semaphore_mem>>) src(%dma_wait3A_467 : memref<80x128xf32, #tpu.memory_space<vmem>>) dst(%dma_wait3A_463 : memref<80x128xf32, #tpu.memory_space<hbm>>)
    } else {
    }
    %add3A_402 = arith.constant 80 : i32
    %add3A_403 = arith.addi %add3A_402, %arg1 : i32
    %lt3A_404 = arith.constant 125 : i32
    %lt3A_405 = arith.cmpi slt, %add3A_403, %lt3A_404 : i32
    %convert_element_type3A_406 = arith.extui %lt3A_405 : i1 to i32
    %cond3A_407 = arith.constant 0 : i32
    %cond3A_408 = arith.cmpi ne, %convert_element_type3A_406, %cond3A_407 : i32
    scf.if %cond3A_408 {
      %mul3A_451 = arith.constant 80 : i32
      %mul3A_452 = arith.muli %add3A_403, %mul3A_451 : i32
      %run_scoped3A = arith.constant 1 : i32
      "tpu.region"() ({
        %run_scoped3A_468 = tpu.sem_alloc : memref<!tpu.dma_semaphore, #tpu.memory_space<semaphore_mem>>
        %dma_start3A_469 = arith.constant 0 : i32
        %dma_start3A_470 = arith.constant 0 : i32
        %dma_start3A_471 = tpu.memref_slice %arg11[%run_scoped3A, %dma_start3A_469, %dma_start3A_470] : memref<2x128x128xf32, #tpu.memory_space<vmem>> -> memref<1x80x128xf32, #tpu.memory_space<vmem>>
        %dma_start3A_472 = tpu.memref_squeeze %dma_start3A_471 : memref<1x80x128xf32, #tpu.memory_space<vmem>> -> memref<80x128xf32, #tpu.memory_space<vmem>>
        %dma_start3A_473 = arith.constant 0 : i32
        %dma_start3A_474 = tpu.memref_slice %arg5[%mul3A_452, %dma_start3A_473] : memref<10000x128xf32, #tpu.memory_space<vmem_shared>> -> memref<80x128xf32, #tpu.memory_space<vmem_shared>>
        %dma_start3A_475 = arith.constant 0 : i32
        %dma_start3A_476 = arith.constant 0 : i32
        %dma_start3A_477 = tpu.memref_slice %arg11[%run_scoped3A, %dma_start3A_475, %dma_start3A_476] : memref<2x128x128xf32, #tpu.memory_space<vmem>> -> memref<1x80x128xf32, #tpu.memory_space<vmem>>
        %dma_start3A_478 = tpu.memref_squeeze %dma_start3A_477 : memref<1x80x128xf32, #tpu.memory_space<vmem>> -> memref<80x128xf32, #tpu.memory_space<vmem>>
        %dma_start3A_479 = arith.constant 0 : i32
        %dma_start3A_480 = tpu.memref_slice %arg5[%mul3A_452, %dma_start3A_479] : memref<10000x128xf32, #tpu.memory_space<vmem_shared>> -> memref<80x128xf32, #tpu.memory_space<vmem_shared>>
        tpu.enqueue_dma source(%dma_start3A_480 : memref<80x128xf32, #tpu.memory_space<vmem_shared>>) target(%dma_start3A_478 : memref<80x128xf32, #tpu.memory_space<vmem>>) target_semaphore(%run_scoped3A_468 : memref<!tpu.dma_semaphore, #tpu.memory_space<semaphore_mem>>)
        %dma_wait3A_481 = arith.constant 0 : i32
        %dma_wait3A_482 = arith.constant 0 : i32
        %dma_wait3A_483 = tpu.memref_slice %arg11[%run_scoped3A, %dma_wait3A_481, %dma_wait3A_482] : memref<2x128x128xf32, #tpu.memory_space<vmem>> -> memref<1x80x128xf32, #tpu.memory_space<vmem>>
        %dma_wait3A_484 = tpu.memref_squeeze %dma_wait3A_483 : memref<1x80x128xf32, #tpu.memory_space<vmem>> -> memref<80x128xf32, #tpu.memory_space<vmem>>
        %dma_wait3A_485 = arith.constant 0 : i32
        %dma_wait3A_486 = tpu.memref_slice %arg5[%mul3A_452, %dma_wait3A_485] : memref<10000x128xf32, #tpu.memory_space<vmem_shared>> -> memref<80x128xf32, #tpu.memory_space<vmem_shared>>
        %dma_wait3A_487 = arith.constant 0 : i32
        %dma_wait3A_488 = arith.constant 0 : i32
        %dma_wait3A_489 = tpu.memref_slice %arg11[%run_scoped3A, %dma_wait3A_487, %dma_wait3A_488] : memref<2x128x128xf32, #tpu.memory_space<vmem>> -> memref<1x80x128xf32, #tpu.memory_space<vmem>>
        %dma_wait3A_490 = tpu.memref_squeeze %dma_wait3A_489 : memref<1x80x128xf32, #tpu.memory_space<vmem>> -> memref<80x128xf32, #tpu.memory_space<vmem>>
        %dma_wait3A_491 = arith.constant 0 : i32
        %dma_wait3A_492 = tpu.memref_slice %arg5[%mul3A_452, %dma_wait3A_491] : memref<10000x128xf32, #tpu.memory_space<vmem_shared>> -> memref<80x128xf32, #tpu.memory_space<vmem_shared>>
        tpu.wait_dma2 semaphore(%run_scoped3A_468 : memref<!tpu.dma_semaphore, #tpu.memory_space<semaphore_mem>>) src(%dma_wait3A_492 : memref<80x128xf32, #tpu.memory_space<vmem_shared>>) dst(%dma_wait3A_490 : memref<80x128xf32, #tpu.memory_space<vmem>>)
        tpu.yield
      }) : () -> ()
      %dma_start3A_453 = arith.constant 1 : i32
      %dma_start3A_454 = arith.constant 0 : i32
      %dma_start3A_455 = arith.constant 0 : i32
      %dma_start3A_456 = tpu.memref_slice %arg11[%dma_start3A_453, %dma_start3A_454, %dma_start3A_455] : memref<2x128x128xf32, #tpu.memory_space<vmem>> -> memref<1x80x128xf32, #tpu.memory_space<vmem>>
      %dma_start3A_457 = tpu.memref_squeeze %dma_start3A_456 : memref<1x80x128xf32, #tpu.memory_space<vmem>> -> memref<80x128xf32, #tpu.memory_space<vmem>>
      %dma_start3A_458 = arith.constant 0 : i32
      %dma_start3A_459 = tpu.memref_slice %arg4[%arg0, %mul3A_452, %dma_start3A_458] : memref<2x10000x128xf32, #tpu.memory_space<hbm>> -> memref<1x80x128xf32, #tpu.memory_space<hbm>>
      %dma_start3A_460 = tpu.memref_squeeze %dma_start3A_459 : memref<1x80x128xf32, #tpu.memory_space<hbm>> -> memref<80x128xf32, #tpu.memory_space<hbm>>
      %dma_start3A_461 = arith.constant 0 : i32
      %dma_start3A_462 = tpu.memref_slice %arg4[%arg0, %mul3A_452, %dma_start3A_461] : memref<2x10000x128xf32, #tpu.memory_space<hbm>> -> memref<1x80x128xf32, #tpu.memory_space<hbm>>
      %dma_start3A_463 = tpu.memref_squeeze %dma_start3A_462 : memref<1x80x128xf32, #tpu.memory_space<hbm>> -> memref<80x128xf32, #tpu.memory_space<hbm>>
      %dma_start3A_464 = arith.constant 0 : i32
      %dma_start3A_465 = arith.constant 0 : i32
      %dma_start3A_466 = tpu.memref_slice %arg11[%dma_start3A_453, %dma_start3A_464, %dma_start3A_465] : memref<2x128x128xf32, #tpu.memory_space<vmem>> -> memref<1x80x128xf32, #tpu.memory_space<vmem>>
      %dma_start3A_467 = tpu.memref_squeeze %dma_start3A_466 : memref<1x80x128xf32, #tpu.memory_space<vmem>> -> memref<80x128xf32, #tpu.memory_space<vmem>>
      tpu.enqueue_dma source(%dma_start3A_467 : memref<80x128xf32, #tpu.memory_space<vmem>>) target(%dma_start3A_463 : memref<80x128xf32, #tpu.memory_space<hbm>>) target_semaphore(%arg18 : memref<!tpu.dma_semaphore, #tpu.memory_space<semaphore_mem>>)
    } else {
    }
    %add3A_409 = arith.constant 64 : i32
    %add3A_410 = arith.addi %add3A_409, %arg1 : i32
    %lt3A_411 = arith.constant 125 : i32
    %lt3A_412 = arith.cmpi slt, %add3A_410, %lt3A_411 : i32
    %convert_element_type3A_413 = arith.extui %lt3A_412 : i1 to i32
    %cond3A_414 = arith.constant 0 : i32
    %cond3A_415 = arith.cmpi ne, %convert_element_type3A_413, %cond3A_414 : i32
    scf.if %cond3A_415 {
      %mul3A_451 = arith.constant 80 : i32
      %mul3A_452 = arith.muli %add3A_410, %mul3A_451 : i32
      %dma_wait3A_453 = arith.constant 0 : i32
      %dma_wait3A_454 = arith.constant 0 : i32
      %dma_wait3A_455 = arith.constant 0 : i32
      %dma_wait3A_456 = tpu.memref_slice %arg11[%dma_wait3A_453, %dma_wait3A_454, %dma_wait3A_455] : memref<2x128x128xf32, #tpu.memory_space<vmem>> -> memref<1x80x128xf32, #tpu.memory_space<vmem>>
      %dma_wait3A_457 = tpu.memref_squeeze %dma_wait3A_456 : memref<1x80x128xf32, #tpu.memory_space<vmem>> -> memref<80x128xf32, #tpu.memory_space<vmem>>
      %dma_wait3A_458 = arith.constant 0 : i32
      %dma_wait3A_459 = tpu.memref_slice %arg4[%arg0, %mul3A_452, %dma_wait3A_458] : memref<2x10000x128xf32, #tpu.memory_space<hbm>> -> memref<1x80x128xf32, #tpu.memory_space<hbm>>
      %dma_wait3A_460 = tpu.memref_squeeze %dma_wait3A_459 : memref<1x80x128xf32, #tpu.memory_space<hbm>> -> memref<80x128xf32, #tpu.memory_space<hbm>>
      %dma_wait3A_461 = arith.constant 0 : i32
      %dma_wait3A_462 = tpu.memref_slice %arg4[%arg0, %mul3A_452, %dma_wait3A_461] : memref<2x10000x128xf32, #tpu.memory_space<hbm>> -> memref<1x80x128xf32, #tpu.memory_space<hbm>>
      %dma_wait3A_463 = tpu.memref_squeeze %dma_wait3A_462 : memref<1x80x128xf32, #tpu.memory_space<hbm>> -> memref<80x128xf32, #tpu.memory_space<hbm>>
      %dma_wait3A_464 = arith.constant 0 : i32
      %dma_wait3A_465 = arith.constant 0 : i32
      %dma_wait3A_466 = tpu.memref_slice %arg11[%dma_wait3A_453, %dma_wait3A_464, %dma_wait3A_465] : memref<2x128x128xf32, #tpu.memory_space<vmem>> -> memref<1x80x128xf32, #tpu.memory_space<vmem>>
      %dma_wait3A_467 = tpu.memref_squeeze %dma_wait3A_466 : memref<1x80x128xf32, #tpu.memory_space<vmem>> -> memref<80x128xf32, #tpu.memory_space<vmem>>
      tpu.wait_dma2 semaphore(%arg17 : memref<!tpu.dma_semaphore, #tpu.memory_space<semaphore_mem>>) src(%dma_wait3A_467 : memref<80x128xf32, #tpu.memory_space<vmem>>) dst(%dma_wait3A_463 : memref<80x128xf32, #tpu.memory_space<hbm>>)
    } else {
    }
    %add3A_416 = arith.constant 96 : i32
    %add3A_417 = arith.addi %add3A_416, %arg1 : i32
    %lt3A_418 = arith.constant 125 : i32
    %lt3A_419 = arith.cmpi slt, %add3A_417, %lt3A_418 : i32
    %convert_element_type3A_420 = arith.extui %lt3A_419 : i1 to i32
    %cond3A_421 = arith.constant 0 : i32
    %cond3A_422 = arith.cmpi ne, %convert_element_type3A_420, %cond3A_421 : i32
    scf.if %cond3A_422 {
      %mul3A_451 = arith.constant 80 : i32
      %mul3A_452 = arith.muli %add3A_417, %mul3A_451 : i32
      %run_scoped3A = arith.constant 0 : i32
      "tpu.region"() ({
        %run_scoped3A_468 = tpu.sem_alloc : memref<!tpu.dma_semaphore, #tpu.memory_space<semaphore_mem>>
        %dma_start3A_469 = arith.constant 0 : i32
        %dma_start3A_470 = arith.constant 0 : i32
        %dma_start3A_471 = tpu.memref_slice %arg11[%run_scoped3A, %dma_start3A_469, %dma_start3A_470] : memref<2x128x128xf32, #tpu.memory_space<vmem>> -> memref<1x80x128xf32, #tpu.memory_space<vmem>>
        %dma_start3A_472 = tpu.memref_squeeze %dma_start3A_471 : memref<1x80x128xf32, #tpu.memory_space<vmem>> -> memref<80x128xf32, #tpu.memory_space<vmem>>
        %dma_start3A_473 = arith.constant 0 : i32
        %dma_start3A_474 = tpu.memref_slice %arg5[%mul3A_452, %dma_start3A_473] : memref<10000x128xf32, #tpu.memory_space<vmem_shared>> -> memref<80x128xf32, #tpu.memory_space<vmem_shared>>
        %dma_start3A_475 = arith.constant 0 : i32
        %dma_start3A_476 = arith.constant 0 : i32
        %dma_start3A_477 = tpu.memref_slice %arg11[%run_scoped3A, %dma_start3A_475, %dma_start3A_476] : memref<2x128x128xf32, #tpu.memory_space<vmem>> -> memref<1x80x128xf32, #tpu.memory_space<vmem>>
        %dma_start3A_478 = tpu.memref_squeeze %dma_start3A_477 : memref<1x80x128xf32, #tpu.memory_space<vmem>> -> memref<80x128xf32, #tpu.memory_space<vmem>>
        %dma_start3A_479 = arith.constant 0 : i32
        %dma_start3A_480 = tpu.memref_slice %arg5[%mul3A_452, %dma_start3A_479] : memref<10000x128xf32, #tpu.memory_space<vmem_shared>> -> memref<80x128xf32, #tpu.memory_space<vmem_shared>>
        tpu.enqueue_dma source(%dma_start3A_480 : memref<80x128xf32, #tpu.memory_space<vmem_shared>>) target(%dma_start3A_478 : memref<80x128xf32, #tpu.memory_space<vmem>>) target_semaphore(%run_scoped3A_468 : memref<!tpu.dma_semaphore, #tpu.memory_space<semaphore_mem>>)
        %dma_wait3A_481 = arith.constant 0 : i32
        %dma_wait3A_482 = arith.constant 0 : i32
        %dma_wait3A_483 = tpu.memref_slice %arg11[%run_scoped3A, %dma_wait3A_481, %dma_wait3A_482] : memref<2x128x128xf32, #tpu.memory_space<vmem>> -> memref<1x80x128xf32, #tpu.memory_space<vmem>>
        %dma_wait3A_484 = tpu.memref_squeeze %dma_wait3A_483 : memref<1x80x128xf32, #tpu.memory_space<vmem>> -> memref<80x128xf32, #tpu.memory_space<vmem>>
        %dma_wait3A_485 = arith.constant 0 : i32
        %dma_wait3A_486 = tpu.memref_slice %arg5[%mul3A_452, %dma_wait3A_485] : memref<10000x128xf32, #tpu.memory_space<vmem_shared>> -> memref<80x128xf32, #tpu.memory_space<vmem_shared>>
        %dma_wait3A_487 = arith.constant 0 : i32
        %dma_wait3A_488 = arith.constant 0 : i32
        %dma_wait3A_489 = tpu.memref_slice %arg11[%run_scoped3A, %dma_wait3A_487, %dma_wait3A_488] : memref<2x128x128xf32, #tpu.memory_space<vmem>> -> memref<1x80x128xf32, #tpu.memory_space<vmem>>
        %dma_wait3A_490 = tpu.memref_squeeze %dma_wait3A_489 : memref<1x80x128xf32, #tpu.memory_space<vmem>> -> memref<80x128xf32, #tpu.memory_space<vmem>>
        %dma_wait3A_491 = arith.constant 0 : i32
        %dma_wait3A_492 = tpu.memref_slice %arg5[%mul3A_452, %dma_wait3A_491] : memref<10000x128xf32, #tpu.memory_space<vmem_shared>> -> memref<80x128xf32, #tpu.memory_space<vmem_shared>>
        tpu.wait_dma2 semaphore(%run_scoped3A_468 : memref<!tpu.dma_semaphore, #tpu.memory_space<semaphore_mem>>) src(%dma_wait3A_492 : memref<80x128xf32, #tpu.memory_space<vmem_shared>>) dst(%dma_wait3A_490 : memref<80x128xf32, #tpu.memory_space<vmem>>)
        tpu.yield
      }) : () -> ()
      %dma_start3A_453 = arith.constant 0 : i32
      %dma_start3A_454 = arith.constant 0 : i32
      %dma_start3A_455 = arith.constant 0 : i32
      %dma_start3A_456 = tpu.memref_slice %arg11[%dma_start3A_453, %dma_start3A_454, %dma_start3A_455] : memref<2x128x128xf32, #tpu.memory_space<vmem>> -> memref<1x80x128xf32, #tpu.memory_space<vmem>>
      %dma_start3A_457 = tpu.memref_squeeze %dma_start3A_456 : memref<1x80x128xf32, #tpu.memory_space<vmem>> -> memref<80x128xf32, #tpu.memory_space<vmem>>
      %dma_start3A_458 = arith.constant 0 : i32
      %dma_start3A_459 = tpu.memref_slice %arg4[%arg0, %mul3A_452, %dma_start3A_458] : memref<2x10000x128xf32, #tpu.memory_space<hbm>> -> memref<1x80x128xf32, #tpu.memory_space<hbm>>
      %dma_start3A_460 = tpu.memref_squeeze %dma_start3A_459 : memref<1x80x128xf32, #tpu.memory_space<hbm>> -> memref<80x128xf32, #tpu.memory_space<hbm>>
      %dma_start3A_461 = arith.constant 0 : i32
      %dma_start3A_462 = tpu.memref_slice %arg4[%arg0, %mul3A_452, %dma_start3A_461] : memref<2x10000x128xf32, #tpu.memory_space<hbm>> -> memref<1x80x128xf32, #tpu.memory_space<hbm>>
      %dma_start3A_463 = tpu.memref_squeeze %dma_start3A_462 : memref<1x80x128xf32, #tpu.memory_space<hbm>> -> memref<80x128xf32, #tpu.memory_space<hbm>>
      %dma_start3A_464 = arith.constant 0 : i32
      %dma_start3A_465 = arith.constant 0 : i32
      %dma_start3A_466 = tpu.memref_slice %arg11[%dma_start3A_453, %dma_start3A_464, %dma_start3A_465] : memref<2x128x128xf32, #tpu.memory_space<vmem>> -> memref<1x80x128xf32, #tpu.memory_space<vmem>>
      %dma_start3A_467 = tpu.memref_squeeze %dma_start3A_466 : memref<1x80x128xf32, #tpu.memory_space<vmem>> -> memref<80x128xf32, #tpu.memory_space<vmem>>
      tpu.enqueue_dma source(%dma_start3A_467 : memref<80x128xf32, #tpu.memory_space<vmem>>) target(%dma_start3A_463 : memref<80x128xf32, #tpu.memory_space<hbm>>) target_semaphore(%arg17 : memref<!tpu.dma_semaphore, #tpu.memory_space<semaphore_mem>>)
    } else {
    }
    %add3A_423 = arith.constant 80 : i32
    %add3A_424 = arith.addi %add3A_423, %arg1 : i32
    %lt3A_425 = arith.constant 125 : i32
    %lt3A_426 = arith.cmpi slt, %add3A_424, %lt3A_425 : i32
    %convert_element_type3A_427 = arith.extui %lt3A_426 : i1 to i32
    %cond3A_428 = arith.constant 0 : i32
    %cond3A_429 = arith.cmpi ne, %convert_element_type3A_427, %cond3A_428 : i32
    scf.if %cond3A_429 {
      %mul3A_451 = arith.constant 80 : i32
      %mul3A_452 = arith.muli %add3A_424, %mul3A_451 : i32
      %dma_wait3A_453 = arith.constant 1 : i32
      %dma_wait3A_454 = arith.constant 0 : i32
      %dma_wait3A_455 = arith.constant 0 : i32
      %dma_wait3A_456 = tpu.memref_slice %arg11[%dma_wait3A_453, %dma_wait3A_454, %dma_wait3A_455] : memref<2x128x128xf32, #tpu.memory_space<vmem>> -> memref<1x80x128xf32, #tpu.memory_space<vmem>>
      %dma_wait3A_457 = tpu.memref_squeeze %dma_wait3A_456 : memref<1x80x128xf32, #tpu.memory_space<vmem>> -> memref<80x128xf32, #tpu.memory_space<vmem>>
      %dma_wait3A_458 = arith.constant 0 : i32
      %dma_wait3A_459 = tpu.memref_slice %arg4[%arg0, %mul3A_452, %dma_wait3A_458] : memref<2x10000x128xf32, #tpu.memory_space<hbm>> -> memref<1x80x128xf32, #tpu.memory_space<hbm>>
      %dma_wait3A_460 = tpu.memref_squeeze %dma_wait3A_459 : memref<1x80x128xf32, #tpu.memory_space<hbm>> -> memref<80x128xf32, #tpu.memory_space<hbm>>
      %dma_wait3A_461 = arith.constant 0 : i32
      %dma_wait3A_462 = tpu.memref_slice %arg4[%arg0, %mul3A_452, %dma_wait3A_461] : memref<2x10000x128xf32, #tpu.memory_space<hbm>> -> memref<1x80x128xf32, #tpu.memory_space<hbm>>
      %dma_wait3A_463 = tpu.memref_squeeze %dma_wait3A_462 : memref<1x80x128xf32, #tpu.memory_space<hbm>> -> memref<80x128xf32, #tpu.memory_space<hbm>>
      %dma_wait3A_464 = arith.constant 0 : i32
      %dma_wait3A_465 = arith.constant 0 : i32
      %dma_wait3A_466 = tpu.memref_slice %arg11[%dma_wait3A_453, %dma_wait3A_464, %dma_wait3A_465] : memref<2x128x128xf32, #tpu.memory_space<vmem>> -> memref<1x80x128xf32, #tpu.memory_space<vmem>>
      %dma_wait3A_467 = tpu.memref_squeeze %dma_wait3A_466 : memref<1x80x128xf32, #tpu.memory_space<vmem>> -> memref<80x128xf32, #tpu.memory_space<vmem>>
      tpu.wait_dma2 semaphore(%arg18 : memref<!tpu.dma_semaphore, #tpu.memory_space<semaphore_mem>>) src(%dma_wait3A_467 : memref<80x128xf32, #tpu.memory_space<vmem>>) dst(%dma_wait3A_463 : memref<80x128xf32, #tpu.memory_space<hbm>>)
    } else {
    }
    %add3A_430 = arith.constant 112 : i32
    %add3A_431 = arith.addi %add3A_430, %arg1 : i32
    %lt3A_432 = arith.constant 125 : i32
    %lt3A_433 = arith.cmpi slt, %add3A_431, %lt3A_432 : i32
    %convert_element_type3A_434 = arith.extui %lt3A_433 : i1 to i32
    %cond3A_435 = arith.constant 0 : i32
    %cond3A_436 = arith.cmpi ne, %convert_element_type3A_434, %cond3A_435 : i32
    scf.if %cond3A_436 {
      %mul3A_451 = arith.constant 80 : i32
      %mul3A_452 = arith.muli %add3A_431, %mul3A_451 : i32
      %run_scoped3A = arith.constant 1 : i32
      "tpu.region"() ({
        %run_scoped3A_468 = tpu.sem_alloc : memref<!tpu.dma_semaphore, #tpu.memory_space<semaphore_mem>>
        %dma_start3A_469 = arith.constant 0 : i32
        %dma_start3A_470 = arith.constant 0 : i32
        %dma_start3A_471 = tpu.memref_slice %arg11[%run_scoped3A, %dma_start3A_469, %dma_start3A_470] : memref<2x128x128xf32, #tpu.memory_space<vmem>> -> memref<1x80x128xf32, #tpu.memory_space<vmem>>
        %dma_start3A_472 = tpu.memref_squeeze %dma_start3A_471 : memref<1x80x128xf32, #tpu.memory_space<vmem>> -> memref<80x128xf32, #tpu.memory_space<vmem>>
        %dma_start3A_473 = arith.constant 0 : i32
        %dma_start3A_474 = tpu.memref_slice %arg5[%mul3A_452, %dma_start3A_473] : memref<10000x128xf32, #tpu.memory_space<vmem_shared>> -> memref<80x128xf32, #tpu.memory_space<vmem_shared>>
        %dma_start3A_475 = arith.constant 0 : i32
        %dma_start3A_476 = arith.constant 0 : i32
        %dma_start3A_477 = tpu.memref_slice %arg11[%run_scoped3A, %dma_start3A_475, %dma_start3A_476] : memref<2x128x128xf32, #tpu.memory_space<vmem>> -> memref<1x80x128xf32, #tpu.memory_space<vmem>>
        %dma_start3A_478 = tpu.memref_squeeze %dma_start3A_477 : memref<1x80x128xf32, #tpu.memory_space<vmem>> -> memref<80x128xf32, #tpu.memory_space<vmem>>
        %dma_start3A_479 = arith.constant 0 : i32
        %dma_start3A_480 = tpu.memref_slice %arg5[%mul3A_452, %dma_start3A_479] : memref<10000x128xf32, #tpu.memory_space<vmem_shared>> -> memref<80x128xf32, #tpu.memory_space<vmem_shared>>
        tpu.enqueue_dma source(%dma_start3A_480 : memref<80x128xf32, #tpu.memory_space<vmem_shared>>) target(%dma_start3A_478 : memref<80x128xf32, #tpu.memory_space<vmem>>) target_semaphore(%run_scoped3A_468 : memref<!tpu.dma_semaphore, #tpu.memory_space<semaphore_mem>>)
        %dma_wait3A_481 = arith.constant 0 : i32
        %dma_wait3A_482 = arith.constant 0 : i32
        %dma_wait3A_483 = tpu.memref_slice %arg11[%run_scoped3A, %dma_wait3A_481, %dma_wait3A_482] : memref<2x128x128xf32, #tpu.memory_space<vmem>> -> memref<1x80x128xf32, #tpu.memory_space<vmem>>
        %dma_wait3A_484 = tpu.memref_squeeze %dma_wait3A_483 : memref<1x80x128xf32, #tpu.memory_space<vmem>> -> memref<80x128xf32, #tpu.memory_space<vmem>>
        %dma_wait3A_485 = arith.constant 0 : i32
        %dma_wait3A_486 = tpu.memref_slice %arg5[%mul3A_452, %dma_wait3A_485] : memref<10000x128xf32, #tpu.memory_space<vmem_shared>> -> memref<80x128xf32, #tpu.memory_space<vmem_shared>>
        %dma_wait3A_487 = arith.constant 0 : i32
        %dma_wait3A_488 = arith.constant 0 : i32
        %dma_wait3A_489 = tpu.memref_slice %arg11[%run_scoped3A, %dma_wait3A_487, %dma_wait3A_488] : memref<2x128x128xf32, #tpu.memory_space<vmem>> -> memref<1x80x128xf32, #tpu.memory_space<vmem>>
        %dma_wait3A_490 = tpu.memref_squeeze %dma_wait3A_489 : memref<1x80x128xf32, #tpu.memory_space<vmem>> -> memref<80x128xf32, #tpu.memory_space<vmem>>
        %dma_wait3A_491 = arith.constant 0 : i32
        %dma_wait3A_492 = tpu.memref_slice %arg5[%mul3A_452, %dma_wait3A_491] : memref<10000x128xf32, #tpu.memory_space<vmem_shared>> -> memref<80x128xf32, #tpu.memory_space<vmem_shared>>
        tpu.wait_dma2 semaphore(%run_scoped3A_468 : memref<!tpu.dma_semaphore, #tpu.memory_space<semaphore_mem>>) src(%dma_wait3A_492 : memref<80x128xf32, #tpu.memory_space<vmem_shared>>) dst(%dma_wait3A_490 : memref<80x128xf32, #tpu.memory_space<vmem>>)
        tpu.yield
      }) : () -> ()
      %dma_start3A_453 = arith.constant 1 : i32
      %dma_start3A_454 = arith.constant 0 : i32
      %dma_start3A_455 = arith.constant 0 : i32
      %dma_start3A_456 = tpu.memref_slice %arg11[%dma_start3A_453, %dma_start3A_454, %dma_start3A_455] : memref<2x128x128xf32, #tpu.memory_space<vmem>> -> memref<1x80x128xf32, #tpu.memory_space<vmem>>
      %dma_start3A_457 = tpu.memref_squeeze %dma_start3A_456 : memref<1x80x128xf32, #tpu.memory_space<vmem>> -> memref<80x128xf32, #tpu.memory_space<vmem>>
      %dma_start3A_458 = arith.constant 0 : i32
      %dma_start3A_459 = tpu.memref_slice %arg4[%arg0, %mul3A_452, %dma_start3A_458] : memref<2x10000x128xf32, #tpu.memory_space<hbm>> -> memref<1x80x128xf32, #tpu.memory_space<hbm>>
      %dma_start3A_460 = tpu.memref_squeeze %dma_start3A_459 : memref<1x80x128xf32, #tpu.memory_space<hbm>> -> memref<80x128xf32, #tpu.memory_space<hbm>>
      %dma_start3A_461 = arith.constant 0 : i32
      %dma_start3A_462 = tpu.memref_slice %arg4[%arg0, %mul3A_452, %dma_start3A_461] : memref<2x10000x128xf32, #tpu.memory_space<hbm>> -> memref<1x80x128xf32, #tpu.memory_space<hbm>>
      %dma_start3A_463 = tpu.memref_squeeze %dma_start3A_462 : memref<1x80x128xf32, #tpu.memory_space<hbm>> -> memref<80x128xf32, #tpu.memory_space<hbm>>
      %dma_start3A_464 = arith.constant 0 : i32
      %dma_start3A_465 = arith.constant 0 : i32
      %dma_start3A_466 = tpu.memref_slice %arg11[%dma_start3A_453, %dma_start3A_464, %dma_start3A_465] : memref<2x128x128xf32, #tpu.memory_space<vmem>> -> memref<1x80x128xf32, #tpu.memory_space<vmem>>
      %dma_start3A_467 = tpu.memref_squeeze %dma_start3A_466 : memref<1x80x128xf32, #tpu.memory_space<vmem>> -> memref<80x128xf32, #tpu.memory_space<vmem>>
      tpu.enqueue_dma source(%dma_start3A_467 : memref<80x128xf32, #tpu.memory_space<vmem>>) target(%dma_start3A_463 : memref<80x128xf32, #tpu.memory_space<hbm>>) target_semaphore(%arg18 : memref<!tpu.dma_semaphore, #tpu.memory_space<semaphore_mem>>)
    } else {
    }
    %add3A_437 = arith.constant 96 : i32
    %add3A_438 = arith.addi %add3A_437, %arg1 : i32
    %lt3A_439 = arith.constant 125 : i32
    %lt3A_440 = arith.cmpi slt, %add3A_438, %lt3A_439 : i32
    %convert_element_type3A_441 = arith.extui %lt3A_440 : i1 to i32
    %cond3A_442 = arith.constant 0 : i32
    %cond3A_443 = arith.cmpi ne, %convert_element_type3A_441, %cond3A_442 : i32
    scf.if %cond3A_443 {
      %mul3A_451 = arith.constant 80 : i32
      %mul3A_452 = arith.muli %add3A_438, %mul3A_451 : i32
      %dma_wait3A_453 = arith.constant 0 : i32
      %dma_wait3A_454 = arith.constant 0 : i32
      %dma_wait3A_455 = arith.constant 0 : i32
      %dma_wait3A_456 = tpu.memref_slice %arg11[%dma_wait3A_453, %dma_wait3A_454, %dma_wait3A_455] : memref<2x128x128xf32, #tpu.memory_space<vmem>> -> memref<1x80x128xf32, #tpu.memory_space<vmem>>
      %dma_wait3A_457 = tpu.memref_squeeze %dma_wait3A_456 : memref<1x80x128xf32, #tpu.memory_space<vmem>> -> memref<80x128xf32, #tpu.memory_space<vmem>>
      %dma_wait3A_458 = arith.constant 0 : i32
      %dma_wait3A_459 = tpu.memref_slice %arg4[%arg0, %mul3A_452, %dma_wait3A_458] : memref<2x10000x128xf32, #tpu.memory_space<hbm>> -> memref<1x80x128xf32, #tpu.memory_space<hbm>>
      %dma_wait3A_460 = tpu.memref_squeeze %dma_wait3A_459 : memref<1x80x128xf32, #tpu.memory_space<hbm>> -> memref<80x128xf32, #tpu.memory_space<hbm>>
      %dma_wait3A_461 = arith.constant 0 : i32
      %dma_wait3A_462 = tpu.memref_slice %arg4[%arg0, %mul3A_452, %dma_wait3A_461] : memref<2x10000x128xf32, #tpu.memory_space<hbm>> -> memref<1x80x128xf32, #tpu.memory_space<hbm>>
      %dma_wait3A_463 = tpu.memref_squeeze %dma_wait3A_462 : memref<1x80x128xf32, #tpu.memory_space<hbm>> -> memref<80x128xf32, #tpu.memory_space<hbm>>
      %dma_wait3A_464 = arith.constant 0 : i32
      %dma_wait3A_465 = arith.constant 0 : i32
      %dma_wait3A_466 = tpu.memref_slice %arg11[%dma_wait3A_453, %dma_wait3A_464, %dma_wait3A_465] : memref<2x128x128xf32, #tpu.memory_space<vmem>> -> memref<1x80x128xf32, #tpu.memory_space<vmem>>
      %dma_wait3A_467 = tpu.memref_squeeze %dma_wait3A_466 : memref<1x80x128xf32, #tpu.memory_space<vmem>> -> memref<80x128xf32, #tpu.memory_space<vmem>>
      tpu.wait_dma2 semaphore(%arg17 : memref<!tpu.dma_semaphore, #tpu.memory_space<semaphore_mem>>) src(%dma_wait3A_467 : memref<80x128xf32, #tpu.memory_space<vmem>>) dst(%dma_wait3A_463 : memref<80x128xf32, #tpu.memory_space<hbm>>)
    } else {
    }
    %add3A_444 = arith.constant 112 : i32
    %add3A_445 = arith.addi %add3A_444, %arg1 : i32
    %lt3A_446 = arith.constant 125 : i32
    %lt3A_447 = arith.cmpi slt, %add3A_445, %lt3A_446 : i32
    %convert_element_type3A_448 = arith.extui %lt3A_447 : i1 to i32
    %cond3A_449 = arith.constant 0 : i32
    %cond3A_450 = arith.cmpi ne, %convert_element_type3A_448, %cond3A_449 : i32
    scf.if %cond3A_450 {
      %mul3A_451 = arith.constant 80 : i32
      %mul3A_452 = arith.muli %add3A_445, %mul3A_451 : i32
      %dma_wait3A_453 = arith.constant 1 : i32
      %dma_wait3A_454 = arith.constant 0 : i32
      %dma_wait3A_455 = arith.constant 0 : i32
      %dma_wait3A_456 = tpu.memref_slice %arg11[%dma_wait3A_453, %dma_wait3A_454, %dma_wait3A_455] : memref<2x128x128xf32, #tpu.memory_space<vmem>> -> memref<1x80x128xf32, #tpu.memory_space<vmem>>
      %dma_wait3A_457 = tpu.memref_squeeze %dma_wait3A_456 : memref<1x80x128xf32, #tpu.memory_space<vmem>> -> memref<80x128xf32, #tpu.memory_space<vmem>>
      %dma_wait3A_458 = arith.constant 0 : i32
      %dma_wait3A_459 = tpu.memref_slice %arg4[%arg0, %mul3A_452, %dma_wait3A_458] : memref<2x10000x128xf32, #tpu.memory_space<hbm>> -> memref<1x80x128xf32, #tpu.memory_space<hbm>>
      %dma_wait3A_460 = tpu.memref_squeeze %dma_wait3A_459 : memref<1x80x128xf32, #tpu.memory_space<hbm>> -> memref<80x128xf32, #tpu.memory_space<hbm>>
      %dma_wait3A_461 = arith.constant 0 : i32
      %dma_wait3A_462 = tpu.memref_slice %arg4[%arg0, %mul3A_452, %dma_wait3A_461] : memref<2x10000x128xf32, #tpu.memory_space<hbm>> -> memref<1x80x128xf32, #tpu.memory_space<hbm>>
      %dma_wait3A_463 = tpu.memref_squeeze %dma_wait3A_462 : memref<1x80x128xf32, #tpu.memory_space<hbm>> -> memref<80x128xf32, #tpu.memory_space<hbm>>
      %dma_wait3A_464 = arith.constant 0 : i32
      %dma_wait3A_465 = arith.constant 0 : i32
      %dma_wait3A_466 = tpu.memref_slice %arg11[%dma_wait3A_453, %dma_wait3A_464, %dma_wait3A_465] : memref<2x128x128xf32, #tpu.memory_space<vmem>> -> memref<1x80x128xf32, #tpu.memory_space<vmem>>
      %dma_wait3A_467 = tpu.memref_squeeze %dma_wait3A_466 : memref<1x80x128xf32, #tpu.memory_space<vmem>> -> memref<80x128xf32, #tpu.memory_space<vmem>>
      tpu.wait_dma2 semaphore(%arg18 : memref<!tpu.dma_semaphore, #tpu.memory_space<semaphore_mem>>) src(%dma_wait3A_467 : memref<80x128xf32, #tpu.memory_space<vmem>>) dst(%dma_wait3A_463 : memref<80x128xf32, #tpu.memory_space<hbm>>)
    } else {
    }
    return
  }
}

module attributes {stable_mosaic.version = 14 : i64} {
  func.func @_combine_body(%arg0: i32, %arg1: memref<2x2000x128xf32, #tpu.memory_space<vmem>>, %arg2: memref<128x128xf32, #tpu.memory_space<vmem>>, %arg3: memref<1x128xf32, #tpu.memory_space<vmem>>, %arg4: memref<2000x128xf32, #tpu.memory_space<vmem>>) attributes {dimension_semantics = [#tpu.dimension_semantics<arbitrary>], iteration_bounds = array<i64: 5>, scalar_prefetch = 0 : i64, scratch_operands = 0 : i64, tpu.core_type = #tpu.core_type<tc>, window_params = [{transform_indices = @transform_0, window_bounds = array<i64: 2, 2000, 128>}, {pipeline_mode = #tpu.pipeline_mode<synchronous>, transform_indices = @transform_1, window_bounds = array<i64: 128, 128>}, {pipeline_mode = #tpu.pipeline_mode<synchronous>, transform_indices = @transform_2, window_bounds = array<i64: 1, 128>}, {transform_indices = @transform_3, window_bounds = array<i64: 2000, 128>}]} {
    %get3A = arith.constant 0 : index
    %get3A_0 = arith.constant 0 : index
    %get3A_1 = arith.constant 0 : index
    %get3A_2 = vector.load %arg1[%get3A, %get3A_0, %get3A_1] : memref<2x2000x128xf32, #tpu.memory_space<vmem>>, vector<1x2000x128xf32>
    %get3A_3 = vector.shape_cast %get3A_2 : vector<1x2000x128xf32> to vector<2000x128xf32>
    %get3A_4 = arith.constant 1 : index
    %get3A_5 = arith.constant 0 : index
    %get3A_6 = arith.constant 0 : index
    %get3A_7 = vector.load %arg1[%get3A_4, %get3A_5, %get3A_6] : memref<2x2000x128xf32, #tpu.memory_space<vmem>>, vector<1x2000x128xf32>
    %get3A_8 = vector.shape_cast %get3A_7 : vector<1x2000x128xf32> to vector<2000x128xf32>
    %add3A = arith.addf %get3A_3, %get3A_8 : vector<2000x128xf32>
    %get3A_9 = arith.constant 0 : index
    %get3A_10 = arith.constant 0 : index
    %get3A_11 = vector.load %arg2[%get3A_9, %get3A_10] : memref<128x128xf32, #tpu.memory_space<vmem>>, vector<128x128xf32>
    %dot_general3A = arith.constant dense<0.000000e+00> : vector<2000x128xf32>
    %dot_general3A_12 = tpu.matmul %add3A, %get3A_11, %dot_general3A {dimension_numbers = #tpu.dot_dimension_numbers<[1], [1], [0], [0], [0, 0, 1, 0], [], []>, transpose_lhs_hint = false} : vector<2000x128xf32>, vector<128x128xf32>, vector<2000x128xf32> -> vector<2000x128xf32>
    %get3A_13 = arith.constant 0 : index
    %get3A_14 = arith.constant 0 : index
    %get3A_15 = vector.load %arg3[%get3A_13, %get3A_14] : memref<1x128xf32, #tpu.memory_space<vmem>>, vector<1x128xf32>
    %add3A_16 = vector.broadcast %get3A_15 : vector<1x128xf32> to vector<2000x128xf32>
    %add3A_17 = arith.addf %dot_general3A_12, %add3A_16 : vector<2000x128xf32>
    %swap3A = arith.constant 0 : index
    %swap3A_18 = arith.constant 0 : index
    %swap3A_19 = vector.load %arg4[%swap3A, %swap3A_18] : memref<2000x128xf32, #tpu.memory_space<vmem>>, vector<2000x128xf32>
    tpu.vector_store %arg4[%swap3A, %swap3A_18], %add3A_17 {strides = array<i32>} : memref<2000x128xf32, #tpu.memory_space<vmem>>, vector<2000x128xf32>,
    return
  }
  func.func @transform_0(%arg0: i32) -> (i32, i32, i32) {
    %c0_i32 = arith.constant 0 : i32
    %c0_i32_0 = arith.constant 0 : i32
    %c0_i32_1 = arith.constant 0 : i32
    return %c0_i32, %arg0, %c0_i32_0 : i32, i32, i32
  }
  func.func @transform_1(%arg0: i32) -> (i32, i32) {
    %c0_i32 = arith.constant 0 : i32
    %c0_i32_0 = arith.constant 0 : i32
    %c0_i32_1 = arith.constant 0 : i32
    return %c0_i32, %c0_i32_0 : i32, i32
  }
  func.func @transform_2(%arg0: i32) -> (i32, i32) {
    %c0_i32 = arith.constant 0 : i32
    %c0_i32_0 = arith.constant 0 : i32
    %c0_i32_1 = arith.constant 0 : i32
    return %c0_i32, %c0_i32_0 : i32, i32
  }
  func.func @transform_3(%arg0: i32) -> (i32, i32) {
    %c0_i32 = arith.constant 0 : i32
    %c0_i32_0 = arith.constant 0 : i32
    return %arg0, %c0_i32 : i32, i32
  }
}

module attributes {stable_mosaic.version = 14 : i64} {
  func.func @_relu_linear_body(%arg0: i32, %arg1: memref<2000x128xf32, #tpu.memory_space<vmem>>, %arg2: memref<128x128xf32, #tpu.memory_space<vmem>>, %arg3: memref<1x128xf32, #tpu.memory_space<vmem>>, %arg4: memref<2000x128xf32, #tpu.memory_space<vmem>>) attributes {dimension_semantics = [#tpu.dimension_semantics<arbitrary>], iteration_bounds = array<i64: 5>, scalar_prefetch = 0 : i64, scratch_operands = 0 : i64, tpu.core_type = #tpu.core_type<tc>, window_params = [{transform_indices = @transform_0, window_bounds = array<i64: 2000, 128>}, {pipeline_mode = #tpu.pipeline_mode<synchronous>, transform_indices = @transform_1, window_bounds = array<i64: 128, 128>}, {pipeline_mode = #tpu.pipeline_mode<synchronous>, transform_indices = @transform_2, window_bounds = array<i64: 1, 128>}, {transform_indices = @transform_3, window_bounds = array<i64: 2000, 128>}]} {
    %get3A = arith.constant 0 : index
    %get3A_0 = arith.constant 0 : index
    %get3A_1 = vector.load %arg1[%get3A, %get3A_0] : memref<2000x128xf32, #tpu.memory_space<vmem>>, vector<2000x128xf32>
    %get3A_2 = arith.constant 0 : index
    %get3A_3 = arith.constant 0 : index
    %get3A_4 = vector.load %arg2[%get3A_2, %get3A_3] : memref<128x128xf32, #tpu.memory_space<vmem>>, vector<128x128xf32>
    %dot_general3A = arith.constant dense<0.000000e+00> : vector<2000x128xf32>
    %dot_general3A_5 = tpu.matmul %get3A_1, %get3A_4, %dot_general3A {dimension_numbers = #tpu.dot_dimension_numbers<[1], [1], [0], [0], [0, 0, 1, 0], [], []>, transpose_lhs_hint = false} : vector<2000x128xf32>, vector<128x128xf32>, vector<2000x128xf32> -> vector<2000x128xf32>
    %get3A_6 = arith.constant 0 : index
    %get3A_7 = arith.constant 0 : index
    %get3A_8 = vector.load %arg3[%get3A_6, %get3A_7] : memref<1x128xf32, #tpu.memory_space<vmem>>, vector<1x128xf32>
    %add3A = vector.broadcast %get3A_8 : vector<1x128xf32> to vector<2000x128xf32>
    %add3A_9 = arith.addf %dot_general3A_5, %add3A : vector<2000x128xf32>
    %max3A = arith.constant 0.000000e+00 : f32
    %max3A_10 = vector.broadcast %max3A : f32 to vector<2000x128xf32>
    %max3A_11 = arith.maximumf %add3A_9, %max3A_10 : vector<2000x128xf32>
    %swap3A = arith.constant 0 : index
    %swap3A_12 = arith.constant 0 : index
    %swap3A_13 = vector.load %arg4[%swap3A, %swap3A_12] : memref<2000x128xf32, #tpu.memory_space<vmem>>, vector<2000x128xf32>
    tpu.vector_store %arg4[%swap3A, %swap3A_12], %max3A_11 {strides = array<i32>} : memref<2000x128xf32, #tpu.memory_space<vmem>>, vector<2000x128xf32>,
    return
  }
  func.func @transform_0(%arg0: i32) -> (i32, i32) {
    %c0_i32 = arith.constant 0 : i32
    %c0_i32_0 = arith.constant 0 : i32
    return %arg0, %c0_i32 : i32, i32
  }
  func.func @transform_1(%arg0: i32) -> (i32, i32) {
    %c0_i32 = arith.constant 0 : i32
    %c0_i32_0 = arith.constant 0 : i32
    %c0_i32_1 = arith.constant 0 : i32
    return %c0_i32, %c0_i32_0 : i32, i32
  }
  func.func @transform_2(%arg0: i32) -> (i32, i32) {
    %c0_i32 = arith.constant 0 : i32
    %c0_i32_0 = arith.constant 0 : i32
    %c0_i32_1 = arith.constant 0 : i32
    return %c0_i32, %c0_i32_0 : i32, i32
  }
  func.func @transform_3(%arg0: i32) -> (i32, i32) {
    %c0_i32 = arith.constant 0 : i32
    %c0_i32_0 = arith.constant 0 : i32
    return %arg0, %c0_i32 : i32, i32
  }
}

</mosaic_0001>

<sc_bundles>
// kernel: kernel.5.cloned.1.call-start
scs
__scs_entry_jumppad:
0x0: {  	(pc) =	sbr.rel $0x88, $3  }
0x1: {  	(tag) =	ssettag $0x0;
	lr =	simm.s32 $0x1  }
0x2: {  	[smem:$0x3F9B] =	sst lr;
	_ =	strace $0xD0000000  }
0x3: {  	_ = 	snop  }
0x4: {  	_ = 	snop  }
0x5: {  	_ = 	snop  }
0x6: {  	_ = 	snop  }
0x7: {  	_ = 	snop  }
__scs_overlays_trampoline_lowered:
0x8: {  	[smem:$0x3FAA] =	sst s0  }
0x9: {  	[smem:$0x3FAB] =	sst s1  }
0xa: {  	[smem:$0x3FAC] =	sst s2  }
0xb: {  	[smem:$0x3FAD] =	sst s3  }
0xc: {  	[smem:$0x3FAE] =	sst s4  }
0xd: {  	[smem:$0x3FAF] =	sst s5  }
0xe: {  	[smem:$0x3FB0] =	sst s6  }
0xf: {  	[smem:$0x3FB1] =	sst s7  }
0x10: {  	[smem:$0x3FB2] =	sst s8  }
0x11: {  	[smem:$0x3FB3] =	sst s9;
	s0 =	simm.s32 @!p0 $0x0  }
0x12: {  	s1 =	sld [smem:$0x3F99];
	s0 =	simm.s32 @p0 $0x1  }
0x13: {  	[smem:$0x3FB4] =	sst s0;
	s0 =	simm.s32 @!p1 $0x0  }
0x14: {  	s2 =	sld [smem:$0x3F98];
	s0 =	simm.s32 @p1 $0x1  }
0x15: {  	[smem:$0x3FB5] =	sst s0;
	s0 =	simm.s32 @!p2 $0x0  }
0x16: {  	s3 =	sld [smem:$0x3FDB];
	s0 =	simm.s32 @p2 $0x1  }
0x17: {  	s4 =	simm.s32 $0x1BF5;
	[smem:$0x3FB7] =	sst s0  }
0x18: {  	s0 =	sld [smem:$0x3F9A];
	_ =	swait.ge [sflag:s4], $0x0  }
0x19: {  	s7 =	sld [smem:$0x3F9B]  }
0x1a: {  	s8 =	sadd.s32 $0xFFFFE003, lr  }
0x1b: {  	s9 =	sadd.s32 $0xFFFFFEF7, lr;
	s5 =	simm.s32 $0xFFFFFFFF;
	p2 =	slt.u32 s8, $0xFFFFF086  }
0x1c: {  	p1 =	slt.u32 s9, $0xF7A;
	s5 =	simm.s32 @!p2 $0x0  }
0x1d: {  	s5 =	simm.s32 @p1 $0x1;
	p0 =	seq.s32 s7, s2  }
0x1e: {  	s7 =	smul.u32 @!p0 $0xF7A, s2;
	p2 =	seq.s32 @!p0 s5, $0x0  }
0x1f: {  	s9 =	smul.u32 $0xF7A, s1;
	s8 =	simm.s32 @!p0 $0x1BF5;
	p2 =	por !p2, p0  }
0x20: {  	[sflag:s8] =	ssyncset.s32 @!p0 $0xFFFFF086;
	s6 =	sadd.s32 @!p0 s3, s7;
	s7 =	simm.s32 @!p0 $0x108  }
0x21: {  	s3 =	sadd.s32 s3, s9;
	s6 =	sadd.s32 @!p0 $0x88, s6;
	s7 =	simm.s32 @p2 $0x1082  }
0x22: {  	[simem:s7], [sflag:s8] =	dma.local @!p0 [hbm:s6], $0xF7A  }
0x23: {  	s9 =	sor.u32 $0xD0000000, s2;
	s6 =	simm.s32 $0x108;
	_ =	swait.ge @!p0 [sflag:s8], $0x0  }
0x24: {  	s3 =	sadd.s32 $0x88, s3;
	s6 =	simm.s32 @!p1 $0x1082;
	[sflag:s4] =	ssyncset.s32 $0xFFFFF086  }
0x25: {  	[simem:s6], [sflag:s4] =	dma.local [hbm:s3], $0xF7A  }
0x26: {  	[smem:$0x3F9B] =	sst s1;
	(tag) =	ssettag s2;
	_ =	strace s9  }
0x27: {  	s1 =	sld [smem:$0x3FAB]  }
0x28: {  	s2 =	sld [smem:$0x3FAC]  }
0x29: {  	s4 =	sld [smem:$0x3FAE]  }
0x2a: {  	p0 =	seq.s32 s5, $0x0;
	s5 =	sld [smem:$0x3FAF]  }
0x2b: {  	s6 =	sld [smem:$0x3FB0]  }
0x2c: {  	s7 =	sld [smem:$0x3FB1]  }
0x2d: {  	s3 =	simm.s32 $0x108;
	s8 =	sld [smem:$0x3FB2]  }
0x2e: {  	s3 =	simm.s32 @!p0 $0x1082;
	s9 =	sld [smem:$0x3FB3]  }
0x2f: {  	lr =	sadd.s32 s0, s3;
	s0 =	sld [smem:$0x3FAA]  }
0x30: {  	s3 =	sld [smem:$0x3FAD]  }
0x31: {  	[smem:$0x3FB6] =	sst s10  }
0x32: {  	s10 =	sld [smem:$0x3FB4];
	_ =	sdelay $0x3  }
0x33: {  	p0 =	seq.s32 s10, $0x1;
	s10 =	sld [smem:$0x3FB6];
	_ =	sdelay $0x3  }
0x34: {  	[smem:$0x3FB6] =	sst s10  }
0x35: {  	s10 =	sld [smem:$0x3FB5];
	_ =	sdelay $0x3  }
0x36: {  	p1 =	seq.s32 s10, $0x1;
	s10 =	sld [smem:$0x3FB6];
	_ =	sdelay $0x3  }
0x37: {  	[smem:$0x3FB6] =	sst s10  }
0x38: {  	s10 =	sld [smem:$0x3FB7]  }
0x39: {  	_ = 	snop;
	(pc) =	sbr.ind lr, $3  }
0x3a: {  	_ = 	snop  }
0x3b: {  	_ = 	snop  }
0x3c: {  	p2 =	seq.s32 s10, $0x1;
	s10 =	sld [smem:$0x3FB6]  }
0x3d: {  	_ =	shalt  }
0x3e: {  	_ =	shalt  }
0x3f: {  	_ =	shalt  }
0x40: {  	_ =	shalt  }
0x41: {  	_ =	shalt  }
0x42: {  	_ =	shalt  }
0x43: {  	_ =	shalt  }
0x44: {  	_ =	shalt  }
0x45: {  	_ =	shalt  }
0x46: {  	_ =	shalt  }
0x47: {  	_ =	shalt  }
0x48: {  	_ =	shalt  }
0x49: {  	_ =	shalt  }
0x4a: {  	_ =	shalt  }
0x4b: {  	_ =	shalt  }
0x4c: {  	_ =	shalt  }
0x4d: {  	_ =	shalt  }
0x4e: {  	_ =	shalt  }
0x4f: {  	_ =	shalt  }
0x50: {  	_ =	shalt  }
0x51: {  	_ =	shalt  }
0x52: {  	_ =	shalt  }
0x53: {  	_ =	shalt  }
0x54: {  	_ =	shalt  }
0x55: {  	_ =	shalt  }
0x56: {  	_ =	shalt  }
0x57: {  	_ =	shalt  }
0x58: {  	_ =	shalt  }
0x59: {  	_ =	shalt  }
0x5a: {  	_ =	shalt  }
0x5b: {  	_ =	shalt  }
0x5c: {  	_ =	shalt  }
0x5d: {  	_ =	shalt  }
0x5e: {  	_ =	shalt  }
0x5f: {  	_ =	shalt  }
0x60: {  	_ =	shalt  }
0x61: {  	_ =	shalt  }
0x62: {  	_ =	shalt  }
0x63: {  	_ =	shalt  }
0x64: {  	_ =	shalt  }
0x65: {  	_ =	shalt  }
0x66: {  	_ =	shalt  }
0x67: {  	_ =	shalt  }
0x68: {  	_ =	shalt  }
0x69: {  	_ =	shalt  }
0x6a: {  	_ =	shalt  }
0x6b: {  	_ =	shalt  }
0x6c: {  	_ =	shalt  }
0x6d: {  	_ =	shalt  }
0x6e: {  	_ =	shalt  }
0x6f: {  	_ =	shalt  }
0x70: {  	_ =	shalt  }
0x71: {  	_ =	shalt  }
0x72: {  	_ =	shalt  }
0x73: {  	_ =	shalt  }
0x74: {  	_ =	shalt  }
0x75: {  	_ =	shalt  }
0x76: {  	_ =	shalt  }
0x77: {  	_ =	shalt  }
0x78: {  	_ =	shalt  }
0x79: {  	_ =	shalt  }
0x7a: {  	_ =	shalt  }
0x7b: {  	_ =	shalt  }
0x7c: {  	_ =	shalt  }
0x7d: {  	_ =	shalt  }
0x7e: {  	_ =	shalt  }
0x7f: {  	_ =	shalt  }
0x80: {  	_ =	shalt  }
0x81: {  	_ =	shalt  }
0x82: {  	_ =	shalt  }
0x83: {  	_ =	shalt  }
0x84: {  	_ =	shalt  }
0x85: {  	_ =	shalt  }
0x86: {  	_ =	shalt  }
0x87: {  	_ =	shalt  }
.Lfunc_end0:
.L_simem_size_0:
called_computation_lowered:
.L_overlay_start_0:
0x88: {  	s2 =	sld [smem:$0x3FD9]  }
0x89: {  	s3 =	sld [smem:$0x3FFE];
	_ =	sdelay $0x1  }
0x8a: {  	s1 =	srdreg.scid  }
0x8b: {  	s0 =	sand.u32 $0x1, s1  }
0x8c: {  	s17 =	sshll.u32 s0, $0xA;
	s2 =	sadd.s32 s3, s2  }
0x8d: {  	s2 =	sadd.s32 s2, s17  }
0x8e: {  	[smem:$0x3FC2] =	sst s2  }
0x8f: {  	_ = 	snop  }
0x90: {  	s2 =	sld [smem:$0x3FC8]  }
0x91: {  	s18 =	sld [smem:$0x3FD0];
	(tm) =	ssettm $0x1  }
0x92: {  	s4 =	sld [smem:$0x3FFB];
	_ =	sdelay $0x3  }
0x93: {  	_ =	strace s4  }
0x94: {  	s4 =	sld [smem:$0x3FFC];
	_ =	sdelay $0x3  }
0x95: {  	_ =	strace s4  }
0x96: {  	s4 =	sld [smem:$0x3FFD];
	_ =	sdelay $0x3  }
0x97: {  	_ =	strace s4  }
0x98: {  	_ =	strace $0x8FFFFFFF  }
0x99: {  	s19 =	sld [smem:$0x3FDB];
	_ =	sdelay $0x1  }
0x9a: {  	s5 =	simm.s32 $_scs_section_size  }
0x9b: {  	s6 =	simm.s32 $_size__tile_overlayer_lowered;
	s7 =	simm.s32 $_tile_overlayer_lowered  }
0x9c: {  	s22 =	simm.s32 $0x1BFF;
	s21 =	sshll.u32 s7, $0x1;
	s4 =	sadd.s32 s5, s19  }
0x9d: {  	s8 =	simm.s32 $0x0;
	s20 =	sshll.u32 s6, $0x1;
	s6 =	sadd.s32 s21, s4  }
0x9e: {  	[timem:s8], [sflag:s22] =	dma.local [hbm:s6], s20  }
0x9f: {  	_ =	swait.ge [sflag:s22], s20  }
0xa0: {  	s5 =	ssub.s32 $0x0, s20;
	[sflag:s22] =	ssyncset.done $0x0  }
0xa1: {  	[sflag:s22] =	ssyncadd.s32 s5;
	_ =	sdelay $0x1  }
0xa2: {  	s23 =	simm.s32 $0x1B8B  }
0xa3: {  	_ =	swait.ge [sflag:s23], $0x1  }
0xa4: {  	[sflag:s23] =	ssyncset.done $0x0  }
0xa5: {  	s25 =	simm.s32 $0x1B8E;
	s24 =	sld [smem:$0x3FFE];
	[sflag:s23] =	ssyncadd.s32 $0xFFFFFFFF  }
0xa6: {  	s26 =	simm.s32 $execute0_lowered;
	[smem:$0x3FD2] =	sst s25  }
0xa7: {  	s6 =	sshll.u32 s26, $0x1;
	_ =	strace $0x80000046;
	[dreg:$0x1] =	wrdreg $0xFFFFFFFF  }
0xa8: {  	s28 =	simm.s32 $_size_execute0_lowered;
	s4 =	sadd.s32 s4, s6;
	[dreg:$0x0] =	wrdreg $0x0  }
0xa9: {  	s6 =	sshll.u32 s28, $0x1;
	[dreg:$0x2] =	wrdreg s4  }
0xaa: {  	[dreg:$0x3] =	wrdreg s6  }
0xab: {  	[dreg:$0x4] =	wrdreg $0xC0  }
0xac: {  	_ =	task [dreg:s8], $0x5FFFF  }
0xad: {  	[dreg:$0x1] =	wrdreg $0xFFFFFFFF  }
0xae: {  	[dreg:$0x0] =	wrdreg $0x60  }
0xaf: {  	[dreg:$0x2] =	wrdreg s18  }
0xb0: {  	[dreg:$0x3] =	wrdreg s2  }
0xb1: {  	[dreg:$0x4] =	wrdreg s24  }
0xb2: {  	[dreg:$0x5] =	wrdreg $0x0  }
0xb3: {  	[dreg:$0x6] =	wrdreg $0x9  }
0xb4: {  	_ =	task.clear_ibuf [dreg:s8], $0x7FFFF;
	_ =	strace $0x90000046  }
0xb5: {  	s29 =	simm.s32 $0x9;
	_ =	strace $0x80000048  }
0xb6: {  	_ =	swait.ge [sflag:s29], $0x1  }
0xb7: {  	[sflag:s29] =	ssyncadd.s32 $0xFFFFFFFF  }
0xb8: {  	_ =	strace $0x90000048  }
0xb9: {  	_ =	sfence  }
0xba: {  	s30 =	sld [smem:$0x0];
	_ =	sdelay $0x2  }
0xbb: {  	s31 =	sshll.u32 s1, $0xD;
	s1 =	sshrl.u32 s1, $0x2  }
0xbc: {  	s3 =	sand.u32 $0x4000, s31;
	s1 =	sadd.s32 s1, s30  }
0xbd: {  	s0 =	sor.u32 s3, s0;
	s1 =	sshll.u32 s1, $0x11  }
0xbe: {  	s0 =	sor.u32 s1, s0  }
0xbf: {  	s0 =	sadd.s32 $0x8F2B, s0  }
0xc0: {  	[sflag:s0] =	ssyncadd.remote.s32 $0x1  }
0xc1: {  	_ =	sfence.sel $0xFFFF  }
0xc2: {  	[dreg:$0x0] =	wrdreg $0xFFFFFFFF;
	(pc) =	sbr.abs _section_cstart, $3  }
0xc3: {  	[dreg:$0x1] =	wrdreg $0xFFFFFFFF  }
0xc4: {  	_ =	task.clear_ibuf [dreg:s8], $0x2FFFF;
	_ =	strace $0x9FFFFFFF  }
0xc5: {  	(tm) =	ssettm $0x7FFFFFFF  }
tec
execute0_lowered:
.L_overlay_start_1:
0x0: {  	(tag) =	ssettag $0x1  }
0x1: {  	s1 =	rddreg [dreg:$0x0]  }
0x2: {  	s4 =	rddreg [dreg:$0x1]  }
0x3: {  	s0 =	rddreg [dreg:$0x2]  }
0x4: {  	s2 =	rddreg [dreg:$0x3]  }
0x5: {  	s5 =	srdreg.scid;
	s24 =	stileid.u32  }
0x6: {  	s3 =	simm.s32 $0x0;
	s5 =	sand.u32 $0x1, s5;
	s9 =	smul.u32 $0x2800, s24  }
0x7: {  	s28 =	simm.s32 $0x13880;
	s8 =	sor.u32 $0x10, s24;
	s6 =	smul.u32 $0x138800, s5  }
0x8: {  	s29 =	simm.s32 $0x13980;
	s10 =	sor.u32 $0x20, s24;
	s11 =	smul.u32 $0x2800, s8  }
0x9: {  	s30 =	simm.s32 $0x13A80;
	s13 =	sor.u32 $0x30, s24;
	s14 =	smul.u32 $0x2800, s10  }
0xa: {  	s31 =	simm.s32 $0x1;
	s17 =	sor.u32 $0x50, s24;
	s15 =	smul.u32 $0x2800, s13  }
0xb: {  	[smem:$0x7FF] =	sst s3;
	s19 =	sor.u32 $0x60, s24;
	s20 =	smul.u32 $0x2800, s17  }
0xc: {  	s7 =	sadd.s32 $0x1200, s0;
	s21 =	sor.u32 $0x70, s24;
	s22 =	smul.u32 $0x2800, s19  }
0xd: {  	s16 =	sshll.u32 s24, $0x6;
	p0 =	slt.u32 s24, $0xD;
	s23 =	smul.u32 $0x2800, s21  }
0xe: {  	p1 =	sgt.u32 s24, $0xC;
	_ =	strace $0x80000047;
	s17 =	smul.u32 $0xA000, s17  }
0xf: {  	s25 =	ssub.s32 $0x2, s5;
	s5 =	sshll.u32 s5, $0x5;
	s19 =	smul.u32 $0xA000, s19  }
0x10: {  	s21 =	smul.u32 $0xA000, s21;
	p2 =	sgt.u32 @p0 s24, $0x1;
	s12 =	sshrl.u32 s25, $0x1  }
0x11: {  	s26 =	sor.u32 s5, s16;
	p2 =	por p2, !p0;
	s0 =	ssub.s32 s25, s12  }
0x12: {  	s12 =	sor.u32 $0x40, s24;
	s9 =	sadd.s32 s9, s6;
	s11 =	sadd.s32 s6, s11  }
0x13: {  	s14 =	sadd.s32 s6, s14;
	s15 =	sadd.s32 s6, s15;
	s20 =	sadd.s32 s6, s20  }
0x14: {  	s22 =	sadd.s32 s6, s22;
	s18 =	smul.u32 $0x2800, s12;
	s9 =	sshrl.u32 s9, $0x3  }
0x15: {  	s11 =	sshrl.u32 s11, $0x3;
	s0 =	smax.u32 s0, $0x1;
	s9 =	sadd.s32 s7, s9  }
0x16: {  	s25 =	sadd.s32 s7, s11;
	s11 =	sshrl.u32 s15, $0x3;
	[dreg:$0x18] =	wrdreg s0  }
0x17: {  	s0 =	simm.s32 $0x40;
	s18 =	sadd.s32 s6, s18;
	[dreg:$0x6] =	wrdreg s9  }
0x18: {  	s6 =	sadd.s32 s6, s23;
	s23 =	sadd.s32 s4, s26;
	[dreg:$0x7] =	wrdreg s25  }
0x19: {  	s26 =	sshrl.u32 s14, $0x3;
	s4 =	sadd.s32 s16, s4;
	s14 =	sshrl.u32 s18, $0x3  }
0x1a: {  	s18 =	sshrl.u32 s20, $0x3;
	s20 =	sshrl.u32 s22, $0x3;
	s22 =	smul.u32 $0xA000, s24  }
0x1b: {  	s9 =	sadd.s32 s7, s26;
	s6 =	sshrl.u32 s6, $0x3;
	s26 =	smul.u32 $0xA000, s8  }
0x1c: {  	s25 =	sadd.s32 $0x400, s23;
	s8 =	smul.u32 $0xA000, s10;
	[dreg:$0x5] =	wrdreg s23  }
0x1d: {  	s24 =	simm.s32 $0x13BC0;
	[dreg:$0x8] =	wrdreg s9;
	s9 =	sadd.s32 s7, s11  }
0x1e: {  	s15 =	sadd.s32 s7, s14;
	[dreg:$0xe] =	wrdreg s25;
	s11 =	smul.u32 $0xA000, s13  }
0x1f: {  	s6 =	sadd.s32 s7, s6;
	s14 =	smul.u32 $0xA000, s12;
	[dreg:$0x9] =	wrdreg s9  }
0x20: {  	s25 =	sshrl.u32 s21, $0x2;
	s21 =	simm.s32 $0x13B00;
	[dreg:$0xa] =	wrdreg s15  }
0x21: {  	s9 =	sadd.s32 s7, s18;
	[dreg:$0xd] =	wrdreg s6;
	s15 =	sadd.s32 s5, s4  }
0x22: {  	s5 =	sadd.s32 $0x800, s23;
	s10 =	sshrl.u32 s26, $0x2;
	s4 =	sshrl.u32 s8, $0x2  }
0x23: {  	s26 =	sadd.s32 $0x13800, s23;
	s23 =	simm.s32 $0x8;
	[dreg:$0xb] =	wrdreg s9  }
0x24: {  	s8 =	simm.s32 $0x13C00;
	s9 =	sadd.s32 s7, s20;
	[dreg:$0xf] =	wrdreg s5  }
0x25: {  	s13 =	sadd.s32 s10, s2;
	s16 =	sshrl.u32 s11, $0x2;
	s4 =	sadd.s32 s4, s2  }
0x26: {  	s20 =	sshrl.u32 s17, $0x2;
	[dreg:$0x19] =	wrdreg s26;
	s7 =	simm.s32 $0x15D80  }
0x27: {  	s10 =	simm.s32 $0x5;
	s11 =	simm.s32 $0x80;
	[dreg:$0xc] =	wrdreg s9  }
0x28: {  	s26 =	simm.s32 $0x6;
	s17 =	simm.s32 $0x13A00;
	[dreg:$0x11] =	wrdreg s13  }
0x29: {  	s9 =	sshrl.u32 s22, $0x2;
	[dreg:$0x12] =	wrdreg s4;
	s18 =	sadd.s32 s16, s2  }
0x2a: {  	s22 =	sadd.s32 s20, s2;
	s4 =	sshrl.u32 s19, $0x2;
	s13 =	simm.s32 $0x2  }
0x2b: {  	s16 =	simm.s32 $0x139C0;
	s19 =	simm.s32 $0x7;
	[dreg:$0x13] =	wrdreg s18  }
0x2c: {  	s20 =	simm.s32 $0x0;
	s5 =	sadd.s32 s9, s2;
	[dreg:$0x15] =	wrdreg s22  }
.Ltmp0:
0x2d: {  	s4 =	sadd.s32 s4, s2;
	s18 =	simm.s32 $0x3;
	(pc) =	sbr.rel .LBB2_1-.Ltmp0, $4  }
0x2e: {  	s22 =	simm.s32 $0x4;
	[dreg:$0x10] =	wrdreg s5;
	s5 =	sshrl.u32 s14, $0x2  }
0x2f: {  	[dreg:$0x16] =	wrdreg s4;
	s4 =	sadd.s32 s25, s2;
	s14 =	simm.s32 $0x17D80  }
0x30: {  	s25 =	simm.s32 $0x13B80;
	s5 =	sadd.s32 s5, s2;
	[dreg:$0x17] =	wrdreg s4  }
0x31: {  	v0 =	vimm.f32 $0.0e+00;
	s4 =	simm.s32 $0x13D80;
	[dreg:$0x14] =	wrdreg s5;
	s5 =	simm.s32 $0x19D80  }
.LBB2_6:
0x32: {  	_ =	swait.ge [sflag:s10], $0x2000  }
0x33: {  	[sflag:s10] =	ssyncset.done $0x0  }
0x34: {  	[sflag:s10] =	ssyncadd.s32 $0xFFFFE000  }
0x35: {  	_ =	swait.ge [sflag:s10], $0x2000  }
0x36: {  	[sflag:s10] =	ssyncset.done $0x0  }
0x37: {  	[sflag:s10] =	ssyncadd.s32 $0xFFFFE000  }
0x38: {  	[spmem:s2] =	stream.indirect.scatter.add.f32 [tilespmem:s4], [sflag:$0x7], $0x80, s12, s11, $0xb8;
	[tilespmem:$0x1E580] =	vst v63  }
0x39: {  	_ =	swait.ge [sflag:s13], $0x100  }
0x3a: {  	[sflag:s13] =	ssyncset.done $0x0  }
0x3b: {  	[sflag:s13] =	ssyncadd.s32 $0xFFFFFF00  }
0x3c: {  	_ =	swait.ge [sflag:s23], $0x4000  }
0x3d: {  	[sflag:s23] =	ssyncset.done $0x0  }
0x3e: {  	[sflag:s23] =	ssyncadd.s32 $0xFFFFC000  }
0x3f: {  	[tilespmem:s14], [sflag:$0x6] =	stream.indirect.gather [hbm4b:s1+s0], $0x80, s29, s0, $0xb8;
	[tilespmem:$0x1E580] =	vst v63  }
0x40: {  	_ = 	snop  }
0x41: {  	[tilespmem:s5], [sflag:$0x6] =	stream.indirect.gather [hbm4b:s1+s0], $0x80, s16, s0, $0xb8;
	[tilespmem:$0x1E580] =	vst v63  }
0x42: {  	_ =	swait.ge [sflag:s26], $0x2000  }
0x43: {  	[sflag:s26] =	ssyncset.done $0x0  }
0x44: {  	[sflag:s26] =	ssyncadd.s32 $0xFFFFE000  }
0x45: {  	_ =	swait.ge [sflag:s26], $0x2000  }
0x46: {  	[sflag:s26] =	ssyncset.done $0x0  }
0x47: {  	[sflag:s26] =	ssyncadd.s32 $0xFFFFE000  }
0x48: {  	[spmem:s2] =	stream.indirect.scatter.add.f32 [tilespmem:s14], [sflag:$0x8], $0x80, s17, s11, $0xb8;
	[tilespmem:$0x1E580] =	vst v63  }
0x49: {  	_ =	swait.ge [sflag:s19], $0x4000  }
0x4a: {  	[sflag:s19] =	ssyncset.done $0x0  }
0x4b: {  	[sflag:s19] =	ssyncadd.s32 $0xFFFFC000  }
0x4c: {  	_ =	swait.ge [sflag:s23], $0x4000  }
0x4d: {  	[sflag:s23] =	ssyncset.done $0x0  }
0x4e: {  	[sflag:s23] =	ssyncadd.s32 $0xFFFFC000  }
0x4f: {  	[bflag:$0x0] =	sbarrier.arrive $0xFFFF  }
0x50: {  	s9 =	simm.s32 $0xA;
	s6 =	rddreg [dreg:$0x10]  }
0x51: {  	[tilespmem:s4], [sflag:$0xA] =	stream.linear.gather [spmem:s6], $0x2800, $0x38;
	[tilespmem:$0x1E580] =	vst v63  }
0x52: {  	_ =	swait.ge [sflag:s9], $0x2800  }
0x53: {  	[sflag:s9] =	ssyncset.done $0x0  }
0x54: {  	s20 =	rddreg [dreg:$0x6];
	[sflag:s9] =	ssyncadd.s32 $0xFFFFD800  }
0x55: {  	[hbm4b:s20+s3] =	stream.linear.scatter [tilespmem:s4], [sflag:$0x5], $0x2800, $0x38;
	[tilespmem:$0x1E580] =	vst v63  }
0x56: {  	s12 =	rddreg [dreg:$0x11]  }
0x57: {  	[tilespmem:s14], [sflag:$0xA] =	stream.linear.gather [spmem:s12], $0x2800, $0x38;
	[tilespmem:$0x1E580] =	vst v63  }
0x58: {  	_ =	swait.ge [sflag:s9], $0x2800  }
0x59: {  	[sflag:s9] =	ssyncset.done $0x0  }
0x5a: {  	s20 =	rddreg [dreg:$0x7];
	[sflag:s9] =	ssyncadd.s32 $0xFFFFD800  }
0x5b: {  	[hbm4b:s20+s3] =	stream.linear.scatter [tilespmem:s14], [sflag:$0x6], $0x2800, $0x38;
	[tilespmem:$0x1E580] =	vst v63  }
0x5c: {  	_ =	swait.ge [sflag:s10], $0x2800  }
0x5d: {  	[sflag:s10] =	ssyncset.done $0x0  }
0x5e: {  	s12 =	rddreg [dreg:$0x12];
	[sflag:s10] =	ssyncadd.s32 $0xFFFFD800  }
0x5f: {  	[tilespmem:s4], [sflag:$0xA] =	stream.linear.gather [spmem:s12], $0x2800, $0x38;
	[tilespmem:$0x1E580] =	vst v63  }
0x60: {  	_ =	swait.ge [sflag:s9], $0x2800  }
0x61: {  	[sflag:s9] =	ssyncset.done $0x0  }
0x62: {  	s20 =	rddreg [dreg:$0x8];
	[sflag:s9] =	ssyncadd.s32 $0xFFFFD800  }
0x63: {  	[hbm4b:s20+s3] =	stream.linear.scatter [tilespmem:s4], [sflag:$0x5], $0x2800, $0x38;
	[tilespmem:$0x1E580] =	vst v63  }
0x64: {  	_ =	swait.ge [sflag:s26], $0x2800  }
0x65: {  	[sflag:s26] =	ssyncset.done $0x0  }
0x66: {  	s12 =	rddreg [dreg:$0x13];
	[sflag:s26] =	ssyncadd.s32 $0xFFFFD800  }
0x67: {  	[tilespmem:s14], [sflag:$0xA] =	stream.linear.gather [spmem:s12], $0x2800, $0x38;
	[tilespmem:$0x1E580] =	vst v63  }
0x68: {  	_ =	swait.ge [sflag:s9], $0x2800  }
0x69: {  	[sflag:s9] =	ssyncset.done $0x0  }
0x6a: {  	s20 =	rddreg [dreg:$0x9];
	[sflag:s9] =	ssyncadd.s32 $0xFFFFD800  }
0x6b: {  	[hbm4b:s20+s3] =	stream.linear.scatter [tilespmem:s14], [sflag:$0x6], $0x2800, $0x38;
	[tilespmem:$0x1E580] =	vst v63  }
0x6c: {  	_ =	swait.ge [sflag:s10], $0x2800  }
0x6d: {  	[sflag:s10] =	ssyncset.done $0x0  }
0x6e: {  	s12 =	rddreg [dreg:$0x14];
	[sflag:s10] =	ssyncadd.s32 $0xFFFFD800  }
0x6f: {  	[tilespmem:s4], [sflag:$0xA] =	stream.linear.gather [spmem:s12], $0x2800, $0x38;
	[tilespmem:$0x1E580] =	vst v63  }
0x70: {  	_ =	swait.ge [sflag:s9], $0x2800  }
0x71: {  	[sflag:s9] =	ssyncset.done $0x0  }
0x72: {  	s20 =	rddreg [dreg:$0xa];
	[sflag:s9] =	ssyncadd.s32 $0xFFFFD800  }
0x73: {  	[hbm4b:s20+s3] =	stream.linear.scatter [tilespmem:s4], [sflag:$0x5], $0x2800, $0x38;
	[tilespmem:$0x1E580] =	vst v63  }
0x74: {  	_ =	swait.ge [sflag:s26], $0x2800  }
0x75: {  	[sflag:s26] =	ssyncset.done $0x0  }
0x76: {  	s12 =	rddreg [dreg:$0x15];
	[sflag:s26] =	ssyncadd.s32 $0xFFFFD800  }
0x77: {  	[tilespmem:s14], [sflag:$0xA] =	stream.linear.gather [spmem:s12], $0x2800, $0x38;
	[tilespmem:$0x1E580] =	vst v63  }
0x78: {  	_ =	swait.ge [sflag:s9], $0x2800  }
0x79: {  	[sflag:s9] =	ssyncset.done $0x0  }
0x7a: {  	s20 =	rddreg [dreg:$0xb];
	[sflag:s9] =	ssyncadd.s32 $0xFFFFD800  }
0x7b: {  	[hbm4b:s20+s3] =	stream.linear.scatter [tilespmem:s14], [sflag:$0x6], $0x2800, $0x38;
	[tilespmem:$0x1E580] =	vst v63  }
0x7c: {  	_ =	swait.ge [sflag:s10], $0x2800  }
0x7d: {  	[sflag:s10] =	ssyncset.done $0x0  }
0x7e: {  	s12 =	rddreg [dreg:$0x16];
	[sflag:s10] =	ssyncadd.s32 $0xFFFFD800  }
0x7f: {  	[tilespmem:s4], [sflag:$0xA] =	stream.linear.gather [spmem:s12], $0x2800, $0x38;
	[tilespmem:$0x1E580] =	vst v63  }
0x80: {  	_ =	swait.ge [sflag:s9], $0x2800  }
0x81: {  	[sflag:s9] =	ssyncset.done $0x0  }
0x82: {  	s20 =	rddreg [dreg:$0xc];
	[sflag:s9] =	ssyncadd.s32 $0xFFFFD800  }
0x83: {  	[hbm4b:s20+s3] =	stream.linear.scatter [tilespmem:s4], [sflag:$0x5], $0x2800, $0x38;
	[tilespmem:$0x1E580] =	vst v63  }
0x84: {  	_ =	swait.ge [sflag:s26], $0x2800  }
0x85: {  	[sflag:s26] =	ssyncset.done $0x0  }
0x86: {  	s6 =	simm.s32 @!p1 $0x17D80;
	s9 =	rddreg [dreg:$0x17];
	[sflag:s26] =	ssyncadd.s32 $0xFFFFD800  }
0x87: {  	[tilespmem:s6], [sflag:$0xA] =	stream.linear.gather @!p1 [spmem:s9], $0x2800, $0x38;
	[tilespmem:$0x1E580] =	vst v63  }
0x88: {  	s9 =	simm.s32 @!p1 $0xA  }
0x89: {  	_ =	swait.ge @!p1 [sflag:s9], $0x2800  }
0x8a: {  	[sflag:s9] =	ssyncset.done @!p1 $0x0  }
0x8b: {  	s20 =	rddreg [dreg:$0xd];
	[sflag:s9] =	ssyncadd.s32 @!p1 $0xFFFFD800;
	s9 =	simm.s32 @!p1 $0x0  }
0x8c: {  	[hbm4b:s20+s9] =	stream.linear.scatter @!p1 [tilespmem:s6], [sflag:$0x6], $0x2800, $0x38;
	[tilespmem:$0x1E580] =	vst v63  }
0x8d: {  	s6 =	simm.s32 @!p1 $0x5  }
0x8e: {  	_ =	swait.ge @!p1 [sflag:s6], $0x2800  }
0x8f: {  	s9 =	simm.s32 @!p1 $0x6;
	[sflag:s6] =	ssyncset.done @!p1 $0x0  }
0x90: {  	s9 =	simm.s32 @p1 $0x5;
	[sflag:s6] =	ssyncadd.s32 @!p1 $0xFFFFD800  }
0x91: {  	_ =	swait.ge [sflag:s9], $0x2800  }
0x92: {  	s6 =	rddreg [dreg:$0x1a]  }
0x93: {  	s12 =	rddreg [dreg:$0x18];
	s20 =	sadd.s32 $0x1, s6  }
0x94: {  	p3 =	sne.s32 s20, s12  }
.Ltmp1:
0x95: {  	_ = 	snop;
	(pc) =	sbr.rel @!p3 .LBB2_7-.Ltmp1, $3  }
0x96: {  	_ =	sdelay $0x1  }
0x97: {  	[sflag:s9] =	ssyncset.done $0x0  }
0x98: {  	[sflag:s9] =	ssyncadd.s32 $0xFFFFD800  }
.LBB2_1:
0x99: {  	[dreg:$0x1a] =	wrdreg s20  }
0x9a: {  	s6 =	rddreg [dreg:$0x5]  }
0x9b: {  	[tilespmem:s28], [sflag:$0x1] =	stream.linear.gather [hbm4b:s6+s3], $0x100, $0x38;
	[tilespmem:$0x1E580] =	vst v63  }
0x9c: {  	s12 =	rddreg [dreg:$0xe]  }
0x9d: {  	[tilespmem:s29], [sflag:$0x2] =	stream.linear.gather [hbm4b:s12+s3], $0x100, $0x38;
	[tilespmem:$0x1E580] =	vst v63  }
0x9e: {  	s20 =	rddreg [dreg:$0xf];
	s9 =	simm.s32 $0x200;
	s6 =	simm.s32 $0x0  }
0x9f: {  	[tilespmem:s30], [sflag:$0x3] =	stream.linear.gather [hbm4b:s20+s3], $0x100, $0x38;
	[tilespmem:$0x1E580] =	vst v63  }
.LBB2_2:
0xa0: {  	p3 =	sne.s32 s9, $0x9E00;
	[tilespmem:s6+$0x1BDF0] =	vst v0  }
0xa1: {  	[tilespmem:s6+$0x1BD80] =	vst v0  }
0xa2: {  	[tilespmem:s6+$0x1BD90] =	vst v0  }
.Ltmp2:
0xa3: {  	[tilespmem:s6+$0x1BDA0] =	vst v0;
	(pc) =	sbr.rel @p3 .LBB2_2-.Ltmp2, $4  }
0xa4: {  	[tilespmem:s6+$0x1BDB0] =	vst v0  }
0xa5: {  	[tilespmem:s6+$0x1BDC0] =	vst v0  }
0xa6: {  	[tilespmem:s6+$0x1BDD0] =	vst v0  }
0xa7: {  	[tilespmem:s6+$0x1BDE0] =	vst v0;
	s6 =	sshra.s32 s9, $0x2;
	s9 =	sadd.s32 $0x200, s9  }
0xa8: {  	[tilespmem:s6+$0x1BDF0] =	vst v0  }
0xa9: {  	[tilespmem:s6+$0x1BD80] =	vst v0  }
0xaa: {  	[tilespmem:s6+$0x1BD90] =	vst v0  }
0xab: {  	[tilespmem:s6+$0x1BDA0] =	vst v0  }
0xac: {  	[tilespmem:s6+$0x1BDB0] =	vst v0  }
0xad: {  	[tilespmem:s6+$0x1BDC0] =	vst v0  }
0xae: {  	[tilespmem:s6+$0x1BDD0] =	vst v0  }
0xaf: {  	[tilespmem:s6+$0x1BDE0] =	vst v0  }
0xb0: {  	_ =	swait.ge [sflag:s31], $0x100  }
0xb1: {  	[sflag:s31] =	ssyncset.done $0x0  }
0xb2: {  	[sflag:s31] =	ssyncadd.s32 $0xFFFFFF00  }
0xb3: {  	[tilespmem:s4], [sflag:$0x5] =	stream.indirect.gather [hbm4b:s1+s0], $0x80, s28, s0, $0xb8;
	[tilespmem:$0x1E580] =	vst v63  }
0xb4: {  	s9 =	simm.s32 $0x138C0  }
0xb5: {  	[tilespmem:s7], [sflag:$0x5] =	stream.indirect.gather [hbm4b:s1+s0], $0x80, s9, s0, $0xb8;
	[tilespmem:$0x1E580] =	vst v63  }
0xb6: {  	s12 =	rddreg [dreg:$0x10];
	s9 =	simm.s32 $0x1BD80  }
0xb7: {  	[spmem:s12] =	stream.linear.scatter [tilespmem:s9], [sflag:$0x9], $0x2800, $0x38;
	[tilespmem:$0x1E580] =	vst v63  }
0xb8: {  	s20 =	rddreg [dreg:$0x11]  }
0xb9: {  	[spmem:s20] =	stream.linear.scatter [tilespmem:s9], [sflag:$0x9], $0x2800, $0x38;
	[tilespmem:$0x1E580] =	vst v63  }
0xba: {  	s12 =	rddreg [dreg:$0x12]  }
0xbb: {  	[spmem:s12] =	stream.linear.scatter [tilespmem:s9], [sflag:$0x9], $0x2800, $0x38;
	[tilespmem:$0x1E580] =	vst v63  }
0xbc: {  	s20 =	rddreg [dreg:$0x13]  }
0xbd: {  	[spmem:s20] =	stream.linear.scatter [tilespmem:s9], [sflag:$0x9], $0x2800, $0x38;
	[tilespmem:$0x1E580] =	vst v63  }
0xbe: {  	s12 =	rddreg [dreg:$0x14]  }
0xbf: {  	[spmem:s12] =	stream.linear.scatter [tilespmem:s9], [sflag:$0x9], $0x2800, $0x38;
	[tilespmem:$0x1E580] =	vst v63  }
0xc0: {  	s20 =	rddreg [dreg:$0x15]  }
0xc1: {  	[spmem:s20] =	stream.linear.scatter [tilespmem:s9], [sflag:$0x9], $0x2800, $0x38;
	[tilespmem:$0x1E580] =	vst v63  }
0xc2: {  	s12 =	rddreg [dreg:$0x16]  }
0xc3: {  	[spmem:s12] =	stream.linear.scatter [tilespmem:s9], [sflag:$0x9], $0x2800, $0x38;
	[tilespmem:$0x1E580] =	vst v63  }
0xc4: {  	s6 =	simm.s32 @!p1 $0x1BD80;
	s20 =	simm.s32 $0x9;
	s9 =	rddreg [dreg:$0x17]  }
0xc5: {  	[spmem:s9] =	stream.linear.scatter @!p1 [tilespmem:s6], [sflag:$0x9], $0x2800, $0x38;
	[tilespmem:$0x1E580] =	vst v63  }
0xc6: {  	_ =	swait.ge [sflag:s20], $0x2800  }
0xc7: {  	[sflag:s20] =	ssyncset.done $0x0  }
0xc8: {  	[sflag:s20] =	ssyncadd.s32 $0xFFFFD800  }
0xc9: {  	_ =	swait.ge [sflag:s20], $0x2800  }
0xca: {  	[sflag:s20] =	ssyncset.done $0x0  }
0xcb: {  	[sflag:s20] =	ssyncadd.s32 $0xFFFFD800  }
0xcc: {  	_ =	swait.ge [sflag:s20], $0x2800  }
0xcd: {  	[sflag:s20] =	ssyncset.done $0x0  }
0xce: {  	[sflag:s20] =	ssyncadd.s32 $0xFFFFD800  }
0xcf: {  	_ =	swait.ge [sflag:s20], $0x2800  }
0xd0: {  	[sflag:s20] =	ssyncset.done $0x0  }
0xd1: {  	[sflag:s20] =	ssyncadd.s32 $0xFFFFD800  }
0xd2: {  	_ =	swait.ge [sflag:s20], $0x2800  }
0xd3: {  	[sflag:s20] =	ssyncset.done $0x0  }
0xd4: {  	[sflag:s20] =	ssyncadd.s32 $0xFFFFD800  }
0xd5: {  	_ =	swait.ge [sflag:s20], $0x2800  }
0xd6: {  	[sflag:s20] =	ssyncset.done $0x0  }
0xd7: {  	[sflag:s20] =	ssyncadd.s32 $0xFFFFD800  }
0xd8: {  	_ =	swait.ge [sflag:s20], $0x2800  }
0xd9: {  	[sflag:s20] =	ssyncset.done $0x0  }
0xda: {  	s6 =	simm.s32 @p0 $0x9;
	[sflag:s20] =	ssyncadd.s32 $0xFFFFD800  }
0xdb: {  	_ =	swait.ge @p0 [sflag:s6], $0x2800  }
0xdc: {  	[sflag:s6] =	ssyncset.done @p0 $0x0  }
0xdd: {  	[sflag:s6] =	ssyncadd.s32 @p0 $0xFFFFD800  }
0xde: {  	[bflag:$0x0] =	sbarrier.arrive @p0 $0xFFFF  }
0xdf: {  	s20 =	simm.s32 @!p2 $0x13C80;
	s6 =	simm.s32 @!p2 $0x0;
	s9 =	rddreg [dreg:$0x19]  }
0xe0: {  	[tilespmem:s20], [sflag:$0xA] =	stream.linear.gather @!p2 [hbm4b:s9+s6], $0x100, $0x38;
	[tilespmem:$0x1E580] =	vst v63  }
0xe1: {  	s6 =	simm.s32 @!p2 $0xA  }
0xe2: {  	_ =	swait.ge @!p2 [sflag:s6], $0x100  }
0xe3: {  	s12 =	simm.s32 @!p2 $0x13C80;
	[sflag:s6] =	ssyncset.done @!p2 $0x0  }
0xe4: {  	s9 =	simm.s32 @!p2 $0x40;
	s20 =	simm.s32 @!p2 $0x17D80;
	[sflag:s6] =	ssyncadd.s32 @!p2 $0xFFFFFF00  }
0xe5: {  	[tilespmem:s20], [sflag:$0x6] =	stream.indirect.gather @!p2 [hbm4b:s1+s9], $0x80, s12, s9, $0xb8;
	[tilespmem:$0x1E580] =	vst v63  }
0xe6: {  	s12 =	simm.s32 @!p2 $0x13CC0;
	s20 =	simm.s32 @!p2 $0x19D80  }
0xe7: {  	[tilespmem:s20], [sflag:$0x6] =	stream.indirect.gather @!p2 [hbm4b:s1+s9], $0x80, s12, s9, $0xb8;
	[tilespmem:$0x1E580] =	vst v63  }
0xe8: {  	s9 =	simm.s32 @!p2 $0x6  }
0xe9: {  	_ =	swait.ge @!p2 [sflag:s9], $0x2000  }
0xea: {  	[sflag:s9] =	ssyncset.done @!p2 $0x0  }
0xeb: {  	[sflag:s9] =	ssyncadd.s32 @!p2 $0xFFFFE000  }
0xec: {  	_ =	swait.ge @!p2 [sflag:s9], $0x2000  }
0xed: {  	s12 =	simm.s32 @!p2 $0x80;
	[sflag:s9] =	ssyncset.done @!p2 $0x0  }
0xee: {  	s20 =	simm.s32 @!p2 $0x13D00;
	[sflag:s9] =	ssyncadd.s32 @!p2 $0xFFFFE000;
	s9 =	simm.s32 @!p2 $0x17D80  }
0xef: {  	[spmem:s2] =	stream.indirect.scatter.add.f32 @!p2 [tilespmem:s9], [sflag:$0xA], $0x80, s20, s12, $0xb8;
	[tilespmem:$0x1E580] =	vst v63  }
0xf0: {  	_ =	swait.ge @!p2 [sflag:s6], $0x4000  }
0xf1: {  	[sflag:s6] =	ssyncset.done @!p2 $0x0  }
0xf2: {  	[sflag:s6] =	ssyncadd.s32 @!p2 $0xFFFFC000  }
0xf3: {  	s9 =	simm.s32 $0x0;
	s12 =	simm.s32 $0x13900;
	[bflag:$0x0] =	sbarrier.arrive @!p0 $0xFFFF  }
.LBB2_4:
0xf4: {  	_ =	swait.ge [sflag:s10], $0x2000  }
0xf5: {  	[sflag:s10] =	ssyncset.done $0x0  }
0xf6: {  	[sflag:s10] =	ssyncadd.s32 $0xFFFFE000  }
0xf7: {  	_ =	swait.ge [sflag:s10], $0x2000  }
0xf8: {  	[sflag:s10] =	ssyncset.done $0x0  }
0xf9: {  	[sflag:s10] =	ssyncadd.s32 $0xFFFFE000  }
0xfa: {  	[spmem:s2] =	stream.indirect.scatter.add.f32 [tilespmem:s4], [sflag:$0x7], $0x80, s12, s11, $0xb8;
	[tilespmem:$0x1E580] =	vst v63  }
0xfb: {  	_ =	swait.ge [sflag:s13], $0x100  }
0xfc: {  	p3 =	seq.s32 s9, $0x0;
	[sflag:s13] =	ssyncset.done $0x0  }
0xfd: {  	s6 =	simm.s32 @!p3 $0x8;
	[sflag:s13] =	ssyncadd.s32 $0xFFFFFF00  }
0xfe: {  	_ =	swait.ge @!p3 [sflag:s6], $0x4000  }
0xff: {  	[sflag:s6] =	ssyncset.done @!p3 $0x0  }
0x100: {  	[sflag:s6] =	ssyncadd.s32 @!p3 $0xFFFFC000  }
0x101: {  	[tilespmem:s14], [sflag:$0x6] =	stream.indirect.gather [hbm4b:s1+s0], $0x80, s29, s0, $0xb8;
	[tilespmem:$0x1E580] =	vst v63  }
0x102: {  	s6 =	sadd.s32 s9, s15  }
0x103: {  	[tilespmem:s5], [sflag:$0x6] =	stream.indirect.gather [hbm4b:s1+s0], $0x80, s16, s0, $0xb8;
	[tilespmem:$0x1E580] =	vst v63  }
0x104: {  	s20 =	sadd.s32 $0xC00, s6  }
0x105: {  	[tilespmem:s25], [sflag:$0x4] =	stream.linear.gather [hbm4b:s20+s3], $0x100, $0x38;
	[tilespmem:$0x1E580] =	vst v63  }
0x106: {  	_ =	swait.ge [sflag:s26], $0x2000  }
0x107: {  	[sflag:s26] =	ssyncset.done $0x0  }
0x108: {  	[sflag:s26] =	ssyncadd.s32 $0xFFFFE000  }
0x109: {  	_ =	swait.ge [sflag:s26], $0x2000  }
0x10a: {  	[sflag:s26] =	ssyncset.done $0x0  }
0x10b: {  	[sflag:s26] =	ssyncadd.s32 $0xFFFFE000  }
0x10c: {  	[spmem:s2] =	stream.indirect.scatter.add.f32 [tilespmem:s14], [sflag:$0x8], $0x80, s17, s11, $0xb8;
	[tilespmem:$0x1E580] =	vst v63  }
0x10d: {  	_ =	swait.ge [sflag:s18], $0x100  }
0x10e: {  	[sflag:s18] =	ssyncset.done $0x0  }
0x10f: {  	[sflag:s18] =	ssyncadd.s32 $0xFFFFFF00  }
0x110: {  	_ =	swait.ge [sflag:s19], $0x4000  }
0x111: {  	[sflag:s19] =	ssyncset.done $0x0  }
0x112: {  	[sflag:s19] =	ssyncadd.s32 $0xFFFFC000  }
0x113: {  	[tilespmem:s4], [sflag:$0x5] =	stream.indirect.gather [hbm4b:s1+s0], $0x80, s30, s0, $0xb8;
	[tilespmem:$0x1E580] =	vst v63  }
0x114: {  	s20 =	simm.s32 $0x13AC0  }
0x115: {  	[tilespmem:s7], [sflag:$0x5] =	stream.indirect.gather [hbm4b:s1+s0], $0x80, s20, s0, $0xb8;
	[tilespmem:$0x1E580] =	vst v63  }
0x116: {  	s20 =	sadd.s32 $0x1000, s6  }
0x117: {  	[tilespmem:s28], [sflag:$0x1] =	stream.linear.gather [hbm4b:s20+s3], $0x100, $0x38;
	[tilespmem:$0x1E580] =	vst v63  }
0x118: {  	_ =	swait.ge [sflag:s10], $0x2000  }
0x119: {  	[sflag:s10] =	ssyncset.done $0x0  }
0x11a: {  	[sflag:s10] =	ssyncadd.s32 $0xFFFFE000  }
0x11b: {  	_ =	swait.ge [sflag:s10], $0x2000  }
0x11c: {  	[sflag:s10] =	ssyncset.done $0x0  }
0x11d: {  	[sflag:s10] =	ssyncadd.s32 $0xFFFFE000  }
0x11e: {  	[spmem:s2] =	stream.indirect.scatter.add.f32 [tilespmem:s4], [sflag:$0x7], $0x80, s21, s11, $0xb8;
	[tilespmem:$0x1E580] =	vst v63  }
0x11f: {  	_ =	swait.ge [sflag:s22], $0x100  }
0x120: {  	[sflag:s22] =	ssyncset.done $0x0  }
0x121: {  	[sflag:s22] =	ssyncadd.s32 $0xFFFFFF00  }
0x122: {  	_ =	swait.ge [sflag:s23], $0x4000  }
0x123: {  	[sflag:s23] =	ssyncset.done $0x0  }
0x124: {  	[sflag:s23] =	ssyncadd.s32 $0xFFFFC000  }
0x125: {  	[tilespmem:s14], [sflag:$0x6] =	stream.indirect.gather [hbm4b:s1+s0], $0x80, s25, s0, $0xb8;
	[tilespmem:$0x1E580] =	vst v63  }
0x126: {  	_ = 	snop  }
0x127: {  	[tilespmem:s5], [sflag:$0x6] =	stream.indirect.gather [hbm4b:s1+s0], $0x80, s24, s0, $0xb8;
	[tilespmem:$0x1E580] =	vst v63  }
0x128: {  	s20 =	sadd.s32 $0x1400, s6  }
0x129: {  	[tilespmem:s29], [sflag:$0x2] =	stream.linear.gather [hbm4b:s20+s3], $0x100, $0x38;
	[tilespmem:$0x1E580] =	vst v63  }
0x12a: {  	_ =	swait.ge [sflag:s26], $0x2000  }
0x12b: {  	[sflag:s26] =	ssyncset.done $0x0  }
0x12c: {  	[sflag:s26] =	ssyncadd.s32 $0xFFFFE000  }
0x12d: {  	_ =	swait.ge [sflag:s26], $0x2000  }
0x12e: {  	[sflag:s26] =	ssyncset.done $0x0  }
0x12f: {  	[sflag:s26] =	ssyncadd.s32 $0xFFFFE000  }
0x130: {  	[spmem:s2] =	stream.indirect.scatter.add.f32 [tilespmem:s14], [sflag:$0x8], $0x80, s8, s11, $0xb8;
	[tilespmem:$0x1E580] =	vst v63  }
0x131: {  	_ =	swait.ge [sflag:s31], $0x100  }
0x132: {  	[sflag:s31] =	ssyncset.done $0x0  }
0x133: {  	[sflag:s31] =	ssyncadd.s32 $0xFFFFFF00  }
0x134: {  	p3 =	seq.s32 s9, $0x12000;
	_ =	swait.ge [sflag:s19], $0x4000  }
.Ltmp3:
0x135: {  	[sflag:s19] =	ssyncset.done $0x0;
	(pc) =	sbr.rel @p3 .LBB2_6-.Ltmp3, $4  }
0x136: {  	[sflag:s19] =	ssyncadd.s32 $0xFFFFC000  }
0x137: {  	[tilespmem:s4], [sflag:$0x5] =	stream.indirect.gather [hbm4b:s1+s0], $0x80, s28, s0, $0xb8;
	[tilespmem:$0x1E580] =	vst v63  }
0x138: {  	s20 =	simm.s32 $0x138C0  }
0x139: {  	[tilespmem:s7], [sflag:$0x5] =	stream.indirect.gather [hbm4b:s1+s0], $0x80, s20, s0, $0xb8;
	[tilespmem:$0x1E580] =	vst v63  }
.Ltmp4:
0x13a: {  	(pc) =	sbr.rel .LBB2_4-.Ltmp4, $3  }
0x13b: {  	_ =	sdelay $0x1  }
0x13c: {  	s6 =	sadd.s32 $0x1800, s6;
	s9 =	sadd.s32 $0x1000, s9  }
0x13d: {  	[tilespmem:s30], [sflag:$0x3] =	stream.linear.gather [hbm4b:s6+s3], $0x100, $0x38;
	[tilespmem:$0x1E580] =	vst v63  }
.LBB2_7:
0x13e: {  	_ =	sfence.sel $0x180000  }
0x13f: {  	[bflag:$0x0] =	sbarrier.arrive $0xFFFF  }
0x140: {  	_ =	strace $0x90000047  }
0x141: {  	s0 =	stileid.u32;
	[bflag:$0x2] =	sbarrier.arrive $0xFFFF  }
0x142: {  	p0 =	sne.s32 s0, $0x0;
	s0 =	rddreg [dreg:$0x4]  }
0x143: {  	s0 =	sadd.s32 @!p0 $0x100000, s0  }
0x144: {  	[sflag:s0] =	ssyncadd.tile.s32 @!p0 $0x1;
	_ =	shalt  }
.Lfunc_end2:
_tile_overlayer_lowered:
.L_overlay_start_2:
0x145: {  	(tag) =	ssettag $0x2  }
0x146: {  	s0 =	rddreg [dreg:$0x0];
	s2 =	stileid.u32  }
0x147: {  	s1 =	rddreg [dreg:$0x1];
	p0 =	sne.s32 s2, $0x0  }
0x148: {  	s3 =	rddreg [dreg:$0x2];
	[bflag:$0x3] =	sbarrier.arrive $0xFFFF;
	s2 =	simm.s32 @!p0 $0x1C0A  }
0x149: {  	[timem:s3], [sflag:s2] =	dma.local @!p0 [hbm:s0], s1  }
0x14a: {  	s0 =	simm.s32 @!p0 $0xA  }
0x14b: {  	_ =	swait.ge @!p0 [sflag:s0], s1  }
0x14c: {  	s1 =	ssub.s32 @!p0 $0x0, s1;
	[sflag:s0] =	ssyncset.done @!p0 $0x0  }
0x14d: {  	[sflag:s0] =	ssyncadd.s32 @!p0 s1  }
0x14e: {  	[bflag:$0x3] =	sbarrier.arrive $0xFFFF  }
0x14f: {  	_ =	shalt  }

</sc_bundles>
